<compile_context>
chip_gen: v7x
topology: tpu7x:2x2x1
jax: 0.10.2.dev20260603
libtpu: 0.0.44.dev20260713+nightly
codegen_flags: <defaults>
</compile_context>

<pallas_src>
import functools

import jax
import jax.numpy as jnp
from jax import lax
from jax.experimental import pallas as pl
from jax.experimental.pallas import tpu as pltpu
from jax.experimental.pallas import tpu_sc as plsc

N = 10000
NPAD = 10240
E = 320000
K = 128
NC = 2
NS = 16
W_TOT = 2560
E_PAD = W_TOT * K
WPT = W_TOT // (NC * NS)
NFEAT = 128
NHID = 256
NCLS = 16
DEG_T = 10240
RPT = NPAD // NS

_MESH = dict(core_axis_name="c", subcore_axis_name="s")


@functools.partial(
    pl.kernel,
    out_type=jax.ShapeDtypeStruct((4 * N,), jnp.float32),
    mesh=plsc.VectorSubcoreMesh(**_MESH),
    compiler_params=pltpu.CompilerParams(use_tc_tiling_on_sc=False),
    scratch_types=[
        pltpu.VMEM((WPT, K), jnp.int32),
        pltpu.VMEM((WPT, K), jnp.int32),
        pltpu.VMEM((K,), jnp.float32),
        pltpu.VMEM((640,), jnp.float32),
        pltpu.VMEM((1000,), jnp.float32),
        pltpu.VMEM_SHARED((DEG_T,), jnp.float32),
        pltpu.VMEM_SHARED((DEG_T,), jnp.float32),
        pltpu.SemaphoreType.DMA,
    ],
)
def _deg_kernel(src_hbm, dst_hbm, out_hbm, src_v, dst_v, ones_v, z_v,
                stage_v, odeg_sh, ideg_sh, dsem):
    c = lax.axis_index("c")
    s = lax.axis_index("s")
    wid = c * NS + s

    def fill_ones(i, _):
        ones_v[pl.ds(i * 16, 16)] = jnp.full((16,), 1.0, jnp.float32)
        return 0

    lax.fori_loop(0, K // 16, fill_ones, 0)

    def fill_z(i, _):
        z_v[pl.ds(i * 16, 16)] = jnp.zeros((16,), jnp.float32)
        return 0

    lax.fori_loop(0, 640 // 16, fill_z, 0)

    pltpu.sync_copy(z_v, odeg_sh.at[pl.ds(s * 640, 640)])
    pltpu.sync_copy(z_v, ideg_sh.at[pl.ds(s * 640, 640)])
    pltpu.sync_copy(src_hbm.at[pl.ds(wid * WPT, WPT)], src_v)
    pltpu.sync_copy(dst_hbm.at[pl.ds(wid * WPT, WPT)], dst_v)
    plsc.subcore_barrier()

    def win(i, _):
        pltpu.async_copy(ones_v, odeg_sh.at[src_v.at[i]], dsem, add=True)
        pltpu.async_copy(ones_v, ideg_sh.at[dst_v.at[i]], dsem, add=True)
        return 0

    lax.fori_loop(0, WPT, win, 0)

    def drain(i, _):
        pltpu.make_async_copy(ones_v, odeg_sh.at[src_v.at[i]], dsem).wait()
        pltpu.make_async_copy(ones_v, ideg_sh.at[dst_v.at[i]], dsem).wait()
        return 0

    lax.fori_loop(0, WPT, drain, 0)
    plsc.subcore_barrier()

    @pl.when(s < 10)
    def _():
        base = s * 1000
        pltpu.sync_copy(odeg_sh.at[pl.ds(base, 1000)], stage_v)
        pltpu.sync_copy(stage_v,
                        out_hbm.at[pl.ds((2 * c + 0) * N + base, 1000)])
        pltpu.sync_copy(ideg_sh.at[pl.ds(base, 1000)], stage_v)
        pltpu.sync_copy(stage_v,
                        out_hbm.at[pl.ds((2 * c + 1) * N + base, 1000)])


RING = 6
PREF = 3


def _ring_pipeline(tab_hbm, src_v, dst_v, rows_v, acc_sh, gsem, ssem, nwin,
                   ring, pref, w0=0):
    for k in range(pref):
        pltpu.async_copy(tab_hbm.at[src_v.at[w0 + k]], rows_v.at[k],
                         gsem.at[k])

    def win(j, _):
        i = w0 + j
        bn = lax.rem(j + pref, ring)

        @pl.when(j + pref < nwin)
        def _():
            @pl.when(j >= ring - pref)
            def _():
                pltpu.make_async_copy(rows_v.at[bn],
                                      acc_sh.at[dst_v.at[i - ring + pref]],
                                      ssem.at[bn]).wait()

            pltpu.async_copy(tab_hbm.at[src_v.at[i + pref]], rows_v.at[bn],
                             gsem.at[bn])

        b = lax.rem(j, ring)
        pltpu.make_async_copy(tab_hbm.at[src_v.at[i]], rows_v.at[b],
                              gsem.at[b]).wait()
        pltpu.async_copy(rows_v.at[b], acc_sh.at[dst_v.at[i]],
                         ssem.at[b], add=True)
        return 0

    lax.fori_loop(0, nwin, win, 0)
    for k in range(ring):
        w = w0 + nwin - ring + k
        pltpu.make_async_copy(rows_v.at[(w - w0) % ring],
                              acc_sh.at[dst_v.at[w]],
                              ssem.at[(w - w0) % ring]).wait()


def _zero_acc(rows_v, acc_sh, s, D):
    def zrow(i, _):
        for j in range(D // 16):
            rows_v[0, i, pl.ds(j * 16, 16)] = jnp.zeros((16,), jnp.float32)
        return 0

    lax.fori_loop(0, K, zrow, 0)
    for r in range(RPT // K):
        pltpu.sync_copy(rows_v.at[0], acc_sh.at[pl.ds(s * RPT + r * K, K)])


DHALF = NFEAT // 2
WPH = WPT // 2


@functools.partial(
    pl.kernel,
    out_type=jax.ShapeDtypeStruct((2 * NPAD, NFEAT), jnp.float32),
    mesh=plsc.VectorSubcoreMesh(**_MESH),
    scratch_types=[
        pltpu.VMEM((WPH, K), jnp.int32),
        pltpu.VMEM((WPH, K), jnp.int32),
        pltpu.VMEM((2, K, NFEAT), jnp.float32),
        pltpu.VMEM_SHARED((NPAD, NFEAT), jnp.float32),
        pltpu.SemaphoreType.DMA((2,)),
        pltpu.SemaphoreType.DMA((2,)),
    ],
)
def _agg128(tab_hbm, src_hbm, dst_hbm, out_hbm,
            src_v, dst_v, rows_v, acc_sh, gsem, ssem):
    c = lax.axis_index("c")
    s = lax.axis_index("s")
    wid = c * NS + s

    _zero_acc(rows_v, acc_sh, s, NFEAT)
    plsc.subcore_barrier()

    for ph in range(2):
        base_w = wid * WPT + ph * WPH
        pltpu.sync_copy(src_hbm.at[pl.ds(base_w, WPH)], src_v)
        pltpu.sync_copy(dst_hbm.at[pl.ds(base_w, WPH)], dst_v)
        _ring_pipeline(tab_hbm, src_v, dst_v, rows_v, acc_sh, gsem, ssem,
                       WPH, ring=2, pref=1)

    plsc.subcore_barrier()
    for r in range(RPT // K):
        pltpu.sync_copy(acc_sh.at[pl.ds(s * RPT + r * K, K)], rows_v.at[0])
        pltpu.sync_copy(rows_v.at[0],
                        out_hbm.at[pl.ds(c * NPAD + s * RPT + r * K, K)])


@functools.partial(
    pl.kernel,
    out_type=jax.ShapeDtypeStruct((2 * NPAD, NCLS), jnp.float32),
    mesh=plsc.VectorSubcoreMesh(**_MESH),
    compiler_params=pltpu.CompilerParams(use_tc_tiling_on_sc=False),
    scratch_types=[
        pltpu.VMEM((WPT, K), jnp.int32),
        pltpu.VMEM((WPT, K), jnp.int32),
        pltpu.VMEM((RING, K, NCLS), jnp.float32),
        pltpu.VMEM_SHARED((NPAD, NCLS), jnp.float32),
        pltpu.SemaphoreType.DMA((RING,)),
        pltpu.SemaphoreType.DMA((RING,)),
    ],
)
def _agg16(tab_hbm, src_hbm, dst_hbm, out_hbm,
           src_v, dst_v, rows_v, acc_sh, gsem, ssem):
    c = lax.axis_index("c")
    s = lax.axis_index("s")
    wid = c * NS + s

    _zero_acc(rows_v, acc_sh, s, NCLS)
    pltpu.sync_copy(src_hbm.at[pl.ds(wid * WPT, WPT)], src_v)
    pltpu.sync_copy(dst_hbm.at[pl.ds(wid * WPT, WPT)], dst_v)
    plsc.subcore_barrier()

    _ring_pipeline(tab_hbm, src_v, dst_v, rows_v, acc_sh, gsem, ssem, WPT,
                   ring=RING, pref=PREF)

    plsc.subcore_barrier()
    for r in range(RPT // K):
        pltpu.sync_copy(acc_sh.at[pl.ds(s * RPT + r * K, K)], rows_v.at[0])
        pltpu.sync_copy(rows_v.at[0],
                        out_hbm.at[pl.ds(c * NPAD + s * RPT + r * K, K)])


def _prep_body(x_ref, degt_ref, out_ref):
    od = degt_ref[:, 0:1] + degt_ref[:, 2:3]
    ns = lax.rsqrt(jnp.maximum(od, 1.0))
    out_ref[0:N, :] = x_ref[...] * ns
    out_ref[N:NPAD, :] = jnp.zeros((NPAD - N, NFEAT), jnp.float32)


def _mid_body(aggp_ref, degt_ref, w1_ref, b1_ref, w2_ref, wfc_ref, out_ref):
    agg1 = aggp_ref[0:N, :] + aggp_ref[NPAD:NPAD + N, :]
    ind = degt_ref[:, 1:2] + degt_ref[:, 3:4]
    od = degt_ref[:, 0:1] + degt_ref[:, 2:3]
    nd = lax.rsqrt(jnp.maximum(ind, 1.0))
    ns = lax.rsqrt(jnp.maximum(od, 1.0))
    h1 = jnp.dot(agg1 * nd, w1_ref[...], preferred_element_type=jnp.float32)
    h1 = jnp.maximum(h1 + b1_ref[...], 0.0)
    w2f = jnp.dot(w2_ref[...], wfc_ref[...], preferred_element_type=jnp.float32)
    g = jnp.dot(h1 * ns, w2f, preferred_element_type=jnp.float32)
    out_ref[0:N, :] = g
    out_ref[N:NPAD, :] = jnp.zeros((NPAD - N, NCLS), jnp.float32)


def _fin_body(agg2_ref, degt_ref, b2_ref, wfc_ref, bfc_ref, out_ref):
    agg2 = agg2_ref[0:N, :] + agg2_ref[NPAD:NPAD + N, :]
    ind = degt_ref[:, 1:2] + degt_ref[:, 3:4]
    nd = lax.rsqrt(jnp.maximum(ind, 1.0))
    bf = jnp.dot(b2_ref[...].reshape(1, NHID), wfc_ref[...],
                 preferred_element_type=jnp.float32)
    out_ref[...] = agg2 * nd + bf + bfc_ref[...].reshape(1, NCLS)


def kernel(edge_index, x, W1, b1, W2, b2, Wfc, bfc):
    ei = edge_index.astype(jnp.int32)
    pad = (jnp.arange(E_PAD - E, dtype=jnp.int32) % (NPAD - N)) + N
    src = jnp.concatenate([ei[0], pad]).reshape(W_TOT, K)
    dst = jnp.concatenate([ei[1], pad]).reshape(W_TOT, K)

    degs = _deg_kernel(src, dst)
    degt = jnp.transpose(degs.reshape(4, N))

    h = pl.pallas_call(
        _prep_body,
        out_shape=jax.ShapeDtypeStruct((NPAD, NFEAT), jnp.float32),
    )(x, degt)

    aggp = _agg128(h, src, dst)

    g = pl.pallas_call(
        _mid_body,
        out_shape=jax.ShapeDtypeStruct((NPAD, NCLS), jnp.float32),
    )(aggp, degt, W1, b1, W2, Wfc)

    agg2 = _agg16(g, src, dst)

    out = pl.pallas_call(
        _fin_body,
        out_shape=jax.ShapeDtypeStruct((N, NCLS), jnp.float32),
    )(agg2, degt, b2, Wfc, bfc)
    return out

# --- scband reference (transcript-rebuilt; emitter-appended) ---
"""Pipeline reference for scband-gcn-36292473651950 (READ-ONLY COPY).

The authoritative reference and input builder live on the scoring server;
editing this copy changes nothing except your own understanding.
"""

import jax, jax.numpy as jnp
import numpy as np

N_NODES = 10000
N_EDGES = 320000
NFEAT = 128
NHID = 256
NCLASS = 16


def setup_inputs(seed: int = 0) -> dict:
    key = jax.random.key(seed)
    k1, k2, k3, k4, k5, k6, k7, k8 = jax.random.split(key, 8)
    x = jax.random.normal(k1, (N_NODES, NFEAT), dtype=jnp.float32)
    edge_index = jax.random.randint(k2, (2, N_EDGES), 0, N_NODES, dtype=jnp.int64)
    # GraphConv weights (glorot-like scale)
    W1 = jax.random.normal(k3, (NFEAT, NHID), dtype=jnp.float32) * (1.0 / np.sqrt(NFEAT))
    b1 = jnp.zeros((NHID,), dtype=jnp.float32)
    W2 = jax.random.normal(k4, (NHID, NHID), dtype=jnp.float32) * (1.0 / np.sqrt(NHID))
    b2 = jnp.zeros((NHID,), dtype=jnp.float32)
    Wfc = jax.random.normal(k5, (NHID, NCLASS), dtype=jnp.float32) * (1.0 / np.sqrt(NHID))
    bfc = jnp.zeros((NCLASS,), dtype=jnp.float32)
    return {"edge_index": edge_index, "x": x, "W1": W1, "b1": b1, "W2": W2, "b2": b2, "Wfc": Wfc, "bfc": bfc}


def _graph_conv(x, src, dst, W, b, n_nodes):
    # DGL GraphConv with norm='both': h = D_out^{-1/2} A D_in^{-1/2} ... applied as
    # h_src = x * out_deg(src)^{-1/2}; aggregate src->dst; h_dst *= in_deg(dst)^{-1/2}; then linear.
    ones = jnp.ones((src.shape[0],), dtype=x.dtype)
    out_deg = jnp.zeros((n_nodes,), dtype=x.dtype).at[src].add(ones)
    in_deg = jnp.zeros((n_nodes,), dtype=x.dtype).at[dst].add(ones)
    norm_s = jax.lax.rsqrt(jnp.clip(out_deg, 1.0, None))
    norm_d = jax.lax.rsqrt(jnp.clip(in_deg, 1.0, None))
    h = x * norm_s[:, None]
    msg = jnp.take(h, src, axis=0)
    agg = jnp.zeros((n_nodes, x.shape[1]), dtype=x.dtype).at[dst].add(msg)
    agg = agg * norm_d[:, None]
    return agg @ W + b


def reference(edge_index, x, W1, b1, W2, b2, Wfc, bfc):
    src = edge_index[0]
    dst = edge_index[1]
    n = x.shape[0]
    h = _graph_conv(x, src, dst, W1, b1, n)
    h = jax.nn.relu(h)
    # dropout is identity in eval mode
    h = _graph_conv(h, src, dst, W2, b2, n)
    out = h @ Wfc + bfc
    return out

if __name__ == "__main__":
    import jax
    _d = setup_inputs()
    print(jax.jit(kernel)(*tuple(_d.values())))

</pallas_src>

<mosaic_0001>
#map = affine_map<(d0, d1) -> (0, 0)>
#map1 = affine_map<(d0, d1) -> (0)>
module attributes {stable_mosaic.version = 14 : i64} {
  func.func @_deg_kernel(%arg0: i32, %arg1: i32, %arg2: memref<2560x128xi32, #tpu.memory_space<hbm>>, %arg3: memref<2560x128xi32, #tpu.memory_space<hbm>>, %arg4: memref<40000xf32, #tpu.memory_space<hbm>>, %arg5: memref<80x128xi32, #tpu.memory_space<vmem>>, %arg6: memref<80x128xi32, #tpu.memory_space<vmem>>, %arg7: memref<128xf32, #tpu.memory_space<vmem>>, %arg8: memref<640xf32, #tpu.memory_space<vmem>>, %arg9: memref<1000xf32, #tpu.memory_space<vmem>>, %arg10: memref<10240xf32, #tpu.memory_space<vmem_shared>>, %arg11: memref<10240xf32, #tpu.memory_space<vmem_shared>>, %arg12: memref<!tpu.dma_semaphore, #tpu.memory_space<semaphore_mem>>) attributes {dimension_semantics = [#tpu.dimension_semantics<core_parallel>, #tpu.dimension_semantics<subcore_parallel>], iteration_bounds = array<i64: 2, 16>, scalar_prefetch = 0 : i64, scratch_operands = 8 : i64, tpu.core_type = #tpu.core_type<sc_vector_subcore>, window_params = [{transform_indices = #map}, {transform_indices = #map}, {transform_indices = #map1}]} {
    %mul3A = arith.constant 16 : i32
    %mul3A_0 = arith.muli %arg0, %mul3A : i32
    %add3A = arith.addi %mul3A_0, %arg1 : i32
    %scan3A = arith.constant 0 : i32
    %scan3A_1 = arith.constant 0 : i32
    %scan3A_2 = arith.constant 8 : i32
    %scan3A_3 = arith.addi %scan3A_1, %scan3A_2 : i32
    %scan3A_4 = arith.constant 1 : i32
    %scan3A_5 = scf.for %scan3A_39 = %scan3A_1 to %scan3A_3 step %scan3A_4 iter_args(%scan3A_40 = %scan3A) -> (i32)  : i32 {
      %broadcast_in_dim3A = arith.constant 1.000000e+00 : f32
      %broadcast_in_dim3A_41 = vector.broadcast %broadcast_in_dim3A : f32 to vector<16xf32>
      %mul3A_42 = arith.constant 16 : i32
      %mul3A_43 = arith.muli %scan3A_39, %mul3A_42 : i32
      %swap3A = arith.index_cast %mul3A_43 : i32 to index
      %swap3A_44 = tpu.vector_load %arg7[%swap3A] {strides = array<i32>} : memref<128xf32, #tpu.memory_space<vmem>>, vector<16xf32>,
      %swap3A_45 = vector.shape_cast %swap3A_44 : vector<16xf32> to vector<16xf32>
      %swap3A_46 = vector.shape_cast %broadcast_in_dim3A_41 : vector<16xf32> to vector<16xf32>
      tpu.vector_store %arg7[%swap3A], %swap3A_46 {strides = array<i32>} : memref<128xf32, #tpu.memory_space<vmem>>, vector<16xf32>,
      %scan3A_47 = arith.constant 0 : i32
      scf.yield %scan3A_47 : i32
    }
    %scan3A_6 = arith.constant 8 : i32
    %scan3A_7 = arith.constant 0 : i32
    %scan3A_8 = arith.constant 0 : i32
    %scan3A_9 = arith.constant 40 : i32
    %scan3A_10 = arith.addi %scan3A_8, %scan3A_9 : i32
    %scan3A_11 = arith.constant 1 : i32
    %scan3A_12 = scf.for %scan3A_39 = %scan3A_8 to %scan3A_10 step %scan3A_11 iter_args(%scan3A_40 = %scan3A_7) -> (i32)  : i32 {
      %broadcast_in_dim3A = arith.constant 0.000000e+00 : f32
      %broadcast_in_dim3A_41 = vector.broadcast %broadcast_in_dim3A : f32 to vector<16xf32>
      %mul3A_42 = arith.constant 16 : i32
      %mul3A_43 = arith.muli %scan3A_39, %mul3A_42 : i32
      %swap3A = arith.index_cast %mul3A_43 : i32 to index
      %swap3A_44 = tpu.vector_load %arg8[%swap3A] {strides = array<i32>} : memref<640xf32, #tpu.memory_space<vmem>>, vector<16xf32>,
      %swap3A_45 = vector.shape_cast %swap3A_44 : vector<16xf32> to vector<16xf32>
      %swap3A_46 = vector.shape_cast %broadcast_in_dim3A_41 : vector<16xf32> to vector<16xf32>
      tpu.vector_store %arg8[%swap3A], %swap3A_46 {strides = array<i32>} : memref<640xf32, #tpu.memory_space<vmem>>, vector<16xf32>,
      %scan3A_47 = arith.constant 0 : i32
      scf.yield %scan3A_47 : i32
    }
    %scan3A_13 = arith.constant 40 : i32
    %mul3A_14 = arith.constant 640 : i32
    %mul3A_15 = arith.muli %arg1, %mul3A_14 : i32
    "tpu.region"() ({
      %run_scoped3A = tpu.sem_alloc : memref<!tpu.dma_semaphore, #tpu.memory_space<semaphore_mem>>
      %dma_start3A = tpu.memref_slice %arg10[%mul3A_15] : memref<10240xf32, #tpu.memory_space<vmem_shared>> -> memref<640xf32, #tpu.memory_space<vmem_shared>>
      %dma_start3A_39 = tpu.memref_slice %arg10[%mul3A_15] : memref<10240xf32, #tpu.memory_space<vmem_shared>> -> memref<640xf32, #tpu.memory_space<vmem_shared>>
      tpu.enqueue_dma source(%arg8 : memref<640xf32, #tpu.memory_space<vmem>>) target(%dma_start3A_39 : memref<640xf32, #tpu.memory_space<vmem_shared>>) target_semaphore(%run_scoped3A : memref<!tpu.dma_semaphore, #tpu.memory_space<semaphore_mem>>)
      %dma_wait3A = tpu.memref_slice %arg10[%mul3A_15] : memref<10240xf32, #tpu.memory_space<vmem_shared>> -> memref<640xf32, #tpu.memory_space<vmem_shared>>
      %dma_wait3A_40 = tpu.memref_slice %arg10[%mul3A_15] : memref<10240xf32, #tpu.memory_space<vmem_shared>> -> memref<640xf32, #tpu.memory_space<vmem_shared>>
      tpu.wait_dma2 semaphore(%run_scoped3A : memref<!tpu.dma_semaphore, #tpu.memory_space<semaphore_mem>>) src(%arg8 : memref<640xf32, #tpu.memory_space<vmem>>) dst(%dma_wait3A_40 : memref<640xf32, #tpu.memory_space<vmem_shared>>)
      tpu.yield
    }) : () -> ()
    %mul3A_16 = arith.constant 640 : i32
    %mul3A_17 = arith.muli %arg1, %mul3A_16 : i32
    "tpu.region"() ({
      %run_scoped3A = tpu.sem_alloc : memref<!tpu.dma_semaphore, #tpu.memory_space<semaphore_mem>>
      %dma_start3A = tpu.memref_slice %arg11[%mul3A_17] : memref<10240xf32, #tpu.memory_space<vmem_shared>> -> memref<640xf32, #tpu.memory_space<vmem_shared>>
      %dma_start3A_39 = tpu.memref_slice %arg11[%mul3A_17] : memref<10240xf32, #tpu.memory_space<vmem_shared>> -> memref<640xf32, #tpu.memory_space<vmem_shared>>
      tpu.enqueue_dma source(%arg8 : memref<640xf32, #tpu.memory_space<vmem>>) target(%dma_start3A_39 : memref<640xf32, #tpu.memory_space<vmem_shared>>) target_semaphore(%run_scoped3A : memref<!tpu.dma_semaphore, #tpu.memory_space<semaphore_mem>>)
      %dma_wait3A = tpu.memref_slice %arg11[%mul3A_17] : memref<10240xf32, #tpu.memory_space<vmem_shared>> -> memref<640xf32, #tpu.memory_space<vmem_shared>>
      %dma_wait3A_40 = tpu.memref_slice %arg11[%mul3A_17] : memref<10240xf32, #tpu.memory_space<vmem_shared>> -> memref<640xf32, #tpu.memory_space<vmem_shared>>
      tpu.wait_dma2 semaphore(%run_scoped3A : memref<!tpu.dma_semaphore, #tpu.memory_space<semaphore_mem>>) src(%arg8 : memref<640xf32, #tpu.memory_space<vmem>>) dst(%dma_wait3A_40 : memref<640xf32, #tpu.memory_space<vmem_shared>>)
      tpu.yield
    }) : () -> ()
    %mul3A_18 = arith.constant 80 : i32
    %mul3A_19 = arith.muli %add3A, %mul3A_18 : i32
    "tpu.region"() ({
      %run_scoped3A = tpu.sem_alloc : memref<!tpu.dma_semaphore, #tpu.memory_space<semaphore_mem>>
      %dma_start3A = arith.constant 0 : i32
      %dma_start3A_39 = tpu.memref_slice %arg2[%mul3A_19, %dma_start3A] : memref<2560x128xi32, #tpu.memory_space<hbm>> -> memref<80x128xi32, #tpu.memory_space<hbm>>
      %dma_start3A_40 = arith.constant 0 : i32
      %dma_start3A_41 = tpu.memref_slice %arg2[%mul3A_19, %dma_start3A_40] : memref<2560x128xi32, #tpu.memory_space<hbm>> -> memref<80x128xi32, #tpu.memory_space<hbm>>
      tpu.enqueue_dma source(%dma_start3A_41 : memref<80x128xi32, #tpu.memory_space<hbm>>) target(%arg5 : memref<80x128xi32, #tpu.memory_space<vmem>>) target_semaphore(%run_scoped3A : memref<!tpu.dma_semaphore, #tpu.memory_space<semaphore_mem>>)
      %dma_wait3A = arith.constant 0 : i32
      %dma_wait3A_42 = tpu.memref_slice %arg2[%mul3A_19, %dma_wait3A] : memref<2560x128xi32, #tpu.memory_space<hbm>> -> memref<80x128xi32, #tpu.memory_space<hbm>>
      %dma_wait3A_43 = arith.constant 0 : i32
      %dma_wait3A_44 = tpu.memref_slice %arg2[%mul3A_19, %dma_wait3A_43] : memref<2560x128xi32, #tpu.memory_space<hbm>> -> memref<80x128xi32, #tpu.memory_space<hbm>>
      tpu.wait_dma2 semaphore(%run_scoped3A : memref<!tpu.dma_semaphore, #tpu.memory_space<semaphore_mem>>) src(%dma_wait3A_44 : memref<80x128xi32, #tpu.memory_space<hbm>>) dst(%arg5 : memref<80x128xi32, #tpu.memory_space<vmem>>)
      tpu.yield
    }) : () -> ()
    %mul3A_20 = arith.constant 80 : i32
    %mul3A_21 = arith.muli %add3A, %mul3A_20 : i32
    "tpu.region"() ({
      %run_scoped3A = tpu.sem_alloc : memref<!tpu.dma_semaphore, #tpu.memory_space<semaphore_mem>>
      %dma_start3A = arith.constant 0 : i32
      %dma_start3A_39 = tpu.memref_slice %arg3[%mul3A_21, %dma_start3A] : memref<2560x128xi32, #tpu.memory_space<hbm>> -> memref<80x128xi32, #tpu.memory_space<hbm>>
      %dma_start3A_40 = arith.constant 0 : i32
      %dma_start3A_41 = tpu.memref_slice %arg3[%mul3A_21, %dma_start3A_40] : memref<2560x128xi32, #tpu.memory_space<hbm>> -> memref<80x128xi32, #tpu.memory_space<hbm>>
      tpu.enqueue_dma source(%dma_start3A_41 : memref<80x128xi32, #tpu.memory_space<hbm>>) target(%arg6 : memref<80x128xi32, #tpu.memory_space<vmem>>) target_semaphore(%run_scoped3A : memref<!tpu.dma_semaphore, #tpu.memory_space<semaphore_mem>>)
      %dma_wait3A = arith.constant 0 : i32
      %dma_wait3A_42 = tpu.memref_slice %arg3[%mul3A_21, %dma_wait3A] : memref<2560x128xi32, #tpu.memory_space<hbm>> -> memref<80x128xi32, #tpu.memory_space<hbm>>
      %dma_wait3A_43 = arith.constant 0 : i32
      %dma_wait3A_44 = tpu.memref_slice %arg3[%mul3A_21, %dma_wait3A_43] : memref<2560x128xi32, #tpu.memory_space<hbm>> -> memref<80x128xi32, #tpu.memory_space<hbm>>
      tpu.wait_dma2 semaphore(%run_scoped3A : memref<!tpu.dma_semaphore, #tpu.memory_space<semaphore_mem>>) src(%dma_wait3A_44 : memref<80x128xi32, #tpu.memory_space<hbm>>) dst(%arg6 : memref<80x128xi32, #tpu.memory_space<vmem>>)
      tpu.yield
    }) : () -> ()
    %barrier3A = arith.constant 0 : index
    tpu.barrier barrier_id(%barrier3A)
    %scan3A_22 = arith.constant 0 : i32
    %scan3A_23 = arith.constant 0 : i32
    %scan3A_24 = arith.constant 80 : i32
    %scan3A_25 = arith.addi %scan3A_23, %scan3A_24 : i32
    %scan3A_26 = arith.constant 1 : i32
    %scan3A_27 = scf.for %scan3A_39 = %scan3A_23 to %scan3A_25 step %scan3A_26 iter_args(%scan3A_40 = %scan3A_22) -> (i32)  : i32 {
      %dma_start3A = arith.constant 0 : i32
      %dma_start3A_41 = tpu.memref_slice %arg5[%scan3A_39, %dma_start3A] : memref<80x128xi32, #tpu.memory_space<vmem>> -> memref<1x128xi32, #tpu.memory_space<vmem>>
      %dma_start3A_42 = tpu.memref_squeeze %dma_start3A_41 : memref<1x128xi32, #tpu.memory_space<vmem>> -> memref<128xi32, #tpu.memory_space<vmem>>
      %dma_start3A_43 = arith.constant 0 : i32
      %dma_start3A_44 = tpu.memref_slice %arg10[%dma_start3A_43] : memref<10240xf32, #tpu.memory_space<vmem_shared>> -> memref<10240xf32, #tpu.memory_space<vmem_shared>>
      tpu.enqueue_indirect_dma source(%arg7 : memref<128xf32, #tpu.memory_space<vmem>>) target(%dma_start3A_44 : memref<10240xf32, #tpu.memory_space<vmem_shared>>) offsets(%dma_start3A_42 : memref<128xi32, #tpu.memory_space<vmem>>) semaphore(%arg12 : memref<!tpu.dma_semaphore, #tpu.memory_space<semaphore_mem>>) {add = true}
      %dma_start3A_45 = arith.constant 0 : i32
      %dma_start3A_46 = tpu.memref_slice %arg6[%scan3A_39, %dma_start3A_45] : memref<80x128xi32, #tpu.memory_space<vmem>> -> memref<1x128xi32, #tpu.memory_space<vmem>>
      %dma_start3A_47 = tpu.memref_squeeze %dma_start3A_46 : memref<1x128xi32, #tpu.memory_space<vmem>> -> memref<128xi32, #tpu.memory_space<vmem>>
      %dma_start3A_48 = arith.constant 0 : i32
      %dma_start3A_49 = tpu.memref_slice %arg11[%dma_start3A_48] : memref<10240xf32, #tpu.memory_space<vmem_shared>> -> memref<10240xf32, #tpu.memory_space<vmem_shared>>
      tpu.enqueue_indirect_dma source(%arg7 : memref<128xf32, #tpu.memory_space<vmem>>) target(%dma_start3A_49 : memref<10240xf32, #tpu.memory_space<vmem_shared>>) offsets(%dma_start3A_47 : memref<128xi32, #tpu.memory_space<vmem>>) semaphore(%arg12 : memref<!tpu.dma_semaphore, #tpu.memory_space<semaphore_mem>>) {add = true}
      %scan3A_50 = arith.constant 0 : i32
      scf.yield %scan3A_50 : i32
    }
    %scan3A_28 = arith.constant 80 : i32
    %scan3A_29 = arith.constant 0 : i32
    %scan3A_30 = arith.constant 0 : i32
    %scan3A_31 = arith.constant 80 : i32
    %scan3A_32 = arith.addi %scan3A_30, %scan3A_31 : i32
    %scan3A_33 = arith.constant 1 : i32
    %scan3A_34 = scf.for %scan3A_39 = %scan3A_30 to %scan3A_32 step %scan3A_33 iter_args(%scan3A_40 = %scan3A_29) -> (i32)  : i32 {
      %dma_wait3A = arith.constant 0 : i32
      %dma_wait3A_41 = tpu.memref_slice %arg5[%scan3A_39, %dma_wait3A] : memref<80x128xi32, #tpu.memory_space<vmem>> -> memref<1x128xi32, #tpu.memory_space<vmem>>
      %dma_wait3A_42 = tpu.memref_squeeze %dma_wait3A_41 : memref<1x128xi32, #tpu.memory_space<vmem>> -> memref<128xi32, #tpu.memory_space<vmem>>
      %dma_wait3A_43 = arith.constant 0 : i32
      %dma_wait3A_44 = tpu.memref_slice %arg10[%dma_wait3A_43] : memref<10240xf32, #tpu.memory_space<vmem_shared>> -> memref<10240xf32, #tpu.memory_space<vmem_shared>>
      tpu.wait_indirect_dma semaphore(%arg12 : memref<!tpu.dma_semaphore, #tpu.memory_space<semaphore_mem>>) src(%arg7 : memref<128xf32, #tpu.memory_space<vmem>>) dst(%dma_wait3A_44 : memref<10240xf32, #tpu.memory_space<vmem_shared>>)
      %dma_wait3A_45 = arith.constant 0 : i32
      %dma_wait3A_46 = tpu.memref_slice %arg6[%scan3A_39, %dma_wait3A_45] : memref<80x128xi32, #tpu.memory_space<vmem>> -> memref<1x128xi32, #tpu.memory_space<vmem>>
      %dma_wait3A_47 = tpu.memref_squeeze %dma_wait3A_46 : memref<1x128xi32, #tpu.memory_space<vmem>> -> memref<128xi32, #tpu.memory_space<vmem>>
      %dma_wait3A_48 = arith.constant 0 : i32
      %dma_wait3A_49 = tpu.memref_slice %arg11[%dma_wait3A_48] : memref<10240xf32, #tpu.memory_space<vmem_shared>> -> memref<10240xf32, #tpu.memory_space<vmem_shared>>
      tpu.wait_indirect_dma semaphore(%arg12 : memref<!tpu.dma_semaphore, #tpu.memory_space<semaphore_mem>>) src(%arg7 : memref<128xf32, #tpu.memory_space<vmem>>) dst(%dma_wait3A_49 : memref<10240xf32, #tpu.memory_space<vmem_shared>>)
      %scan3A_50 = arith.constant 0 : i32
      scf.yield %scan3A_50 : i32
    }
    %scan3A_35 = arith.constant 80 : i32
    %barrier3A_36 = arith.constant 0 : index
    tpu.barrier barrier_id(%barrier3A_36)
    %lt3A = arith.constant 10 : i32
    %lt3A_37 = arith.cmpi slt, %arg1, %lt3A : i32
    %convert_element_type3A = arith.extui %lt3A_37 : i1 to i32
    %cond3A = arith.constant 0 : i32
    %cond3A_38 = arith.cmpi ne, %convert_element_type3A, %cond3A : i32
    scf.if %cond3A_38 {
      %mul3A_39 = arith.constant 1000 : i32
      %mul3A_40 = arith.muli %arg1, %mul3A_39 : i32
      "tpu.region"() ({
        %run_scoped3A = tpu.sem_alloc : memref<!tpu.dma_semaphore, #tpu.memory_space<semaphore_mem>>
        %dma_start3A = tpu.memref_slice %arg10[%mul3A_40] : memref<10240xf32, #tpu.memory_space<vmem_shared>> -> memref<1000xf32, #tpu.memory_space<vmem_shared>>
        %dma_start3A_55 = tpu.memref_slice %arg10[%mul3A_40] : memref<10240xf32, #tpu.memory_space<vmem_shared>> -> memref<1000xf32, #tpu.memory_space<vmem_shared>>
        tpu.enqueue_dma source(%dma_start3A_55 : memref<1000xf32, #tpu.memory_space<vmem_shared>>) target(%arg9 : memref<1000xf32, #tpu.memory_space<vmem>>) target_semaphore(%run_scoped3A : memref<!tpu.dma_semaphore, #tpu.memory_space<semaphore_mem>>)
        %dma_wait3A = tpu.memref_slice %arg10[%mul3A_40] : memref<10240xf32, #tpu.memory_space<vmem_shared>> -> memref<1000xf32, #tpu.memory_space<vmem_shared>>
        %dma_wait3A_56 = tpu.memref_slice %arg10[%mul3A_40] : memref<10240xf32, #tpu.memory_space<vmem_shared>> -> memref<1000xf32, #tpu.memory_space<vmem_shared>>
        tpu.wait_dma2 semaphore(%run_scoped3A : memref<!tpu.dma_semaphore, #tpu.memory_space<semaphore_mem>>) src(%dma_wait3A_56 : memref<1000xf32, #tpu.memory_space<vmem_shared>>) dst(%arg9 : memref<1000xf32, #tpu.memory_space<vmem>>)
        tpu.yield
      }) : () -> ()
      %mul3A_41 = arith.constant 2 : i32
      %mul3A_42 = arith.muli %mul3A_41, %arg0 : i32
      %add3A_43 = arith.constant 0 : i32
      %add3A_44 = arith.addi %mul3A_42, %add3A_43 : i32
      %mul3A_45 = arith.constant 10000 : i32
      %mul3A_46 = arith.muli %add3A_44, %mul3A_45 : i32
      %add3A_47 = arith.addi %mul3A_46, %mul3A_40 : i32
      "tpu.region"() ({
        %run_scoped3A = tpu.sem_alloc : memref<!tpu.dma_semaphore, #tpu.memory_space<semaphore_mem>>
        %dma_start3A = tpu.memref_slice %arg4[%add3A_47] : memref<40000xf32, #tpu.memory_space<hbm>> -> memref<1000xf32, #tpu.memory_space<hbm>>
        %dma_start3A_55 = tpu.memref_slice %arg4[%add3A_47] : memref<40000xf32, #tpu.memory_space<hbm>> -> memref<1000xf32, #tpu.memory_space<hbm>>
        tpu.enqueue_dma source(%arg9 : memref<1000xf32, #tpu.memory_space<vmem>>) target(%dma_start3A_55 : memref<1000xf32, #tpu.memory_space<hbm>>) target_semaphore(%run_scoped3A : memref<!tpu.dma_semaphore, #tpu.memory_space<semaphore_mem>>)
        %dma_wait3A = tpu.memref_slice %arg4[%add3A_47] : memref<40000xf32, #tpu.memory_space<hbm>> -> memref<1000xf32, #tpu.memory_space<hbm>>
        %dma_wait3A_56 = tpu.memref_slice %arg4[%add3A_47] : memref<40000xf32, #tpu.memory_space<hbm>> -> memref<1000xf32, #tpu.memory_space<hbm>>
        tpu.wait_dma2 semaphore(%run_scoped3A : memref<!tpu.dma_semaphore, #tpu.memory_space<semaphore_mem>>) src(%arg9 : memref<1000xf32, #tpu.memory_space<vmem>>) dst(%dma_wait3A_56 : memref<1000xf32, #tpu.memory_space<hbm>>)
        tpu.yield
      }) : () -> ()
      "tpu.region"() ({
        %run_scoped3A = tpu.sem_alloc : memref<!tpu.dma_semaphore, #tpu.memory_space<semaphore_mem>>
        %dma_start3A = tpu.memref_slice %arg11[%mul3A_40] : memref<10240xf32, #tpu.memory_space<vmem_shared>> -> memref<1000xf32, #tpu.memory_space<vmem_shared>>
        %dma_start3A_55 = tpu.memref_slice %arg11[%mul3A_40] : memref<10240xf32, #tpu.memory_space<vmem_shared>> -> memref<1000xf32, #tpu.memory_space<vmem_shared>>
        tpu.enqueue_dma source(%dma_start3A_55 : memref<1000xf32, #tpu.memory_space<vmem_shared>>) target(%arg9 : memref<1000xf32, #tpu.memory_space<vmem>>) target_semaphore(%run_scoped3A : memref<!tpu.dma_semaphore, #tpu.memory_space<semaphore_mem>>)
        %dma_wait3A = tpu.memref_slice %arg11[%mul3A_40] : memref<10240xf32, #tpu.memory_space<vmem_shared>> -> memref<1000xf32, #tpu.memory_space<vmem_shared>>
        %dma_wait3A_56 = tpu.memref_slice %arg11[%mul3A_40] : memref<10240xf32, #tpu.memory_space<vmem_shared>> -> memref<1000xf32, #tpu.memory_space<vmem_shared>>
        tpu.wait_dma2 semaphore(%run_scoped3A : memref<!tpu.dma_semaphore, #tpu.memory_space<semaphore_mem>>) src(%dma_wait3A_56 : memref<1000xf32, #tpu.memory_space<vmem_shared>>) dst(%arg9 : memref<1000xf32, #tpu.memory_space<vmem>>)
        tpu.yield
      }) : () -> ()
      %mul3A_48 = arith.constant 2 : i32
      %mul3A_49 = arith.muli %mul3A_48, %arg0 : i32
      %add3A_50 = arith.constant 1 : i32
      %add3A_51 = arith.addi %mul3A_49, %add3A_50 : i32
      %mul3A_52 = arith.constant 10000 : i32
      %mul3A_53 = arith.muli %add3A_51, %mul3A_52 : i32
      %add3A_54 = arith.addi %mul3A_53, %mul3A_40 : i32
      "tpu.region"() ({
        %run_scoped3A = tpu.sem_alloc : memref<!tpu.dma_semaphore, #tpu.memory_space<semaphore_mem>>
        %dma_start3A = tpu.memref_slice %arg4[%add3A_54] : memref<40000xf32, #tpu.memory_space<hbm>> -> memref<1000xf32, #tpu.memory_space<hbm>>
        %dma_start3A_55 = tpu.memref_slice %arg4[%add3A_54] : memref<40000xf32, #tpu.memory_space<hbm>> -> memref<1000xf32, #tpu.memory_space<hbm>>
        tpu.enqueue_dma source(%arg9 : memref<1000xf32, #tpu.memory_space<vmem>>) target(%dma_start3A_55 : memref<1000xf32, #tpu.memory_space<hbm>>) target_semaphore(%run_scoped3A : memref<!tpu.dma_semaphore, #tpu.memory_space<semaphore_mem>>)
        %dma_wait3A = tpu.memref_slice %arg4[%add3A_54] : memref<40000xf32, #tpu.memory_space<hbm>> -> memref<1000xf32, #tpu.memory_space<hbm>>
        %dma_wait3A_56 = tpu.memref_slice %arg4[%add3A_54] : memref<40000xf32, #tpu.memory_space<hbm>> -> memref<1000xf32, #tpu.memory_space<hbm>>
        tpu.wait_dma2 semaphore(%run_scoped3A : memref<!tpu.dma_semaphore, #tpu.memory_space<semaphore_mem>>) src(%arg9 : memref<1000xf32, #tpu.memory_space<vmem>>) dst(%dma_wait3A_56 : memref<1000xf32, #tpu.memory_space<hbm>>)
        tpu.yield
      }) : () -> ()
    } else {
    }
    return
  }
}

#map = affine_map<(d0, d1) -> (0, 0)>
module attributes {stable_mosaic.version = 14 : i64} {
  func.func @_agg128(%arg0: i32, %arg1: i32, %arg2: memref<10240x128xf32, #tpu.memory_space<hbm>>, %arg3: memref<2560x128xi32, #tpu.memory_space<hbm>>, %arg4: memref<2560x128xi32, #tpu.memory_space<hbm>>, %arg5: memref<20480x128xf32, #tpu.memory_space<hbm>>, %arg6: memref<40x128xi32, #tpu.memory_space<vmem>>, %arg7: memref<40x128xi32, #tpu.memory_space<vmem>>, %arg8: memref<2x128x128xf32, #tpu.memory_space<vmem>>, %arg9: memref<10240x128xf32, #tpu.memory_space<vmem_shared>>, %arg10: memref<2x!tpu.dma_semaphore, #tpu.memory_space<semaphore_mem>>, %arg11: memref<2x!tpu.dma_semaphore, #tpu.memory_space<semaphore_mem>>) attributes {dimension_semantics = [#tpu.dimension_semantics<core_parallel>, #tpu.dimension_semantics<subcore_parallel>], iteration_bounds = array<i64: 2, 16>, scalar_prefetch = 0 : i64, scratch_operands = 6 : i64, tpu.core_type = #tpu.core_type<sc_vector_subcore>, window_params = [{transform_indices = #map}, {transform_indices = #map}, {transform_indices = #map}, {transform_indices = #map}]} {
    %mul3A = arith.constant 16 : i32
    %mul3A_0 = arith.muli %arg0, %mul3A : i32
    %add3A = arith.addi %mul3A_0, %arg1 : i32
    %scan3A = arith.constant 0 : i32
    %scan3A_1 = arith.constant 0 : i32
    %scan3A_2 = arith.constant 128 : i32
    %scan3A_3 = arith.addi %scan3A_1, %scan3A_2 : i32
    %scan3A_4 = arith.constant 1 : i32
    %scan3A_5 = scf.for %scan3A_207 = %scan3A_1 to %scan3A_3 step %scan3A_4 iter_args(%scan3A_208 = %scan3A) -> (i32)  : i32 {
      %broadcast_in_dim3A = arith.constant 0.000000e+00 : f32
      %broadcast_in_dim3A_209 = vector.broadcast %broadcast_in_dim3A : f32 to vector<16xf32>
      %swap3A = arith.constant 0 : i32
      %swap3A_210 = arith.index_cast %swap3A : i32 to index
      %swap3A_211 = arith.index_cast %scan3A_207 : i32 to index
      %swap3A_212 = arith.constant 0 : index
      %swap3A_213 = tpu.vector_load %arg8[%swap3A_210, %swap3A_211, %swap3A_212] {strides = array<i32>} : memref<2x128x128xf32, #tpu.memory_space<vmem>>, vector<1x1x16xf32>,
      %swap3A_214 = vector.shape_cast %swap3A_213 : vector<1x1x16xf32> to vector<16xf32>
      %swap3A_215 = vector.shape_cast %broadcast_in_dim3A_209 : vector<16xf32> to vector<1x1x16xf32>
      tpu.vector_store %arg8[%swap3A_210, %swap3A_211, %swap3A_212], %swap3A_215 {strides = array<i32>} : memref<2x128x128xf32, #tpu.memory_space<vmem>>, vector<1x1x16xf32>,
      %broadcast_in_dim3A_216 = arith.constant 0.000000e+00 : f32
      %broadcast_in_dim3A_217 = vector.broadcast %broadcast_in_dim3A_216 : f32 to vector<16xf32>
      %swap3A_218 = arith.constant 0 : i32
      %swap3A_219 = arith.index_cast %swap3A_218 : i32 to index
      %swap3A_220 = arith.index_cast %scan3A_207 : i32 to index
      %swap3A_221 = arith.constant 16 : index
      %swap3A_222 = tpu.vector_load %arg8[%swap3A_219, %swap3A_220, %swap3A_221] {strides = array<i32>} : memref<2x128x128xf32, #tpu.memory_space<vmem>>, vector<1x1x16xf32>,
      %swap3A_223 = vector.shape_cast %swap3A_222 : vector<1x1x16xf32> to vector<16xf32>
      %swap3A_224 = vector.shape_cast %broadcast_in_dim3A_217 : vector<16xf32> to vector<1x1x16xf32>
      tpu.vector_store %arg8[%swap3A_219, %swap3A_220, %swap3A_221], %swap3A_224 {strides = array<i32>} : memref<2x128x128xf32, #tpu.memory_space<vmem>>, vector<1x1x16xf32>,
      %broadcast_in_dim3A_225 = arith.constant 0.000000e+00 : f32
      %broadcast_in_dim3A_226 = vector.broadcast %broadcast_in_dim3A_225 : f32 to vector<16xf32>
      %swap3A_227 = arith.constant 0 : i32
      %swap3A_228 = arith.index_cast %swap3A_227 : i32 to index
      %swap3A_229 = arith.index_cast %scan3A_207 : i32 to index
      %swap3A_230 = arith.constant 32 : index
      %swap3A_231 = tpu.vector_load %arg8[%swap3A_228, %swap3A_229, %swap3A_230] {strides = array<i32>} : memref<2x128x128xf32, #tpu.memory_space<vmem>>, vector<1x1x16xf32>,
      %swap3A_232 = vector.shape_cast %swap3A_231 : vector<1x1x16xf32> to vector<16xf32>
      %swap3A_233 = vector.shape_cast %broadcast_in_dim3A_226 : vector<16xf32> to vector<1x1x16xf32>
      tpu.vector_store %arg8[%swap3A_228, %swap3A_229, %swap3A_230], %swap3A_233 {strides = array<i32>} : memref<2x128x128xf32, #tpu.memory_space<vmem>>, vector<1x1x16xf32>,
      %broadcast_in_dim3A_234 = arith.constant 0.000000e+00 : f32
      %broadcast_in_dim3A_235 = vector.broadcast %broadcast_in_dim3A_234 : f32 to vector<16xf32>
      %swap3A_236 = arith.constant 0 : i32
      %swap3A_237 = arith.index_cast %swap3A_236 : i32 to index
      %swap3A_238 = arith.index_cast %scan3A_207 : i32 to index
      %swap3A_239 = arith.constant 48 : index
      %swap3A_240 = tpu.vector_load %arg8[%swap3A_237, %swap3A_238, %swap3A_239] {strides = array<i32>} : memref<2x128x128xf32, #tpu.memory_space<vmem>>, vector<1x1x16xf32>,
      %swap3A_241 = vector.shape_cast %swap3A_240 : vector<1x1x16xf32> to vector<16xf32>
      %swap3A_242 = vector.shape_cast %broadcast_in_dim3A_235 : vector<16xf32> to vector<1x1x16xf32>
      tpu.vector_store %arg8[%swap3A_237, %swap3A_238, %swap3A_239], %swap3A_242 {strides = array<i32>} : memref<2x128x128xf32, #tpu.memory_space<vmem>>, vector<1x1x16xf32>,
      %broadcast_in_dim3A_243 = arith.constant 0.000000e+00 : f32
      %broadcast_in_dim3A_244 = vector.broadcast %broadcast_in_dim3A_243 : f32 to vector<16xf32>
      %swap3A_245 = arith.constant 0 : i32
      %swap3A_246 = arith.index_cast %swap3A_245 : i32 to index
      %swap3A_247 = arith.index_cast %scan3A_207 : i32 to index
      %swap3A_248 = arith.constant 64 : index
      %swap3A_249 = tpu.vector_load %arg8[%swap3A_246, %swap3A_247, %swap3A_248] {strides = array<i32>} : memref<2x128x128xf32, #tpu.memory_space<vmem>>, vector<1x1x16xf32>,
      %swap3A_250 = vector.shape_cast %swap3A_249 : vector<1x1x16xf32> to vector<16xf32>
      %swap3A_251 = vector.shape_cast %broadcast_in_dim3A_244 : vector<16xf32> to vector<1x1x16xf32>
      tpu.vector_store %arg8[%swap3A_246, %swap3A_247, %swap3A_248], %swap3A_251 {strides = array<i32>} : memref<2x128x128xf32, #tpu.memory_space<vmem>>, vector<1x1x16xf32>,
      %broadcast_in_dim3A_252 = arith.constant 0.000000e+00 : f32
      %broadcast_in_dim3A_253 = vector.broadcast %broadcast_in_dim3A_252 : f32 to vector<16xf32>
      %swap3A_254 = arith.constant 0 : i32
      %swap3A_255 = arith.index_cast %swap3A_254 : i32 to index
      %swap3A_256 = arith.index_cast %scan3A_207 : i32 to index
      %swap3A_257 = arith.constant 80 : index
      %swap3A_258 = tpu.vector_load %arg8[%swap3A_255, %swap3A_256, %swap3A_257] {strides = array<i32>} : memref<2x128x128xf32, #tpu.memory_space<vmem>>, vector<1x1x16xf32>,
      %swap3A_259 = vector.shape_cast %swap3A_258 : vector<1x1x16xf32> to vector<16xf32>
      %swap3A_260 = vector.shape_cast %broadcast_in_dim3A_253 : vector<16xf32> to vector<1x1x16xf32>
      tpu.vector_store %arg8[%swap3A_255, %swap3A_256, %swap3A_257], %swap3A_260 {strides = array<i32>} : memref<2x128x128xf32, #tpu.memory_space<vmem>>, vector<1x1x16xf32>,
      %broadcast_in_dim3A_261 = arith.constant 0.000000e+00 : f32
      %broadcast_in_dim3A_262 = vector.broadcast %broadcast_in_dim3A_261 : f32 to vector<16xf32>
      %swap3A_263 = arith.constant 0 : i32
      %swap3A_264 = arith.index_cast %swap3A_263 : i32 to index
      %swap3A_265 = arith.index_cast %scan3A_207 : i32 to index
      %swap3A_266 = arith.constant 96 : index
      %swap3A_267 = tpu.vector_load %arg8[%swap3A_264, %swap3A_265, %swap3A_266] {strides = array<i32>} : memref<2x128x128xf32, #tpu.memory_space<vmem>>, vector<1x1x16xf32>,
      %swap3A_268 = vector.shape_cast %swap3A_267 : vector<1x1x16xf32> to vector<16xf32>
      %swap3A_269 = vector.shape_cast %broadcast_in_dim3A_262 : vector<16xf32> to vector<1x1x16xf32>
      tpu.vector_store %arg8[%swap3A_264, %swap3A_265, %swap3A_266], %swap3A_269 {strides = array<i32>} : memref<2x128x128xf32, #tpu.memory_space<vmem>>, vector<1x1x16xf32>,
      %broadcast_in_dim3A_270 = arith.constant 0.000000e+00 : f32
      %broadcast_in_dim3A_271 = vector.broadcast %broadcast_in_dim3A_270 : f32 to vector<16xf32>
      %swap3A_272 = arith.constant 0 : i32
      %swap3A_273 = arith.index_cast %swap3A_272 : i32 to index
      %swap3A_274 = arith.index_cast %scan3A_207 : i32 to index
      %swap3A_275 = arith.constant 112 : index
      %swap3A_276 = tpu.vector_load %arg8[%swap3A_273, %swap3A_274, %swap3A_275] {strides = array<i32>} : memref<2x128x128xf32, #tpu.memory_space<vmem>>, vector<1x1x16xf32>,
      %swap3A_277 = vector.shape_cast %swap3A_276 : vector<1x1x16xf32> to vector<16xf32>
      %swap3A_278 = vector.shape_cast %broadcast_in_dim3A_271 : vector<16xf32> to vector<1x1x16xf32>
      tpu.vector_store %arg8[%swap3A_273, %swap3A_274, %swap3A_275], %swap3A_278 {strides = array<i32>} : memref<2x128x128xf32, #tpu.memory_space<vmem>>, vector<1x1x16xf32>,
      %scan3A_279 = arith.constant 0 : i32
      scf.yield %scan3A_279 : i32
    }
    %scan3A_6 = arith.constant 128 : i32
    %mul3A_7 = arith.constant 640 : i32
    %mul3A_8 = arith.muli %arg1, %mul3A_7 : i32
    %add3A_9 = arith.constant 0 : i32
    %add3A_10 = arith.addi %mul3A_8, %add3A_9 : i32
    %run_scoped3A = arith.constant 0 : i32
    "tpu.region"() ({
      %run_scoped3A_207 = tpu.sem_alloc : memref<!tpu.dma_semaphore, #tpu.memory_space<semaphore_mem>>
      %dma_start3A_208 = arith.constant 0 : i32
      %dma_start3A_209 = arith.constant 0 : i32
      %dma_start3A_210 = tpu.memref_slice %arg8[%run_scoped3A, %dma_start3A_208, %dma_start3A_209] : memref<2x128x128xf32, #tpu.memory_space<vmem>> -> memref<1x128x128xf32, #tpu.memory_space<vmem>>
      %dma_start3A_211 = tpu.memref_squeeze %dma_start3A_210 : memref<1x128x128xf32, #tpu.memory_space<vmem>> -> memref<128x128xf32, #tpu.memory_space<vmem>>
      %dma_start3A_212 = arith.constant 0 : i32
      %dma_start3A_213 = tpu.memref_slice %arg9[%add3A_10, %dma_start3A_212] : memref<10240x128xf32, #tpu.memory_space<vmem_shared>> -> memref<128x128xf32, #tpu.memory_space<vmem_shared>>
      %dma_start3A_214 = arith.constant 0 : i32
      %dma_start3A_215 = tpu.memref_slice %arg9[%add3A_10, %dma_start3A_214] : memref<10240x128xf32, #tpu.memory_space<vmem_shared>> -> memref<128x128xf32, #tpu.memory_space<vmem_shared>>
      %dma_start3A_216 = arith.constant 0 : i32
      %dma_start3A_217 = arith.constant 0 : i32
      %dma_start3A_218 = tpu.memref_slice %arg8[%run_scoped3A, %dma_start3A_216, %dma_start3A_217] : memref<2x128x128xf32, #tpu.memory_space<vmem>> -> memref<1x128x128xf32, #tpu.memory_space<vmem>>
      %dma_start3A_219 = tpu.memref_squeeze %dma_start3A_218 : memref<1x128x128xf32, #tpu.memory_space<vmem>> -> memref<128x128xf32, #tpu.memory_space<vmem>>
      tpu.enqueue_dma source(%dma_start3A_219 : memref<128x128xf32, #tpu.memory_space<vmem>>) target(%dma_start3A_215 : memref<128x128xf32, #tpu.memory_space<vmem_shared>>) target_semaphore(%run_scoped3A_207 : memref<!tpu.dma_semaphore, #tpu.memory_space<semaphore_mem>>)
      %dma_wait3A_220 = arith.constant 0 : i32
      %dma_wait3A_221 = arith.constant 0 : i32
      %dma_wait3A_222 = tpu.memref_slice %arg8[%run_scoped3A, %dma_wait3A_220, %dma_wait3A_221] : memref<2x128x128xf32, #tpu.memory_space<vmem>> -> memref<1x128x128xf32, #tpu.memory_space<vmem>>
      %dma_wait3A_223 = tpu.memref_squeeze %dma_wait3A_222 : memref<1x128x128xf32, #tpu.memory_space<vmem>> -> memref<128x128xf32, #tpu.memory_space<vmem>>
      %dma_wait3A_224 = arith.constant 0 : i32
      %dma_wait3A_225 = tpu.memref_slice %arg9[%add3A_10, %dma_wait3A_224] : memref<10240x128xf32, #tpu.memory_space<vmem_shared>> -> memref<128x128xf32, #tpu.memory_space<vmem_shared>>
      %dma_wait3A_226 = arith.constant 0 : i32
      %dma_wait3A_227 = tpu.memref_slice %arg9[%add3A_10, %dma_wait3A_226] : memref<10240x128xf32, #tpu.memory_space<vmem_shared>> -> memref<128x128xf32, #tpu.memory_space<vmem_shared>>
      %dma_wait3A_228 = arith.constant 0 : i32
      %dma_wait3A_229 = arith.constant 0 : i32
      %dma_wait3A_230 = tpu.memref_slice %arg8[%run_scoped3A, %dma_wait3A_228, %dma_wait3A_229] : memref<2x128x128xf32, #tpu.memory_space<vmem>> -> memref<1x128x128xf32, #tpu.memory_space<vmem>>
      %dma_wait3A_231 = tpu.memref_squeeze %dma_wait3A_230 : memref<1x128x128xf32, #tpu.memory_space<vmem>> -> memref<128x128xf32, #tpu.memory_space<vmem>>
      tpu.wait_dma2 semaphore(%run_scoped3A_207 : memref<!tpu.dma_semaphore, #tpu.memory_space<semaphore_mem>>) src(%dma_wait3A_231 : memref<128x128xf32, #tpu.memory_space<vmem>>) dst(%dma_wait3A_227 : memref<128x128xf32, #tpu.memory_space<vmem_shared>>)
      tpu.yield
    }) : () -> ()
    %mul3A_11 = arith.constant 640 : i32
    %mul3A_12 = arith.muli %arg1, %mul3A_11 : i32
    %add3A_13 = arith.constant 128 : i32
    %add3A_14 = arith.addi %mul3A_12, %add3A_13 : i32
    %run_scoped3A_15 = arith.constant 0 : i32
    "tpu.region"() ({
      %run_scoped3A_207 = tpu.sem_alloc : memref<!tpu.dma_semaphore, #tpu.memory_space<semaphore_mem>>
      %dma_start3A_208 = arith.constant 0 : i32
      %dma_start3A_209 = arith.constant 0 : i32
      %dma_start3A_210 = tpu.memref_slice %arg8[%run_scoped3A_15, %dma_start3A_208, %dma_start3A_209] : memref<2x128x128xf32, #tpu.memory_space<vmem>> -> memref<1x128x128xf32, #tpu.memory_space<vmem>>
      %dma_start3A_211 = tpu.memref_squeeze %dma_start3A_210 : memref<1x128x128xf32, #tpu.memory_space<vmem>> -> memref<128x128xf32, #tpu.memory_space<vmem>>
      %dma_start3A_212 = arith.constant 0 : i32
      %dma_start3A_213 = tpu.memref_slice %arg9[%add3A_14, %dma_start3A_212] : memref<10240x128xf32, #tpu.memory_space<vmem_shared>> -> memref<128x128xf32, #tpu.memory_space<vmem_shared>>
      %dma_start3A_214 = arith.constant 0 : i32
      %dma_start3A_215 = tpu.memref_slice %arg9[%add3A_14, %dma_start3A_214] : memref<10240x128xf32, #tpu.memory_space<vmem_shared>> -> memref<128x128xf32, #tpu.memory_space<vmem_shared>>
      %dma_start3A_216 = arith.constant 0 : i32
      %dma_start3A_217 = arith.constant 0 : i32
      %dma_start3A_218 = tpu.memref_slice %arg8[%run_scoped3A_15, %dma_start3A_216, %dma_start3A_217] : memref<2x128x128xf32, #tpu.memory_space<vmem>> -> memref<1x128x128xf32, #tpu.memory_space<vmem>>
      %dma_start3A_219 = tpu.memref_squeeze %dma_start3A_218 : memref<1x128x128xf32, #tpu.memory_space<vmem>> -> memref<128x128xf32, #tpu.memory_space<vmem>>
      tpu.enqueue_dma source(%dma_start3A_219 : memref<128x128xf32, #tpu.memory_space<vmem>>) target(%dma_start3A_215 : memref<128x128xf32, #tpu.memory_space<vmem_shared>>) target_semaphore(%run_scoped3A_207 : memref<!tpu.dma_semaphore, #tpu.memory_space<semaphore_mem>>)
      %dma_wait3A_220 = arith.constant 0 : i32
      %dma_wait3A_221 = arith.constant 0 : i32
      %dma_wait3A_222 = tpu.memref_slice %arg8[%run_scoped3A_15, %dma_wait3A_220, %dma_wait3A_221] : memref<2x128x128xf32, #tpu.memory_space<vmem>> -> memref<1x128x128xf32, #tpu.memory_space<vmem>>
      %dma_wait3A_223 = tpu.memref_squeeze %dma_wait3A_222 : memref<1x128x128xf32, #tpu.memory_space<vmem>> -> memref<128x128xf32, #tpu.memory_space<vmem>>
      %dma_wait3A_224 = arith.constant 0 : i32
      %dma_wait3A_225 = tpu.memref_slice %arg9[%add3A_14, %dma_wait3A_224] : memref<10240x128xf32, #tpu.memory_space<vmem_shared>> -> memref<128x128xf32, #tpu.memory_space<vmem_shared>>
      %dma_wait3A_226 = arith.constant 0 : i32
      %dma_wait3A_227 = tpu.memref_slice %arg9[%add3A_14, %dma_wait3A_226] : memref<10240x128xf32, #tpu.memory_space<vmem_shared>> -> memref<128x128xf32, #tpu.memory_space<vmem_shared>>
      %dma_wait3A_228 = arith.constant 0 : i32
      %dma_wait3A_229 = arith.constant 0 : i32
      %dma_wait3A_230 = tpu.memref_slice %arg8[%run_scoped3A_15, %dma_wait3A_228, %dma_wait3A_229] : memref<2x128x128xf32, #tpu.memory_space<vmem>> -> memref<1x128x128xf32, #tpu.memory_space<vmem>>
      %dma_wait3A_231 = tpu.memref_squeeze %dma_wait3A_230 : memref<1x128x128xf32, #tpu.memory_space<vmem>> -> memref<128x128xf32, #tpu.memory_space<vmem>>
      tpu.wait_dma2 semaphore(%run_scoped3A_207 : memref<!tpu.dma_semaphore, #tpu.memory_space<semaphore_mem>>) src(%dma_wait3A_231 : memref<128x128xf32, #tpu.memory_space<vmem>>) dst(%dma_wait3A_227 : memref<128x128xf32, #tpu.memory_space<vmem_shared>>)
      tpu.yield
    }) : () -> ()
    %mul3A_16 = arith.constant 640 : i32
    %mul3A_17 = arith.muli %arg1, %mul3A_16 : i32
    %add3A_18 = arith.constant 256 : i32
    %add3A_19 = arith.addi %mul3A_17, %add3A_18 : i32
    %run_scoped3A_20 = arith.constant 0 : i32
    "tpu.region"() ({
      %run_scoped3A_207 = tpu.sem_alloc : memref<!tpu.dma_semaphore, #tpu.memory_space<semaphore_mem>>
      %dma_start3A_208 = arith.constant 0 : i32
      %dma_start3A_209 = arith.constant 0 : i32
      %dma_start3A_210 = tpu.memref_slice %arg8[%run_scoped3A_20, %dma_start3A_208, %dma_start3A_209] : memref<2x128x128xf32, #tpu.memory_space<vmem>> -> memref<1x128x128xf32, #tpu.memory_space<vmem>>
      %dma_start3A_211 = tpu.memref_squeeze %dma_start3A_210 : memref<1x128x128xf32, #tpu.memory_space<vmem>> -> memref<128x128xf32, #tpu.memory_space<vmem>>
      %dma_start3A_212 = arith.constant 0 : i32
      %dma_start3A_213 = tpu.memref_slice %arg9[%add3A_19, %dma_start3A_212] : memref<10240x128xf32, #tpu.memory_space<vmem_shared>> -> memref<128x128xf32, #tpu.memory_space<vmem_shared>>
      %dma_start3A_214 = arith.constant 0 : i32
      %dma_start3A_215 = tpu.memref_slice %arg9[%add3A_19, %dma_start3A_214] : memref<10240x128xf32, #tpu.memory_space<vmem_shared>> -> memref<128x128xf32, #tpu.memory_space<vmem_shared>>
      %dma_start3A_216 = arith.constant 0 : i32
      %dma_start3A_217 = arith.constant 0 : i32
      %dma_start3A_218 = tpu.memref_slice %arg8[%run_scoped3A_20, %dma_start3A_216, %dma_start3A_217] : memref<2x128x128xf32, #tpu.memory_space<vmem>> -> memref<1x128x128xf32, #tpu.memory_space<vmem>>
      %dma_start3A_219 = tpu.memref_squeeze %dma_start3A_218 : memref<1x128x128xf32, #tpu.memory_space<vmem>> -> memref<128x128xf32, #tpu.memory_space<vmem>>
      tpu.enqueue_dma source(%dma_start3A_219 : memref<128x128xf32, #tpu.memory_space<vmem>>) target(%dma_start3A_215 : memref<128x128xf32, #tpu.memory_space<vmem_shared>>) target_semaphore(%run_scoped3A_207 : memref<!tpu.dma_semaphore, #tpu.memory_space<semaphore_mem>>)
      %dma_wait3A_220 = arith.constant 0 : i32
      %dma_wait3A_221 = arith.constant 0 : i32
      %dma_wait3A_222 = tpu.memref_slice %arg8[%run_scoped3A_20, %dma_wait3A_220, %dma_wait3A_221] : memref<2x128x128xf32, #tpu.memory_space<vmem>> -> memref<1x128x128xf32, #tpu.memory_space<vmem>>
      %dma_wait3A_223 = tpu.memref_squeeze %dma_wait3A_222 : memref<1x128x128xf32, #tpu.memory_space<vmem>> -> memref<128x128xf32, #tpu.memory_space<vmem>>
      %dma_wait3A_224 = arith.constant 0 : i32
      %dma_wait3A_225 = tpu.memref_slice %arg9[%add3A_19, %dma_wait3A_224] : memref<10240x128xf32, #tpu.memory_space<vmem_shared>> -> memref<128x128xf32, #tpu.memory_space<vmem_shared>>
      %dma_wait3A_226 = arith.constant 0 : i32
      %dma_wait3A_227 = tpu.memref_slice %arg9[%add3A_19, %dma_wait3A_226] : memref<10240x128xf32, #tpu.memory_space<vmem_shared>> -> memref<128x128xf32, #tpu.memory_space<vmem_shared>>
      %dma_wait3A_228 = arith.constant 0 : i32
      %dma_wait3A_229 = arith.constant 0 : i32
      %dma_wait3A_230 = tpu.memref_slice %arg8[%run_scoped3A_20, %dma_wait3A_228, %dma_wait3A_229] : memref<2x128x128xf32, #tpu.memory_space<vmem>> -> memref<1x128x128xf32, #tpu.memory_space<vmem>>
      %dma_wait3A_231 = tpu.memref_squeeze %dma_wait3A_230 : memref<1x128x128xf32, #tpu.memory_space<vmem>> -> memref<128x128xf32, #tpu.memory_space<vmem>>
      tpu.wait_dma2 semaphore(%run_scoped3A_207 : memref<!tpu.dma_semaphore, #tpu.memory_space<semaphore_mem>>) src(%dma_wait3A_231 : memref<128x128xf32, #tpu.memory_space<vmem>>) dst(%dma_wait3A_227 : memref<128x128xf32, #tpu.memory_space<vmem_shared>>)
      tpu.yield
    }) : () -> ()
    %mul3A_21 = arith.constant 640 : i32
    %mul3A_22 = arith.muli %arg1, %mul3A_21 : i32
    %add3A_23 = arith.constant 384 : i32
    %add3A_24 = arith.addi %mul3A_22, %add3A_23 : i32
    %run_scoped3A_25 = arith.constant 0 : i32
    "tpu.region"() ({
      %run_scoped3A_207 = tpu.sem_alloc : memref<!tpu.dma_semaphore, #tpu.memory_space<semaphore_mem>>
      %dma_start3A_208 = arith.constant 0 : i32
      %dma_start3A_209 = arith.constant 0 : i32
      %dma_start3A_210 = tpu.memref_slice %arg8[%run_scoped3A_25, %dma_start3A_208, %dma_start3A_209] : memref<2x128x128xf32, #tpu.memory_space<vmem>> -> memref<1x128x128xf32, #tpu.memory_space<vmem>>
      %dma_start3A_211 = tpu.memref_squeeze %dma_start3A_210 : memref<1x128x128xf32, #tpu.memory_space<vmem>> -> memref<128x128xf32, #tpu.memory_space<vmem>>
      %dma_start3A_212 = arith.constant 0 : i32
      %dma_start3A_213 = tpu.memref_slice %arg9[%add3A_24, %dma_start3A_212] : memref<10240x128xf32, #tpu.memory_space<vmem_shared>> -> memref<128x128xf32, #tpu.memory_space<vmem_shared>>
      %dma_start3A_214 = arith.constant 0 : i32
      %dma_start3A_215 = tpu.memref_slice %arg9[%add3A_24, %dma_start3A_214] : memref<10240x128xf32, #tpu.memory_space<vmem_shared>> -> memref<128x128xf32, #tpu.memory_space<vmem_shared>>
      %dma_start3A_216 = arith.constant 0 : i32
      %dma_start3A_217 = arith.constant 0 : i32
      %dma_start3A_218 = tpu.memref_slice %arg8[%run_scoped3A_25, %dma_start3A_216, %dma_start3A_217] : memref<2x128x128xf32, #tpu.memory_space<vmem>> -> memref<1x128x128xf32, #tpu.memory_space<vmem>>
      %dma_start3A_219 = tpu.memref_squeeze %dma_start3A_218 : memref<1x128x128xf32, #tpu.memory_space<vmem>> -> memref<128x128xf32, #tpu.memory_space<vmem>>
      tpu.enqueue_dma source(%dma_start3A_219 : memref<128x128xf32, #tpu.memory_space<vmem>>) target(%dma_start3A_215 : memref<128x128xf32, #tpu.memory_space<vmem_shared>>) target_semaphore(%run_scoped3A_207 : memref<!tpu.dma_semaphore, #tpu.memory_space<semaphore_mem>>)
      %dma_wait3A_220 = arith.constant 0 : i32
      %dma_wait3A_221 = arith.constant 0 : i32
      %dma_wait3A_222 = tpu.memref_slice %arg8[%run_scoped3A_25, %dma_wait3A_220, %dma_wait3A_221] : memref<2x128x128xf32, #tpu.memory_space<vmem>> -> memref<1x128x128xf32, #tpu.memory_space<vmem>>
      %dma_wait3A_223 = tpu.memref_squeeze %dma_wait3A_222 : memref<1x128x128xf32, #tpu.memory_space<vmem>> -> memref<128x128xf32, #tpu.memory_space<vmem>>
      %dma_wait3A_224 = arith.constant 0 : i32
      %dma_wait3A_225 = tpu.memref_slice %arg9[%add3A_24, %dma_wait3A_224] : memref<10240x128xf32, #tpu.memory_space<vmem_shared>> -> memref<128x128xf32, #tpu.memory_space<vmem_shared>>
      %dma_wait3A_226 = arith.constant 0 : i32
      %dma_wait3A_227 = tpu.memref_slice %arg9[%add3A_24, %dma_wait3A_226] : memref<10240x128xf32, #tpu.memory_space<vmem_shared>> -> memref<128x128xf32, #tpu.memory_space<vmem_shared>>
      %dma_wait3A_228 = arith.constant 0 : i32
      %dma_wait3A_229 = arith.constant 0 : i32
      %dma_wait3A_230 = tpu.memref_slice %arg8[%run_scoped3A_25, %dma_wait3A_228, %dma_wait3A_229] : memref<2x128x128xf32, #tpu.memory_space<vmem>> -> memref<1x128x128xf32, #tpu.memory_space<vmem>>
      %dma_wait3A_231 = tpu.memref_squeeze %dma_wait3A_230 : memref<1x128x128xf32, #tpu.memory_space<vmem>> -> memref<128x128xf32, #tpu.memory_space<vmem>>
      tpu.wait_dma2 semaphore(%run_scoped3A_207 : memref<!tpu.dma_semaphore, #tpu.memory_space<semaphore_mem>>) src(%dma_wait3A_231 : memref<128x128xf32, #tpu.memory_space<vmem>>) dst(%dma_wait3A_227 : memref<128x128xf32, #tpu.memory_space<vmem_shared>>)
      tpu.yield
    }) : () -> ()
    %mul3A_26 = arith.constant 640 : i32
    %mul3A_27 = arith.muli %arg1, %mul3A_26 : i32
    %add3A_28 = arith.constant 512 : i32
    %add3A_29 = arith.addi %mul3A_27, %add3A_28 : i32
    %run_scoped3A_30 = arith.constant 0 : i32
    "tpu.region"() ({
      %run_scoped3A_207 = tpu.sem_alloc : memref<!tpu.dma_semaphore, #tpu.memory_space<semaphore_mem>>
      %dma_start3A_208 = arith.constant 0 : i32
      %dma_start3A_209 = arith.constant 0 : i32
      %dma_start3A_210 = tpu.memref_slice %arg8[%run_scoped3A_30, %dma_start3A_208, %dma_start3A_209] : memref<2x128x128xf32, #tpu.memory_space<vmem>> -> memref<1x128x128xf32, #tpu.memory_space<vmem>>
      %dma_start3A_211 = tpu.memref_squeeze %dma_start3A_210 : memref<1x128x128xf32, #tpu.memory_space<vmem>> -> memref<128x128xf32, #tpu.memory_space<vmem>>
      %dma_start3A_212 = arith.constant 0 : i32
      %dma_start3A_213 = tpu.memref_slice %arg9[%add3A_29, %dma_start3A_212] : memref<10240x128xf32, #tpu.memory_space<vmem_shared>> -> memref<128x128xf32, #tpu.memory_space<vmem_shared>>
      %dma_start3A_214 = arith.constant 0 : i32
      %dma_start3A_215 = tpu.memref_slice %arg9[%add3A_29, %dma_start3A_214] : memref<10240x128xf32, #tpu.memory_space<vmem_shared>> -> memref<128x128xf32, #tpu.memory_space<vmem_shared>>
      %dma_start3A_216 = arith.constant 0 : i32
      %dma_start3A_217 = arith.constant 0 : i32
      %dma_start3A_218 = tpu.memref_slice %arg8[%run_scoped3A_30, %dma_start3A_216, %dma_start3A_217] : memref<2x128x128xf32, #tpu.memory_space<vmem>> -> memref<1x128x128xf32, #tpu.memory_space<vmem>>
      %dma_start3A_219 = tpu.memref_squeeze %dma_start3A_218 : memref<1x128x128xf32, #tpu.memory_space<vmem>> -> memref<128x128xf32, #tpu.memory_space<vmem>>
      tpu.enqueue_dma source(%dma_start3A_219 : memref<128x128xf32, #tpu.memory_space<vmem>>) target(%dma_start3A_215 : memref<128x128xf32, #tpu.memory_space<vmem_shared>>) target_semaphore(%run_scoped3A_207 : memref<!tpu.dma_semaphore, #tpu.memory_space<semaphore_mem>>)
      %dma_wait3A_220 = arith.constant 0 : i32
      %dma_wait3A_221 = arith.constant 0 : i32
      %dma_wait3A_222 = tpu.memref_slice %arg8[%run_scoped3A_30, %dma_wait3A_220, %dma_wait3A_221] : memref<2x128x128xf32, #tpu.memory_space<vmem>> -> memref<1x128x128xf32, #tpu.memory_space<vmem>>
      %dma_wait3A_223 = tpu.memref_squeeze %dma_wait3A_222 : memref<1x128x128xf32, #tpu.memory_space<vmem>> -> memref<128x128xf32, #tpu.memory_space<vmem>>
      %dma_wait3A_224 = arith.constant 0 : i32
      %dma_wait3A_225 = tpu.memref_slice %arg9[%add3A_29, %dma_wait3A_224] : memref<10240x128xf32, #tpu.memory_space<vmem_shared>> -> memref<128x128xf32, #tpu.memory_space<vmem_shared>>
      %dma_wait3A_226 = arith.constant 0 : i32
      %dma_wait3A_227 = tpu.memref_slice %arg9[%add3A_29, %dma_wait3A_226] : memref<10240x128xf32, #tpu.memory_space<vmem_shared>> -> memref<128x128xf32, #tpu.memory_space<vmem_shared>>
      %dma_wait3A_228 = arith.constant 0 : i32
      %dma_wait3A_229 = arith.constant 0 : i32
      %dma_wait3A_230 = tpu.memref_slice %arg8[%run_scoped3A_30, %dma_wait3A_228, %dma_wait3A_229] : memref<2x128x128xf32, #tpu.memory_space<vmem>> -> memref<1x128x128xf32, #tpu.memory_space<vmem>>
      %dma_wait3A_231 = tpu.memref_squeeze %dma_wait3A_230 : memref<1x128x128xf32, #tpu.memory_space<vmem>> -> memref<128x128xf32, #tpu.memory_space<vmem>>
      tpu.wait_dma2 semaphore(%run_scoped3A_207 : memref<!tpu.dma_semaphore, #tpu.memory_space<semaphore_mem>>) src(%dma_wait3A_231 : memref<128x128xf32, #tpu.memory_space<vmem>>) dst(%dma_wait3A_227 : memref<128x128xf32, #tpu.memory_space<vmem_shared>>)
      tpu.yield
    }) : () -> ()
    %barrier3A = arith.constant 0 : index
    tpu.barrier barrier_id(%barrier3A)
    %mul3A_31 = arith.constant 80 : i32
    %mul3A_32 = arith.muli %add3A, %mul3A_31 : i32
    %add3A_33 = arith.constant 0 : i32
    %add3A_34 = arith.addi %mul3A_32, %add3A_33 : i32
    "tpu.region"() ({
      %run_scoped3A_207 = tpu.sem_alloc : memref<!tpu.dma_semaphore, #tpu.memory_space<semaphore_mem>>
      %dma_start3A_208 = arith.constant 0 : i32
      %dma_start3A_209 = tpu.memref_slice %arg3[%add3A_34, %dma_start3A_208] : memref<2560x128xi32, #tpu.memory_space<hbm>> -> memref<40x128xi32, #tpu.memory_space<hbm>>
      %dma_start3A_210 = arith.constant 0 : i32
      %dma_start3A_211 = tpu.memref_slice %arg3[%add3A_34, %dma_start3A_210] : memref<2560x128xi32, #tpu.memory_space<hbm>> -> memref<40x128xi32, #tpu.memory_space<hbm>>
      tpu.enqueue_dma source(%dma_start3A_211 : memref<40x128xi32, #tpu.memory_space<hbm>>) target(%arg6 : memref<40x128xi32, #tpu.memory_space<vmem>>) target_semaphore(%run_scoped3A_207 : memref<!tpu.dma_semaphore, #tpu.memory_space<semaphore_mem>>)
      %dma_wait3A_212 = arith.constant 0 : i32
      %dma_wait3A_213 = tpu.memref_slice %arg3[%add3A_34, %dma_wait3A_212] : memref<2560x128xi32, #tpu.memory_space<hbm>> -> memref<40x128xi32, #tpu.memory_space<hbm>>
      %dma_wait3A_214 = arith.constant 0 : i32
      %dma_wait3A_215 = tpu.memref_slice %arg3[%add3A_34, %dma_wait3A_214] : memref<2560x128xi32, #tpu.memory_space<hbm>> -> memref<40x128xi32, #tpu.memory_space<hbm>>
      tpu.wait_dma2 semaphore(%run_scoped3A_207 : memref<!tpu.dma_semaphore, #tpu.memory_space<semaphore_mem>>) src(%dma_wait3A_215 : memref<40x128xi32, #tpu.memory_space<hbm>>) dst(%arg6 : memref<40x128xi32, #tpu.memory_space<vmem>>)
      tpu.yield
    }) : () -> ()
    "tpu.region"() ({
      %run_scoped3A_207 = tpu.sem_alloc : memref<!tpu.dma_semaphore, #tpu.memory_space<semaphore_mem>>
      %dma_start3A_208 = arith.constant 0 : i32
      %dma_start3A_209 = tpu.memref_slice %arg4[%add3A_34, %dma_start3A_208] : memref<2560x128xi32, #tpu.memory_space<hbm>> -> memref<40x128xi32, #tpu.memory_space<hbm>>
      %dma_start3A_210 = arith.constant 0 : i32
      %dma_start3A_211 = tpu.memref_slice %arg4[%add3A_34, %dma_start3A_210] : memref<2560x128xi32, #tpu.memory_space<hbm>> -> memref<40x128xi32, #tpu.memory_space<hbm>>
      tpu.enqueue_dma source(%dma_start3A_211 : memref<40x128xi32, #tpu.memory_space<hbm>>) target(%arg7 : memref<40x128xi32, #tpu.memory_space<vmem>>) target_semaphore(%run_scoped3A_207 : memref<!tpu.dma_semaphore, #tpu.memory_space<semaphore_mem>>)
      %dma_wait3A_212 = arith.constant 0 : i32
      %dma_wait3A_213 = tpu.memref_slice %arg4[%add3A_34, %dma_wait3A_212] : memref<2560x128xi32, #tpu.memory_space<hbm>> -> memref<40x128xi32, #tpu.memory_space<hbm>>
      %dma_wait3A_214 = arith.constant 0 : i32
      %dma_wait3A_215 = tpu.memref_slice %arg4[%add3A_34, %dma_wait3A_214] : memref<2560x128xi32, #tpu.memory_space<hbm>> -> memref<40x128xi32, #tpu.memory_space<hbm>>
      tpu.wait_dma2 semaphore(%run_scoped3A_207 : memref<!tpu.dma_semaphore, #tpu.memory_space<semaphore_mem>>) src(%dma_wait3A_215 : memref<40x128xi32, #tpu.memory_space<hbm>>) dst(%arg7 : memref<40x128xi32, #tpu.memory_space<vmem>>)
      tpu.yield
    }) : () -> ()
    %dma_start3A = arith.constant 0 : i32
    %dma_start3A_35 = arith.constant 0 : i32
    %dma_start3A_36 = arith.constant 0 : i32
    %dma_start3A_37 = arith.constant 0 : i32
    %dma_start3A_38 = arith.constant 0 : i32
    %dma_start3A_39 = tpu.memref_slice %arg8[%dma_start3A_35, %dma_start3A_37, %dma_start3A_38] : memref<2x128x128xf32, #tpu.memory_space<vmem>> -> memref<1x128x128xf32, #tpu.memory_space<vmem>>
    %dma_start3A_40 = tpu.memref_squeeze %dma_start3A_39 : memref<1x128x128xf32, #tpu.memory_space<vmem>> -> memref<128x128xf32, #tpu.memory_space<vmem>>
    %dma_start3A_41 = arith.constant 0 : i32
    %dma_start3A_42 = tpu.memref_slice %arg6[%dma_start3A, %dma_start3A_41] : memref<40x128xi32, #tpu.memory_space<vmem>> -> memref<1x128xi32, #tpu.memory_space<vmem>>
    %dma_start3A_43 = tpu.memref_squeeze %dma_start3A_42 : memref<1x128xi32, #tpu.memory_space<vmem>> -> memref<128xi32, #tpu.memory_space<vmem>>
    %dma_start3A_44 = arith.constant 0 : i32
    %dma_start3A_45 = arith.constant 0 : i32
    %dma_start3A_46 = tpu.memref_slice %arg2[%dma_start3A_44, %dma_start3A_45] : memref<10240x128xf32, #tpu.memory_space<hbm>> -> memref<10240x128xf32, #tpu.memory_space<hbm>>
    %dma_start3A_47 = tpu.memref_slice %arg10[%dma_start3A_36] : memref<2x!tpu.dma_semaphore, #tpu.memory_space<semaphore_mem>> -> memref<1x!tpu.dma_semaphore, #tpu.memory_space<semaphore_mem>>
    %dma_start3A_48 = tpu.memref_squeeze %dma_start3A_47 : memref<1x!tpu.dma_semaphore, #tpu.memory_space<semaphore_mem>> -> memref<!tpu.dma_semaphore, #tpu.memory_space<semaphore_mem>>
    tpu.enqueue_indirect_dma source(%dma_start3A_46 : memref<10240x128xf32, #tpu.memory_space<hbm>>) target(%dma_start3A_40 : memref<128x128xf32, #tpu.memory_space<vmem>>) offsets(%dma_start3A_43 : memref<128xi32, #tpu.memory_space<vmem>>) semaphore(%dma_start3A_48 : memref<!tpu.dma_semaphore, #tpu.memory_space<semaphore_mem>>)
    %scan3A_49 = arith.constant 0 : i32
    %scan3A_50 = arith.constant 0 : i32
    %scan3A_51 = arith.constant 40 : i32
    %scan3A_52 = arith.addi %scan3A_50, %scan3A_51 : i32
    %scan3A_53 = arith.constant 1 : i32
    %scan3A_54 = scf.for %scan3A_207 = %scan3A_50 to %scan3A_52 step %scan3A_53 iter_args(%scan3A_208 = %scan3A_49) -> (i32)  : i32 {
      %add3A_209 = arith.constant 0 : i32
      %add3A_210 = arith.addi %add3A_209, %scan3A_207 : i32
      %add3A_211 = arith.constant 1 : i32
      %add3A_212 = arith.addi %scan3A_207, %add3A_211 : i32
      %rem3A = arith.constant 2 : i32
      %rem3A_213 = arith.remsi %add3A_212, %rem3A : i32
      %add3A_214 = arith.constant 1 : i32
      %add3A_215 = arith.addi %scan3A_207, %add3A_214 : i32
      %lt3A = arith.constant 40 : i32
      %lt3A_216 = arith.cmpi slt, %add3A_215, %lt3A : i32
      %convert_element_type3A = arith.extui %lt3A_216 : i1 to i32
      %cond3A = arith.constant 0 : i32
      %cond3A_217 = arith.cmpi ne, %convert_element_type3A, %cond3A : i32
      scf.if %cond3A_217 {
        %ge3A = arith.constant 1 : i32
        %ge3A_245 = arith.cmpi sge, %scan3A_207, %ge3A : i32
        %convert_element_type3A_246 = arith.extui %ge3A_245 : i1 to i32
        %cond3A_247 = arith.constant 0 : i32
        %cond3A_248 = arith.cmpi ne, %convert_element_type3A_246, %cond3A_247 : i32
        scf.if %cond3A_248 {
          %sub3A = arith.constant 2 : i32
          %sub3A_263 = arith.subi %add3A_210, %sub3A : i32
          %add3A_264 = arith.constant 1 : i32
          %add3A_265 = arith.addi %sub3A_263, %add3A_264 : i32
          %dma_wait3A_266 = arith.constant 0 : i32
          %dma_wait3A_267 = arith.constant 0 : i32
          %dma_wait3A_268 = tpu.memref_slice %arg8[%rem3A_213, %dma_wait3A_266, %dma_wait3A_267] : memref<2x128x128xf32, #tpu.memory_space<vmem>> -> memref<1x128x128xf32, #tpu.memory_space<vmem>>
          %dma_wait3A_269 = tpu.memref_squeeze %dma_wait3A_268 : memref<1x128x128xf32, #tpu.memory_space<vmem>> -> memref<128x128xf32, #tpu.memory_space<vmem>>
          %dma_wait3A_270 = arith.constant 0 : i32
          %dma_wait3A_271 = tpu.memref_slice %arg7[%add3A_265, %dma_wait3A_270] : memref<40x128xi32, #tpu.memory_space<vmem>> -> memref<1x128xi32, #tpu.memory_space<vmem>>
          %dma_wait3A_272 = tpu.memref_squeeze %dma_wait3A_271 : memref<1x128xi32, #tpu.memory_space<vmem>> -> memref<128xi32, #tpu.memory_space<vmem>>
          %dma_wait3A_273 = arith.constant 0 : i32
          %dma_wait3A_274 = arith.constant 0 : i32
          %dma_wait3A_275 = tpu.memref_slice %arg9[%dma_wait3A_273, %dma_wait3A_274] : memref<10240x128xf32, #tpu.memory_space<vmem_shared>> -> memref<10240x128xf32, #tpu.memory_space<vmem_shared>>
          %dma_wait3A_276 = tpu.memref_slice %arg11[%rem3A_213] : memref<2x!tpu.dma_semaphore, #tpu.memory_space<semaphore_mem>> -> memref<1x!tpu.dma_semaphore, #tpu.memory_space<semaphore_mem>>
          %dma_wait3A_277 = tpu.memref_squeeze %dma_wait3A_276 : memref<1x!tpu.dma_semaphore, #tpu.memory_space<semaphore_mem>> -> memref<!tpu.dma_semaphore, #tpu.memory_space<semaphore_mem>>
          tpu.wait_indirect_dma semaphore(%dma_wait3A_277 : memref<!tpu.dma_semaphore, #tpu.memory_space<semaphore_mem>>) src(%dma_wait3A_269 : memref<128x128xf32, #tpu.memory_space<vmem>>) dst(%dma_wait3A_275 : memref<10240x128xf32, #tpu.memory_space<vmem_shared>>)
        } else {
        }
        %add3A_249 = arith.constant 1 : i32
        %add3A_250 = arith.addi %add3A_210, %add3A_249 : i32
        %dma_start3A_251 = arith.constant 0 : i32
        %dma_start3A_252 = arith.constant 0 : i32
        %dma_start3A_253 = tpu.memref_slice %arg8[%rem3A_213, %dma_start3A_251, %dma_start3A_252] : memref<2x128x128xf32, #tpu.memory_space<vmem>> -> memref<1x128x128xf32, #tpu.memory_space<vmem>>
        %dma_start3A_254 = tpu.memref_squeeze %dma_start3A_253 : memref<1x128x128xf32, #tpu.memory_space<vmem>> -> memref<128x128xf32, #tpu.memory_space<vmem>>
        %dma_start3A_255 = arith.constant 0 : i32
        %dma_start3A_256 = tpu.memref_slice %arg6[%add3A_250, %dma_start3A_255] : memref<40x128xi32, #tpu.memory_space<vmem>> -> memref<1x128xi32, #tpu.memory_space<vmem>>
        %dma_start3A_257 = tpu.memref_squeeze %dma_start3A_256 : memref<1x128xi32, #tpu.memory_space<vmem>> -> memref<128xi32, #tpu.memory_space<vmem>>
        %dma_start3A_258 = arith.constant 0 : i32
        %dma_start3A_259 = arith.constant 0 : i32
        %dma_start3A_260 = tpu.memref_slice %arg2[%dma_start3A_258, %dma_start3A_259] : memref<10240x128xf32, #tpu.memory_space<hbm>> -> memref<10240x128xf32, #tpu.memory_space<hbm>>
        %dma_start3A_261 = tpu.memref_slice %arg10[%rem3A_213] : memref<2x!tpu.dma_semaphore, #tpu.memory_space<semaphore_mem>> -> memref<1x!tpu.dma_semaphore, #tpu.memory_space<semaphore_mem>>
        %dma_start3A_262 = tpu.memref_squeeze %dma_start3A_261 : memref<1x!tpu.dma_semaphore, #tpu.memory_space<semaphore_mem>> -> memref<!tpu.dma_semaphore, #tpu.memory_space<semaphore_mem>>
        tpu.enqueue_indirect_dma source(%dma_start3A_260 : memref<10240x128xf32, #tpu.memory_space<hbm>>) target(%dma_start3A_254 : memref<128x128xf32, #tpu.memory_space<vmem>>) offsets(%dma_start3A_257 : memref<128xi32, #tpu.memory_space<vmem>>) semaphore(%dma_start3A_262 : memref<!tpu.dma_semaphore, #tpu.memory_space<semaphore_mem>>)
      } else {
      }
      %rem3A_218 = arith.constant 2 : i32
      %rem3A_219 = arith.remsi %scan3A_207, %rem3A_218 : i32
      %dma_wait3A_220 = arith.constant 0 : i32
      %dma_wait3A_221 = arith.constant 0 : i32
      %dma_wait3A_222 = tpu.memref_slice %arg8[%rem3A_219, %dma_wait3A_220, %dma_wait3A_221] : memref<2x128x128xf32, #tpu.memory_space<vmem>> -> memref<1x128x128xf32, #tpu.memory_space<vmem>>
      %dma_wait3A_223 = tpu.memref_squeeze %dma_wait3A_222 : memref<1x128x128xf32, #tpu.memory_space<vmem>> -> memref<128x128xf32, #tpu.memory_space<vmem>>
      %dma_wait3A_224 = arith.constant 0 : i32
      %dma_wait3A_225 = tpu.memref_slice %arg6[%add3A_210, %dma_wait3A_224] : memref<40x128xi32, #tpu.memory_space<vmem>> -> memref<1x128xi32, #tpu.memory_space<vmem>>
      %dma_wait3A_226 = tpu.memref_squeeze %dma_wait3A_225 : memref<1x128xi32, #tpu.memory_space<vmem>> -> memref<128xi32, #tpu.memory_space<vmem>>
      %dma_wait3A_227 = arith.constant 0 : i32
      %dma_wait3A_228 = arith.constant 0 : i32
      %dma_wait3A_229 = tpu.memref_slice %arg2[%dma_wait3A_227, %dma_wait3A_228] : memref<10240x128xf32, #tpu.memory_space<hbm>> -> memref<10240x128xf32, #tpu.memory_space<hbm>>
      %dma_wait3A_230 = tpu.memref_slice %arg10[%rem3A_219] : memref<2x!tpu.dma_semaphore, #tpu.memory_space<semaphore_mem>> -> memref<1x!tpu.dma_semaphore, #tpu.memory_space<semaphore_mem>>
      %dma_wait3A_231 = tpu.memref_squeeze %dma_wait3A_230 : memref<1x!tpu.dma_semaphore, #tpu.memory_space<semaphore_mem>> -> memref<!tpu.dma_semaphore, #tpu.memory_space<semaphore_mem>>
      tpu.wait_indirect_dma semaphore(%dma_wait3A_231 : memref<!tpu.dma_semaphore, #tpu.memory_space<semaphore_mem>>) src(%dma_wait3A_229 : memref<10240x128xf32, #tpu.memory_space<hbm>>) dst(%dma_wait3A_223 : memref<128x128xf32, #tpu.memory_space<vmem>>)
      %dma_start3A_232 = arith.constant 0 : i32
      %dma_start3A_233 = arith.constant 0 : i32
      %dma_start3A_234 = tpu.memref_slice %arg8[%rem3A_219, %dma_start3A_232, %dma_start3A_233] : memref<2x128x128xf32, #tpu.memory_space<vmem>> -> memref<1x128x128xf32, #tpu.memory_space<vmem>>
      %dma_start3A_235 = tpu.memref_squeeze %dma_start3A_234 : memref<1x128x128xf32, #tpu.memory_space<vmem>> -> memref<128x128xf32, #tpu.memory_space<vmem>>
      %dma_start3A_236 = arith.constant 0 : i32
      %dma_start3A_237 = tpu.memref_slice %arg7[%add3A_210, %dma_start3A_236] : memref<40x128xi32, #tpu.memory_space<vmem>> -> memref<1x128xi32, #tpu.memory_space<vmem>>
      %dma_start3A_238 = tpu.memref_squeeze %dma_start3A_237 : memref<1x128xi32, #tpu.memory_space<vmem>> -> memref<128xi32, #tpu.memory_space<vmem>>
      %dma_start3A_239 = arith.constant 0 : i32
      %dma_start3A_240 = arith.constant 0 : i32
      %dma_start3A_241 = tpu.memref_slice %arg9[%dma_start3A_239, %dma_start3A_240] : memref<10240x128xf32, #tpu.memory_space<vmem_shared>> -> memref<10240x128xf32, #tpu.memory_space<vmem_shared>>
      %dma_start3A_242 = tpu.memref_slice %arg11[%rem3A_219] : memref<2x!tpu.dma_semaphore, #tpu.memory_space<semaphore_mem>> -> memref<1x!tpu.dma_semaphore, #tpu.memory_space<semaphore_mem>>
      %dma_start3A_243 = tpu.memref_squeeze %dma_start3A_242 : memref<1x!tpu.dma_semaphore, #tpu.memory_space<semaphore_mem>> -> memref<!tpu.dma_semaphore, #tpu.memory_space<semaphore_mem>>
      tpu.enqueue_indirect_dma source(%dma_start3A_235 : memref<128x128xf32, #tpu.memory_space<vmem>>) target(%dma_start3A_241 : memref<10240x128xf32, #tpu.memory_space<vmem_shared>>) offsets(%dma_start3A_238 : memref<128xi32, #tpu.memory_space<vmem>>) semaphore(%dma_start3A_243 : memref<!tpu.dma_semaphore, #tpu.memory_space<semaphore_mem>>) {add = true}
      %scan3A_244 = arith.constant 0 : i32
      scf.yield %scan3A_244 : i32
    }
    %scan3A_55 = arith.constant 40 : i32
    %dma_wait3A = arith.constant 0 : i32
    %dma_wait3A_56 = arith.constant 38 : i32
    %dma_wait3A_57 = arith.constant 0 : i32
    %dma_wait3A_58 = arith.constant 0 : i32
    %dma_wait3A_59 = arith.constant 0 : i32
    %dma_wait3A_60 = tpu.memref_slice %arg8[%dma_wait3A, %dma_wait3A_58, %dma_wait3A_59] : memref<2x128x128xf32, #tpu.memory_space<vmem>> -> memref<1x128x128xf32, #tpu.memory_space<vmem>>
    %dma_wait3A_61 = tpu.memref_squeeze %dma_wait3A_60 : memref<1x128x128xf32, #tpu.memory_space<vmem>> -> memref<128x128xf32, #tpu.memory_space<vmem>>
    %dma_wait3A_62 = arith.constant 0 : i32
    %dma_wait3A_63 = tpu.memref_slice %arg7[%dma_wait3A_56, %dma_wait3A_62] : memref<40x128xi32, #tpu.memory_space<vmem>> -> memref<1x128xi32, #tpu.memory_space<vmem>>
    %dma_wait3A_64 = tpu.memref_squeeze %dma_wait3A_63 : memref<1x128xi32, #tpu.memory_space<vmem>> -> memref<128xi32, #tpu.memory_space<vmem>>
    %dma_wait3A_65 = arith.constant 0 : i32
    %dma_wait3A_66 = arith.constant 0 : i32
    %dma_wait3A_67 = tpu.memref_slice %arg9[%dma_wait3A_65, %dma_wait3A_66] : memref<10240x128xf32, #tpu.memory_space<vmem_shared>> -> memref<10240x128xf32, #tpu.memory_space<vmem_shared>>
    %dma_wait3A_68 = tpu.memref_slice %arg11[%dma_wait3A_57] : memref<2x!tpu.dma_semaphore, #tpu.memory_space<semaphore_mem>> -> memref<1x!tpu.dma_semaphore, #tpu.memory_space<semaphore_mem>>
    %dma_wait3A_69 = tpu.memref_squeeze %dma_wait3A_68 : memref<1x!tpu.dma_semaphore, #tpu.memory_space<semaphore_mem>> -> memref<!tpu.dma_semaphore, #tpu.memory_space<semaphore_mem>>
    tpu.wait_indirect_dma semaphore(%dma_wait3A_69 : memref<!tpu.dma_semaphore, #tpu.memory_space<semaphore_mem>>) src(%dma_wait3A_61 : memref<128x128xf32, #tpu.memory_space<vmem>>) dst(%dma_wait3A_67 : memref<10240x128xf32, #tpu.memory_space<vmem_shared>>)
    %dma_wait3A_70 = arith.constant 1 : i32
    %dma_wait3A_71 = arith.constant 39 : i32
    %dma_wait3A_72 = arith.constant 1 : i32
    %dma_wait3A_73 = arith.constant 0 : i32
    %dma_wait3A_74 = arith.constant 0 : i32
    %dma_wait3A_75 = tpu.memref_slice %arg8[%dma_wait3A_70, %dma_wait3A_73, %dma_wait3A_74] : memref<2x128x128xf32, #tpu.memory_space<vmem>> -> memref<1x128x128xf32, #tpu.memory_space<vmem>>
    %dma_wait3A_76 = tpu.memref_squeeze %dma_wait3A_75 : memref<1x128x128xf32, #tpu.memory_space<vmem>> -> memref<128x128xf32, #tpu.memory_space<vmem>>
    %dma_wait3A_77 = arith.constant 0 : i32
    %dma_wait3A_78 = tpu.memref_slice %arg7[%dma_wait3A_71, %dma_wait3A_77] : memref<40x128xi32, #tpu.memory_space<vmem>> -> memref<1x128xi32, #tpu.memory_space<vmem>>
    %dma_wait3A_79 = tpu.memref_squeeze %dma_wait3A_78 : memref<1x128xi32, #tpu.memory_space<vmem>> -> memref<128xi32, #tpu.memory_space<vmem>>
    %dma_wait3A_80 = arith.constant 0 : i32
    %dma_wait3A_81 = arith.constant 0 : i32
    %dma_wait3A_82 = tpu.memref_slice %arg9[%dma_wait3A_80, %dma_wait3A_81] : memref<10240x128xf32, #tpu.memory_space<vmem_shared>> -> memref<10240x128xf32, #tpu.memory_space<vmem_shared>>
    %dma_wait3A_83 = tpu.memref_slice %arg11[%dma_wait3A_72] : memref<2x!tpu.dma_semaphore, #tpu.memory_space<semaphore_mem>> -> memref<1x!tpu.dma_semaphore, #tpu.memory_space<semaphore_mem>>
    %dma_wait3A_84 = tpu.memref_squeeze %dma_wait3A_83 : memref<1x!tpu.dma_semaphore, #tpu.memory_space<semaphore_mem>> -> memref<!tpu.dma_semaphore, #tpu.memory_space<semaphore_mem>>
    tpu.wait_indirect_dma semaphore(%dma_wait3A_84 : memref<!tpu.dma_semaphore, #tpu.memory_space<semaphore_mem>>) src(%dma_wait3A_76 : memref<128x128xf32, #tpu.memory_space<vmem>>) dst(%dma_wait3A_82 : memref<10240x128xf32, #tpu.memory_space<vmem_shared>>)
    %mul3A_85 = arith.constant 80 : i32
    %mul3A_86 = arith.muli %add3A, %mul3A_85 : i32
    %add3A_87 = arith.constant 40 : i32
    %add3A_88 = arith.addi %mul3A_86, %add3A_87 : i32
    "tpu.region"() ({
      %run_scoped3A_207 = tpu.sem_alloc : memref<!tpu.dma_semaphore, #tpu.memory_space<semaphore_mem>>
      %dma_start3A_208 = arith.constant 0 : i32
      %dma_start3A_209 = tpu.memref_slice %arg3[%add3A_88, %dma_start3A_208] : memref<2560x128xi32, #tpu.memory_space<hbm>> -> memref<40x128xi32, #tpu.memory_space<hbm>>
      %dma_start3A_210 = arith.constant 0 : i32
      %dma_start3A_211 = tpu.memref_slice %arg3[%add3A_88, %dma_start3A_210] : memref<2560x128xi32, #tpu.memory_space<hbm>> -> memref<40x128xi32, #tpu.memory_space<hbm>>
      tpu.enqueue_dma source(%dma_start3A_211 : memref<40x128xi32, #tpu.memory_space<hbm>>) target(%arg6 : memref<40x128xi32, #tpu.memory_space<vmem>>) target_semaphore(%run_scoped3A_207 : memref<!tpu.dma_semaphore, #tpu.memory_space<semaphore_mem>>)
      %dma_wait3A_212 = arith.constant 0 : i32
      %dma_wait3A_213 = tpu.memref_slice %arg3[%add3A_88, %dma_wait3A_212] : memref<2560x128xi32, #tpu.memory_space<hbm>> -> memref<40x128xi32, #tpu.memory_space<hbm>>
      %dma_wait3A_214 = arith.constant 0 : i32
      %dma_wait3A_215 = tpu.memref_slice %arg3[%add3A_88, %dma_wait3A_214] : memref<2560x128xi32, #tpu.memory_space<hbm>> -> memref<40x128xi32, #tpu.memory_space<hbm>>
      tpu.wait_dma2 semaphore(%run_scoped3A_207 : memref<!tpu.dma_semaphore, #tpu.memory_space<semaphore_mem>>) src(%dma_wait3A_215 : memref<40x128xi32, #tpu.memory_space<hbm>>) dst(%arg6 : memref<40x128xi32, #tpu.memory_space<vmem>>)
      tpu.yield
    }) : () -> ()
    "tpu.region"() ({
      %run_scoped3A_207 = tpu.sem_alloc : memref<!tpu.dma_semaphore, #tpu.memory_space<semaphore_mem>>
      %dma_start3A_208 = arith.constant 0 : i32
      %dma_start3A_209 = tpu.memref_slice %arg4[%add3A_88, %dma_start3A_208] : memref<2560x128xi32, #tpu.memory_space<hbm>> -> memref<40x128xi32, #tpu.memory_space<hbm>>
      %dma_start3A_210 = arith.constant 0 : i32
      %dma_start3A_211 = tpu.memref_slice %arg4[%add3A_88, %dma_start3A_210] : memref<2560x128xi32, #tpu.memory_space<hbm>> -> memref<40x128xi32, #tpu.memory_space<hbm>>
      tpu.enqueue_dma source(%dma_start3A_211 : memref<40x128xi32, #tpu.memory_space<hbm>>) target(%arg7 : memref<40x128xi32, #tpu.memory_space<vmem>>) target_semaphore(%run_scoped3A_207 : memref<!tpu.dma_semaphore, #tpu.memory_space<semaphore_mem>>)
      %dma_wait3A_212 = arith.constant 0 : i32
      %dma_wait3A_213 = tpu.memref_slice %arg4[%add3A_88, %dma_wait3A_212] : memref<2560x128xi32, #tpu.memory_space<hbm>> -> memref<40x128xi32, #tpu.memory_space<hbm>>
      %dma_wait3A_214 = arith.constant 0 : i32
      %dma_wait3A_215 = tpu.memref_slice %arg4[%add3A_88, %dma_wait3A_214] : memref<2560x128xi32, #tpu.memory_space<hbm>> -> memref<40x128xi32, #tpu.memory_space<hbm>>
      tpu.wait_dma2 semaphore(%run_scoped3A_207 : memref<!tpu.dma_semaphore, #tpu.memory_space<semaphore_mem>>) src(%dma_wait3A_215 : memref<40x128xi32, #tpu.memory_space<hbm>>) dst(%arg7 : memref<40x128xi32, #tpu.memory_space<vmem>>)
      tpu.yield
    }) : () -> ()
    %dma_start3A_89 = arith.constant 0 : i32
    %dma_start3A_90 = arith.constant 0 : i32
    %dma_start3A_91 = arith.constant 0 : i32
    %dma_start3A_92 = arith.constant 0 : i32
    %dma_start3A_93 = arith.constant 0 : i32
    %dma_start3A_94 = tpu.memref_slice %arg8[%dma_start3A_90, %dma_start3A_92, %dma_start3A_93] : memref<2x128x128xf32, #tpu.memory_space<vmem>> -> memref<1x128x128xf32, #tpu.memory_space<vmem>>
    %dma_start3A_95 = tpu.memref_squeeze %dma_start3A_94 : memref<1x128x128xf32, #tpu.memory_space<vmem>> -> memref<128x128xf32, #tpu.memory_space<vmem>>
    %dma_start3A_96 = arith.constant 0 : i32
    %dma_start3A_97 = tpu.memref_slice %arg6[%dma_start3A_89, %dma_start3A_96] : memref<40x128xi32, #tpu.memory_space<vmem>> -> memref<1x128xi32, #tpu.memory_space<vmem>>
    %dma_start3A_98 = tpu.memref_squeeze %dma_start3A_97 : memref<1x128xi32, #tpu.memory_space<vmem>> -> memref<128xi32, #tpu.memory_space<vmem>>
    %dma_start3A_99 = arith.constant 0 : i32
    %dma_start3A_100 = arith.constant 0 : i32
    %dma_start3A_101 = tpu.memref_slice %arg2[%dma_start3A_99, %dma_start3A_100] : memref<10240x128xf32, #tpu.memory_space<hbm>> -> memref<10240x128xf32, #tpu.memory_space<hbm>>
    %dma_start3A_102 = tpu.memref_slice %arg10[%dma_start3A_91] : memref<2x!tpu.dma_semaphore, #tpu.memory_space<semaphore_mem>> -> memref<1x!tpu.dma_semaphore, #tpu.memory_space<semaphore_mem>>
    %dma_start3A_103 = tpu.memref_squeeze %dma_start3A_102 : memref<1x!tpu.dma_semaphore, #tpu.memory_space<semaphore_mem>> -> memref<!tpu.dma_semaphore, #tpu.memory_space<semaphore_mem>>
    tpu.enqueue_indirect_dma source(%dma_start3A_101 : memref<10240x128xf32, #tpu.memory_space<hbm>>) target(%dma_start3A_95 : memref<128x128xf32, #tpu.memory_space<vmem>>) offsets(%dma_start3A_98 : memref<128xi32, #tpu.memory_space<vmem>>) semaphore(%dma_start3A_103 : memref<!tpu.dma_semaphore, #tpu.memory_space<semaphore_mem>>)
    %scan3A_104 = arith.constant 0 : i32
    %scan3A_105 = arith.constant 0 : i32
    %scan3A_106 = arith.constant 40 : i32
    %scan3A_107 = arith.addi %scan3A_105, %scan3A_106 : i32
    %scan3A_108 = arith.constant 1 : i32
    %scan3A_109 = scf.for %scan3A_207 = %scan3A_105 to %scan3A_107 step %scan3A_108 iter_args(%scan3A_208 = %scan3A_104) -> (i32)  : i32 {
      %add3A_209 = arith.constant 0 : i32
      %add3A_210 = arith.addi %add3A_209, %scan3A_207 : i32
      %add3A_211 = arith.constant 1 : i32
      %add3A_212 = arith.addi %scan3A_207, %add3A_211 : i32
      %rem3A = arith.constant 2 : i32
      %rem3A_213 = arith.remsi %add3A_212, %rem3A : i32
      %add3A_214 = arith.constant 1 : i32
      %add3A_215 = arith.addi %scan3A_207, %add3A_214 : i32
      %lt3A = arith.constant 40 : i32
      %lt3A_216 = arith.cmpi slt, %add3A_215, %lt3A : i32
      %convert_element_type3A = arith.extui %lt3A_216 : i1 to i32
      %cond3A = arith.constant 0 : i32
      %cond3A_217 = arith.cmpi ne, %convert_element_type3A, %cond3A : i32
      scf.if %cond3A_217 {
        %ge3A = arith.constant 1 : i32
        %ge3A_245 = arith.cmpi sge, %scan3A_207, %ge3A : i32
        %convert_element_type3A_246 = arith.extui %ge3A_245 : i1 to i32
        %cond3A_247 = arith.constant 0 : i32
        %cond3A_248 = arith.cmpi ne, %convert_element_type3A_246, %cond3A_247 : i32
        scf.if %cond3A_248 {
          %sub3A = arith.constant 2 : i32
          %sub3A_263 = arith.subi %add3A_210, %sub3A : i32
          %add3A_264 = arith.constant 1 : i32
          %add3A_265 = arith.addi %sub3A_263, %add3A_264 : i32
          %dma_wait3A_266 = arith.constant 0 : i32
          %dma_wait3A_267 = arith.constant 0 : i32
          %dma_wait3A_268 = tpu.memref_slice %arg8[%rem3A_213, %dma_wait3A_266, %dma_wait3A_267] : memref<2x128x128xf32, #tpu.memory_space<vmem>> -> memref<1x128x128xf32, #tpu.memory_space<vmem>>
          %dma_wait3A_269 = tpu.memref_squeeze %dma_wait3A_268 : memref<1x128x128xf32, #tpu.memory_space<vmem>> -> memref<128x128xf32, #tpu.memory_space<vmem>>
          %dma_wait3A_270 = arith.constant 0 : i32
          %dma_wait3A_271 = tpu.memref_slice %arg7[%add3A_265, %dma_wait3A_270] : memref<40x128xi32, #tpu.memory_space<vmem>> -> memref<1x128xi32, #tpu.memory_space<vmem>>
          %dma_wait3A_272 = tpu.memref_squeeze %dma_wait3A_271 : memref<1x128xi32, #tpu.memory_space<vmem>> -> memref<128xi32, #tpu.memory_space<vmem>>
          %dma_wait3A_273 = arith.constant 0 : i32
          %dma_wait3A_274 = arith.constant 0 : i32
          %dma_wait3A_275 = tpu.memref_slice %arg9[%dma_wait3A_273, %dma_wait3A_274] : memref<10240x128xf32, #tpu.memory_space<vmem_shared>> -> memref<10240x128xf32, #tpu.memory_space<vmem_shared>>
          %dma_wait3A_276 = tpu.memref_slice %arg11[%rem3A_213] : memref<2x!tpu.dma_semaphore, #tpu.memory_space<semaphore_mem>> -> memref<1x!tpu.dma_semaphore, #tpu.memory_space<semaphore_mem>>
          %dma_wait3A_277 = tpu.memref_squeeze %dma_wait3A_276 : memref<1x!tpu.dma_semaphore, #tpu.memory_space<semaphore_mem>> -> memref<!tpu.dma_semaphore, #tpu.memory_space<semaphore_mem>>
          tpu.wait_indirect_dma semaphore(%dma_wait3A_277 : memref<!tpu.dma_semaphore, #tpu.memory_space<semaphore_mem>>) src(%dma_wait3A_269 : memref<128x128xf32, #tpu.memory_space<vmem>>) dst(%dma_wait3A_275 : memref<10240x128xf32, #tpu.memory_space<vmem_shared>>)
        } else {
        }
        %add3A_249 = arith.constant 1 : i32
        %add3A_250 = arith.addi %add3A_210, %add3A_249 : i32
        %dma_start3A_251 = arith.constant 0 : i32
        %dma_start3A_252 = arith.constant 0 : i32
        %dma_start3A_253 = tpu.memref_slice %arg8[%rem3A_213, %dma_start3A_251, %dma_start3A_252] : memref<2x128x128xf32, #tpu.memory_space<vmem>> -> memref<1x128x128xf32, #tpu.memory_space<vmem>>
        %dma_start3A_254 = tpu.memref_squeeze %dma_start3A_253 : memref<1x128x128xf32, #tpu.memory_space<vmem>> -> memref<128x128xf32, #tpu.memory_space<vmem>>
        %dma_start3A_255 = arith.constant 0 : i32
        %dma_start3A_256 = tpu.memref_slice %arg6[%add3A_250, %dma_start3A_255] : memref<40x128xi32, #tpu.memory_space<vmem>> -> memref<1x128xi32, #tpu.memory_space<vmem>>
        %dma_start3A_257 = tpu.memref_squeeze %dma_start3A_256 : memref<1x128xi32, #tpu.memory_space<vmem>> -> memref<128xi32, #tpu.memory_space<vmem>>
        %dma_start3A_258 = arith.constant 0 : i32
        %dma_start3A_259 = arith.constant 0 : i32
        %dma_start3A_260 = tpu.memref_slice %arg2[%dma_start3A_258, %dma_start3A_259] : memref<10240x128xf32, #tpu.memory_space<hbm>> -> memref<10240x128xf32, #tpu.memory_space<hbm>>
        %dma_start3A_261 = tpu.memref_slice %arg10[%rem3A_213] : memref<2x!tpu.dma_semaphore, #tpu.memory_space<semaphore_mem>> -> memref<1x!tpu.dma_semaphore, #tpu.memory_space<semaphore_mem>>
        %dma_start3A_262 = tpu.memref_squeeze %dma_start3A_261 : memref<1x!tpu.dma_semaphore, #tpu.memory_space<semaphore_mem>> -> memref<!tpu.dma_semaphore, #tpu.memory_space<semaphore_mem>>
        tpu.enqueue_indirect_dma source(%dma_start3A_260 : memref<10240x128xf32, #tpu.memory_space<hbm>>) target(%dma_start3A_254 : memref<128x128xf32, #tpu.memory_space<vmem>>) offsets(%dma_start3A_257 : memref<128xi32, #tpu.memory_space<vmem>>) semaphore(%dma_start3A_262 : memref<!tpu.dma_semaphore, #tpu.memory_space<semaphore_mem>>)
      } else {
      }
      %rem3A_218 = arith.constant 2 : i32
      %rem3A_219 = arith.remsi %scan3A_207, %rem3A_218 : i32
      %dma_wait3A_220 = arith.constant 0 : i32
      %dma_wait3A_221 = arith.constant 0 : i32
      %dma_wait3A_222 = tpu.memref_slice %arg8[%rem3A_219, %dma_wait3A_220, %dma_wait3A_221] : memref<2x128x128xf32, #tpu.memory_space<vmem>> -> memref<1x128x128xf32, #tpu.memory_space<vmem>>
      %dma_wait3A_223 = tpu.memref_squeeze %dma_wait3A_222 : memref<1x128x128xf32, #tpu.memory_space<vmem>> -> memref<128x128xf32, #tpu.memory_space<vmem>>
      %dma_wait3A_224 = arith.constant 0 : i32
      %dma_wait3A_225 = tpu.memref_slice %arg6[%add3A_210, %dma_wait3A_224] : memref<40x128xi32, #tpu.memory_space<vmem>> -> memref<1x128xi32, #tpu.memory_space<vmem>>
      %dma_wait3A_226 = tpu.memref_squeeze %dma_wait3A_225 : memref<1x128xi32, #tpu.memory_space<vmem>> -> memref<128xi32, #tpu.memory_space<vmem>>
      %dma_wait3A_227 = arith.constant 0 : i32
      %dma_wait3A_228 = arith.constant 0 : i32
      %dma_wait3A_229 = tpu.memref_slice %arg2[%dma_wait3A_227, %dma_wait3A_228] : memref<10240x128xf32, #tpu.memory_space<hbm>> -> memref<10240x128xf32, #tpu.memory_space<hbm>>
      %dma_wait3A_230 = tpu.memref_slice %arg10[%rem3A_219] : memref<2x!tpu.dma_semaphore, #tpu.memory_space<semaphore_mem>> -> memref<1x!tpu.dma_semaphore, #tpu.memory_space<semaphore_mem>>
      %dma_wait3A_231 = tpu.memref_squeeze %dma_wait3A_230 : memref<1x!tpu.dma_semaphore, #tpu.memory_space<semaphore_mem>> -> memref<!tpu.dma_semaphore, #tpu.memory_space<semaphore_mem>>
      tpu.wait_indirect_dma semaphore(%dma_wait3A_231 : memref<!tpu.dma_semaphore, #tpu.memory_space<semaphore_mem>>) src(%dma_wait3A_229 : memref<10240x128xf32, #tpu.memory_space<hbm>>) dst(%dma_wait3A_223 : memref<128x128xf32, #tpu.memory_space<vmem>>)
      %dma_start3A_232 = arith.constant 0 : i32
      %dma_start3A_233 = arith.constant 0 : i32
      %dma_start3A_234 = tpu.memref_slice %arg8[%rem3A_219, %dma_start3A_232, %dma_start3A_233] : memref<2x128x128xf32, #tpu.memory_space<vmem>> -> memref<1x128x128xf32, #tpu.memory_space<vmem>>
      %dma_start3A_235 = tpu.memref_squeeze %dma_start3A_234 : memref<1x128x128xf32, #tpu.memory_space<vmem>> -> memref<128x128xf32, #tpu.memory_space<vmem>>
      %dma_start3A_236 = arith.constant 0 : i32
      %dma_start3A_237 = tpu.memref_slice %arg7[%add3A_210, %dma_start3A_236] : memref<40x128xi32, #tpu.memory_space<vmem>> -> memref<1x128xi32, #tpu.memory_space<vmem>>
      %dma_start3A_238 = tpu.memref_squeeze %dma_start3A_237 : memref<1x128xi32, #tpu.memory_space<vmem>> -> memref<128xi32, #tpu.memory_space<vmem>>
      %dma_start3A_239 = arith.constant 0 : i32
      %dma_start3A_240 = arith.constant 0 : i32
      %dma_start3A_241 = tpu.memref_slice %arg9[%dma_start3A_239, %dma_start3A_240] : memref<10240x128xf32, #tpu.memory_space<vmem_shared>> -> memref<10240x128xf32, #tpu.memory_space<vmem_shared>>
      %dma_start3A_242 = tpu.memref_slice %arg11[%rem3A_219] : memref<2x!tpu.dma_semaphore, #tpu.memory_space<semaphore_mem>> -> memref<1x!tpu.dma_semaphore, #tpu.memory_space<semaphore_mem>>
      %dma_start3A_243 = tpu.memref_squeeze %dma_start3A_242 : memref<1x!tpu.dma_semaphore, #tpu.memory_space<semaphore_mem>> -> memref<!tpu.dma_semaphore, #tpu.memory_space<semaphore_mem>>
      tpu.enqueue_indirect_dma source(%dma_start3A_235 : memref<128x128xf32, #tpu.memory_space<vmem>>) target(%dma_start3A_241 : memref<10240x128xf32, #tpu.memory_space<vmem_shared>>) offsets(%dma_start3A_238 : memref<128xi32, #tpu.memory_space<vmem>>) semaphore(%dma_start3A_243 : memref<!tpu.dma_semaphore, #tpu.memory_space<semaphore_mem>>) {add = true}
      %scan3A_244 = arith.constant 0 : i32
      scf.yield %scan3A_244 : i32
    }
    %scan3A_110 = arith.constant 40 : i32
    %dma_wait3A_111 = arith.constant 0 : i32
    %dma_wait3A_112 = arith.constant 38 : i32
    %dma_wait3A_113 = arith.constant 0 : i32
    %dma_wait3A_114 = arith.constant 0 : i32
    %dma_wait3A_115 = arith.constant 0 : i32
    %dma_wait3A_116 = tpu.memref_slice %arg8[%dma_wait3A_111, %dma_wait3A_114, %dma_wait3A_115] : memref<2x128x128xf32, #tpu.memory_space<vmem>> -> memref<1x128x128xf32, #tpu.memory_space<vmem>>
    %dma_wait3A_117 = tpu.memref_squeeze %dma_wait3A_116 : memref<1x128x128xf32, #tpu.memory_space<vmem>> -> memref<128x128xf32, #tpu.memory_space<vmem>>
    %dma_wait3A_118 = arith.constant 0 : i32
    %dma_wait3A_119 = tpu.memref_slice %arg7[%dma_wait3A_112, %dma_wait3A_118] : memref<40x128xi32, #tpu.memory_space<vmem>> -> memref<1x128xi32, #tpu.memory_space<vmem>>
    %dma_wait3A_120 = tpu.memref_squeeze %dma_wait3A_119 : memref<1x128xi32, #tpu.memory_space<vmem>> -> memref<128xi32, #tpu.memory_space<vmem>>
    %dma_wait3A_121 = arith.constant 0 : i32
    %dma_wait3A_122 = arith.constant 0 : i32
    %dma_wait3A_123 = tpu.memref_slice %arg9[%dma_wait3A_121, %dma_wait3A_122] : memref<10240x128xf32, #tpu.memory_space<vmem_shared>> -> memref<10240x128xf32, #tpu.memory_space<vmem_shared>>
    %dma_wait3A_124 = tpu.memref_slice %arg11[%dma_wait3A_113] : memref<2x!tpu.dma_semaphore, #tpu.memory_space<semaphore_mem>> -> memref<1x!tpu.dma_semaphore, #tpu.memory_space<semaphore_mem>>
    %dma_wait3A_125 = tpu.memref_squeeze %dma_wait3A_124 : memref<1x!tpu.dma_semaphore, #tpu.memory_space<semaphore_mem>> -> memref<!tpu.dma_semaphore, #tpu.memory_space<semaphore_mem>>
    tpu.wait_indirect_dma semaphore(%dma_wait3A_125 : memref<!tpu.dma_semaphore, #tpu.memory_space<semaphore_mem>>) src(%dma_wait3A_117 : memref<128x128xf32, #tpu.memory_space<vmem>>) dst(%dma_wait3A_123 : memref<10240x128xf32, #tpu.memory_space<vmem_shared>>)
    %dma_wait3A_126 = arith.constant 1 : i32
    %dma_wait3A_127 = arith.constant 39 : i32
    %dma_wait3A_128 = arith.constant 1 : i32
    %dma_wait3A_129 = arith.constant 0 : i32
    %dma_wait3A_130 = arith.constant 0 : i32
    %dma_wait3A_131 = tpu.memref_slice %arg8[%dma_wait3A_126, %dma_wait3A_129, %dma_wait3A_130] : memref<2x128x128xf32, #tpu.memory_space<vmem>> -> memref<1x128x128xf32, #tpu.memory_space<vmem>>
    %dma_wait3A_132 = tpu.memref_squeeze %dma_wait3A_131 : memref<1x128x128xf32, #tpu.memory_space<vmem>> -> memref<128x128xf32, #tpu.memory_space<vmem>>
    %dma_wait3A_133 = arith.constant 0 : i32
    %dma_wait3A_134 = tpu.memref_slice %arg7[%dma_wait3A_127, %dma_wait3A_133] : memref<40x128xi32, #tpu.memory_space<vmem>> -> memref<1x128xi32, #tpu.memory_space<vmem>>
    %dma_wait3A_135 = tpu.memref_squeeze %dma_wait3A_134 : memref<1x128xi32, #tpu.memory_space<vmem>> -> memref<128xi32, #tpu.memory_space<vmem>>
    %dma_wait3A_136 = arith.constant 0 : i32
    %dma_wait3A_137 = arith.constant 0 : i32
    %dma_wait3A_138 = tpu.memref_slice %arg9[%dma_wait3A_136, %dma_wait3A_137] : memref<10240x128xf32, #tpu.memory_space<vmem_shared>> -> memref<10240x128xf32, #tpu.memory_space<vmem_shared>>
    %dma_wait3A_139 = tpu.memref_slice %arg11[%dma_wait3A_128] : memref<2x!tpu.dma_semaphore, #tpu.memory_space<semaphore_mem>> -> memref<1x!tpu.dma_semaphore, #tpu.memory_space<semaphore_mem>>
    %dma_wait3A_140 = tpu.memref_squeeze %dma_wait3A_139 : memref<1x!tpu.dma_semaphore, #tpu.memory_space<semaphore_mem>> -> memref<!tpu.dma_semaphore, #tpu.memory_space<semaphore_mem>>
    tpu.wait_indirect_dma semaphore(%dma_wait3A_140 : memref<!tpu.dma_semaphore, #tpu.memory_space<semaphore_mem>>) src(%dma_wait3A_132 : memref<128x128xf32, #tpu.memory_space<vmem>>) dst(%dma_wait3A_138 : memref<10240x128xf32, #tpu.memory_space<vmem_shared>>)
    %barrier3A_141 = arith.constant 0 : index
    tpu.barrier barrier_id(%barrier3A_141)
    %mul3A_142 = arith.constant 640 : i32
    %mul3A_143 = arith.muli %arg1, %mul3A_142 : i32
    %add3A_144 = arith.constant 0 : i32
    %add3A_145 = arith.addi %mul3A_143, %add3A_144 : i32
    %run_scoped3A_146 = arith.constant 0 : i32
    "tpu.region"() ({
      %run_scoped3A_207 = tpu.sem_alloc : memref<!tpu.dma_semaphore, #tpu.memory_space<semaphore_mem>>
      %dma_start3A_208 = arith.constant 0 : i32
      %dma_start3A_209 = arith.constant 0 : i32
      %dma_start3A_210 = tpu.memref_slice %arg8[%run_scoped3A_146, %dma_start3A_208, %dma_start3A_209] : memref<2x128x128xf32, #tpu.memory_space<vmem>> -> memref<1x128x128xf32, #tpu.memory_space<vmem>>
      %dma_start3A_211 = tpu.memref_squeeze %dma_start3A_210 : memref<1x128x128xf32, #tpu.memory_space<vmem>> -> memref<128x128xf32, #tpu.memory_space<vmem>>
      %dma_start3A_212 = arith.constant 0 : i32
      %dma_start3A_213 = tpu.memref_slice %arg9[%add3A_145, %dma_start3A_212] : memref<10240x128xf32, #tpu.memory_space<vmem_shared>> -> memref<128x128xf32, #tpu.memory_space<vmem_shared>>
      %dma_start3A_214 = arith.constant 0 : i32
      %dma_start3A_215 = arith.constant 0 : i32
      %dma_start3A_216 = tpu.memref_slice %arg8[%run_scoped3A_146, %dma_start3A_214, %dma_start3A_215] : memref<2x128x128xf32, #tpu.memory_space<vmem>> -> memref<1x128x128xf32, #tpu.memory_space<vmem>>
      %dma_start3A_217 = tpu.memref_squeeze %dma_start3A_216 : memref<1x128x128xf32, #tpu.memory_space<vmem>> -> memref<128x128xf32, #tpu.memory_space<vmem>>
      %dma_start3A_218 = arith.constant 0 : i32
      %dma_start3A_219 = tpu.memref_slice %arg9[%add3A_145, %dma_start3A_218] : memref<10240x128xf32, #tpu.memory_space<vmem_shared>> -> memref<128x128xf32, #tpu.memory_space<vmem_shared>>
      tpu.enqueue_dma source(%dma_start3A_219 : memref<128x128xf32, #tpu.memory_space<vmem_shared>>) target(%dma_start3A_217 : memref<128x128xf32, #tpu.memory_space<vmem>>) target_semaphore(%run_scoped3A_207 : memref<!tpu.dma_semaphore, #tpu.memory_space<semaphore_mem>>)
      %dma_wait3A_220 = arith.constant 0 : i32
      %dma_wait3A_221 = arith.constant 0 : i32
      %dma_wait3A_222 = tpu.memref_slice %arg8[%run_scoped3A_146, %dma_wait3A_220, %dma_wait3A_221] : memref<2x128x128xf32, #tpu.memory_space<vmem>> -> memref<1x128x128xf32, #tpu.memory_space<vmem>>
      %dma_wait3A_223 = tpu.memref_squeeze %dma_wait3A_222 : memref<1x128x128xf32, #tpu.memory_space<vmem>> -> memref<128x128xf32, #tpu.memory_space<vmem>>
      %dma_wait3A_224 = arith.constant 0 : i32
      %dma_wait3A_225 = tpu.memref_slice %arg9[%add3A_145, %dma_wait3A_224] : memref<10240x128xf32, #tpu.memory_space<vmem_shared>> -> memref<128x128xf32, #tpu.memory_space<vmem_shared>>
      %dma_wait3A_226 = arith.constant 0 : i32
      %dma_wait3A_227 = arith.constant 0 : i32
      %dma_wait3A_228 = tpu.memref_slice %arg8[%run_scoped3A_146, %dma_wait3A_226, %dma_wait3A_227] : memref<2x128x128xf32, #tpu.memory_space<vmem>> -> memref<1x128x128xf32, #tpu.memory_space<vmem>>
      %dma_wait3A_229 = tpu.memref_squeeze %dma_wait3A_228 : memref<1x128x128xf32, #tpu.memory_space<vmem>> -> memref<128x128xf32, #tpu.memory_space<vmem>>
      %dma_wait3A_230 = arith.constant 0 : i32
      %dma_wait3A_231 = tpu.memref_slice %arg9[%add3A_145, %dma_wait3A_230] : memref<10240x128xf32, #tpu.memory_space<vmem_shared>> -> memref<128x128xf32, #tpu.memory_space<vmem_shared>>
      tpu.wait_dma2 semaphore(%run_scoped3A_207 : memref<!tpu.dma_semaphore, #tpu.memory_space<semaphore_mem>>) src(%dma_wait3A_231 : memref<128x128xf32, #tpu.memory_space<vmem_shared>>) dst(%dma_wait3A_229 : memref<128x128xf32, #tpu.memory_space<vmem>>)
      tpu.yield
    }) : () -> ()
    %mul3A_147 = arith.constant 10240 : i32
    %mul3A_148 = arith.muli %arg0, %mul3A_147 : i32
    %mul3A_149 = arith.constant 640 : i32
    %mul3A_150 = arith.muli %arg1, %mul3A_149 : i32
    %add3A_151 = arith.addi %mul3A_148, %mul3A_150 : i32
    %add3A_152 = arith.constant 0 : i32
    %add3A_153 = arith.addi %add3A_151, %add3A_152 : i32
    %run_scoped3A_154 = arith.constant 0 : i32
    "tpu.region"() ({
      %run_scoped3A_207 = tpu.sem_alloc : memref<!tpu.dma_semaphore, #tpu.memory_space<semaphore_mem>>
      %dma_start3A_208 = arith.constant 0 : i32
      %dma_start3A_209 = arith.constant 0 : i32
      %dma_start3A_210 = tpu.memref_slice %arg8[%run_scoped3A_154, %dma_start3A_208, %dma_start3A_209] : memref<2x128x128xf32, #tpu.memory_space<vmem>> -> memref<1x128x128xf32, #tpu.memory_space<vmem>>
      %dma_start3A_211 = tpu.memref_squeeze %dma_start3A_210 : memref<1x128x128xf32, #tpu.memory_space<vmem>> -> memref<128x128xf32, #tpu.memory_space<vmem>>
      %dma_start3A_212 = arith.constant 0 : i32
      %dma_start3A_213 = tpu.memref_slice %arg5[%add3A_153, %dma_start3A_212] : memref<20480x128xf32, #tpu.memory_space<hbm>> -> memref<128x128xf32, #tpu.memory_space<hbm>>
      %dma_start3A_214 = arith.constant 0 : i32
      %dma_start3A_215 = tpu.memref_slice %arg5[%add3A_153, %dma_start3A_214] : memref<20480x128xf32, #tpu.memory_space<hbm>> -> memref<128x128xf32, #tpu.memory_space<hbm>>
      %dma_start3A_216 = arith.constant 0 : i32
      %dma_start3A_217 = arith.constant 0 : i32
      %dma_start3A_218 = tpu.memref_slice %arg8[%run_scoped3A_154, %dma_start3A_216, %dma_start3A_217] : memref<2x128x128xf32, #tpu.memory_space<vmem>> -> memref<1x128x128xf32, #tpu.memory_space<vmem>>
      %dma_start3A_219 = tpu.memref_squeeze %dma_start3A_218 : memref<1x128x128xf32, #tpu.memory_space<vmem>> -> memref<128x128xf32, #tpu.memory_space<vmem>>
      tpu.enqueue_dma source(%dma_start3A_219 : memref<128x128xf32, #tpu.memory_space<vmem>>) target(%dma_start3A_215 : memref<128x128xf32, #tpu.memory_space<hbm>>) target_semaphore(%run_scoped3A_207 : memref<!tpu.dma_semaphore, #tpu.memory_space<semaphore_mem>>)
      %dma_wait3A_220 = arith.constant 0 : i32
      %dma_wait3A_221 = arith.constant 0 : i32
      %dma_wait3A_222 = tpu.memref_slice %arg8[%run_scoped3A_154, %dma_wait3A_220, %dma_wait3A_221] : memref<2x128x128xf32, #tpu.memory_space<vmem>> -> memref<1x128x128xf32, #tpu.memory_space<vmem>>
      %dma_wait3A_223 = tpu.memref_squeeze %dma_wait3A_222 : memref<1x128x128xf32, #tpu.memory_space<vmem>> -> memref<128x128xf32, #tpu.memory_space<vmem>>
      %dma_wait3A_224 = arith.constant 0 : i32
      %dma_wait3A_225 = tpu.memref_slice %arg5[%add3A_153, %dma_wait3A_224] : memref<20480x128xf32, #tpu.memory_space<hbm>> -> memref<128x128xf32, #tpu.memory_space<hbm>>
      %dma_wait3A_226 = arith.constant 0 : i32
      %dma_wait3A_227 = tpu.memref_slice %arg5[%add3A_153, %dma_wait3A_226] : memref<20480x128xf32, #tpu.memory_space<hbm>> -> memref<128x128xf32, #tpu.memory_space<hbm>>
      %dma_wait3A_228 = arith.constant 0 : i32
      %dma_wait3A_229 = arith.constant 0 : i32
      %dma_wait3A_230 = tpu.memref_slice %arg8[%run_scoped3A_154, %dma_wait3A_228, %dma_wait3A_229] : memref<2x128x128xf32, #tpu.memory_space<vmem>> -> memref<1x128x128xf32, #tpu.memory_space<vmem>>
      %dma_wait3A_231 = tpu.memref_squeeze %dma_wait3A_230 : memref<1x128x128xf32, #tpu.memory_space<vmem>> -> memref<128x128xf32, #tpu.memory_space<vmem>>
      tpu.wait_dma2 semaphore(%run_scoped3A_207 : memref<!tpu.dma_semaphore, #tpu.memory_space<semaphore_mem>>) src(%dma_wait3A_231 : memref<128x128xf32, #tpu.memory_space<vmem>>) dst(%dma_wait3A_227 : memref<128x128xf32, #tpu.memory_space<hbm>>)
      tpu.yield
    }) : () -> ()
    %mul3A_155 = arith.constant 640 : i32
    %mul3A_156 = arith.muli %arg1, %mul3A_155 : i32
    %add3A_157 = arith.constant 128 : i32
    %add3A_158 = arith.addi %mul3A_156, %add3A_157 : i32
    %run_scoped3A_159 = arith.constant 0 : i32
    "tpu.region"() ({
      %run_scoped3A_207 = tpu.sem_alloc : memref<!tpu.dma_semaphore, #tpu.memory_space<semaphore_mem>>
      %dma_start3A_208 = arith.constant 0 : i32
      %dma_start3A_209 = arith.constant 0 : i32
      %dma_start3A_210 = tpu.memref_slice %arg8[%run_scoped3A_159, %dma_start3A_208, %dma_start3A_209] : memref<2x128x128xf32, #tpu.memory_space<vmem>> -> memref<1x128x128xf32, #tpu.memory_space<vmem>>
      %dma_start3A_211 = tpu.memref_squeeze %dma_start3A_210 : memref<1x128x128xf32, #tpu.memory_space<vmem>> -> memref<128x128xf32, #tpu.memory_space<vmem>>
      %dma_start3A_212 = arith.constant 0 : i32
      %dma_start3A_213 = tpu.memref_slice %arg9[%add3A_158, %dma_start3A_212] : memref<10240x128xf32, #tpu.memory_space<vmem_shared>> -> memref<128x128xf32, #tpu.memory_space<vmem_shared>>
      %dma_start3A_214 = arith.constant 0 : i32
      %dma_start3A_215 = arith.constant 0 : i32
      %dma_start3A_216 = tpu.memref_slice %arg8[%run_scoped3A_159, %dma_start3A_214, %dma_start3A_215] : memref<2x128x128xf32, #tpu.memory_space<vmem>> -> memref<1x128x128xf32, #tpu.memory_space<vmem>>
      %dma_start3A_217 = tpu.memref_squeeze %dma_start3A_216 : memref<1x128x128xf32, #tpu.memory_space<vmem>> -> memref<128x128xf32, #tpu.memory_space<vmem>>
      %dma_start3A_218 = arith.constant 0 : i32
      %dma_start3A_219 = tpu.memref_slice %arg9[%add3A_158, %dma_start3A_218] : memref<10240x128xf32, #tpu.memory_space<vmem_shared>> -> memref<128x128xf32, #tpu.memory_space<vmem_shared>>
      tpu.enqueue_dma source(%dma_start3A_219 : memref<128x128xf32, #tpu.memory_space<vmem_shared>>) target(%dma_start3A_217 : memref<128x128xf32, #tpu.memory_space<vmem>>) target_semaphore(%run_scoped3A_207 : memref<!tpu.dma_semaphore, #tpu.memory_space<semaphore_mem>>)
      %dma_wait3A_220 = arith.constant 0 : i32
      %dma_wait3A_221 = arith.constant 0 : i32
      %dma_wait3A_222 = tpu.memref_slice %arg8[%run_scoped3A_159, %dma_wait3A_220, %dma_wait3A_221] : memref<2x128x128xf32, #tpu.memory_space<vmem>> -> memref<1x128x128xf32, #tpu.memory_space<vmem>>
      %dma_wait3A_223 = tpu.memref_squeeze %dma_wait3A_222 : memref<1x128x128xf32, #tpu.memory_space<vmem>> -> memref<128x128xf32, #tpu.memory_space<vmem>>
      %dma_wait3A_224 = arith.constant 0 : i32
      %dma_wait3A_225 = tpu.memref_slice %arg9[%add3A_158, %dma_wait3A_224] : memref<10240x128xf32, #tpu.memory_space<vmem_shared>> -> memref<128x128xf32, #tpu.memory_space<vmem_shared>>
      %dma_wait3A_226 = arith.constant 0 : i32
      %dma_wait3A_227 = arith.constant 0 : i32
      %dma_wait3A_228 = tpu.memref_slice %arg8[%run_scoped3A_159, %dma_wait3A_226, %dma_wait3A_227] : memref<2x128x128xf32, #tpu.memory_space<vmem>> -> memref<1x128x128xf32, #tpu.memory_space<vmem>>
      %dma_wait3A_229 = tpu.memref_squeeze %dma_wait3A_228 : memref<1x128x128xf32, #tpu.memory_space<vmem>> -> memref<128x128xf32, #tpu.memory_space<vmem>>
      %dma_wait3A_230 = arith.constant 0 : i32
      %dma_wait3A_231 = tpu.memref_slice %arg9[%add3A_158, %dma_wait3A_230] : memref<10240x128xf32, #tpu.memory_space<vmem_shared>> -> memref<128x128xf32, #tpu.memory_space<vmem_shared>>
      tpu.wait_dma2 semaphore(%run_scoped3A_207 : memref<!tpu.dma_semaphore, #tpu.memory_space<semaphore_mem>>) src(%dma_wait3A_231 : memref<128x128xf32, #tpu.memory_space<vmem_shared>>) dst(%dma_wait3A_229 : memref<128x128xf32, #tpu.memory_space<vmem>>)
      tpu.yield
    }) : () -> ()
    %mul3A_160 = arith.constant 10240 : i32
    %mul3A_161 = arith.muli %arg0, %mul3A_160 : i32
    %mul3A_162 = arith.constant 640 : i32
    %mul3A_163 = arith.muli %arg1, %mul3A_162 : i32
    %add3A_164 = arith.addi %mul3A_161, %mul3A_163 : i32
    %add3A_165 = arith.constant 128 : i32
    %add3A_166 = arith.addi %add3A_164, %add3A_165 : i32
    %run_scoped3A_167 = arith.constant 0 : i32
    "tpu.region"() ({
      %run_scoped3A_207 = tpu.sem_alloc : memref<!tpu.dma_semaphore, #tpu.memory_space<semaphore_mem>>
      %dma_start3A_208 = arith.constant 0 : i32
      %dma_start3A_209 = arith.constant 0 : i32
      %dma_start3A_210 = tpu.memref_slice %arg8[%run_scoped3A_167, %dma_start3A_208, %dma_start3A_209] : memref<2x128x128xf32, #tpu.memory_space<vmem>> -> memref<1x128x128xf32, #tpu.memory_space<vmem>>
      %dma_start3A_211 = tpu.memref_squeeze %dma_start3A_210 : memref<1x128x128xf32, #tpu.memory_space<vmem>> -> memref<128x128xf32, #tpu.memory_space<vmem>>
      %dma_start3A_212 = arith.constant 0 : i32
      %dma_start3A_213 = tpu.memref_slice %arg5[%add3A_166, %dma_start3A_212] : memref<20480x128xf32, #tpu.memory_space<hbm>> -> memref<128x128xf32, #tpu.memory_space<hbm>>
      %dma_start3A_214 = arith.constant 0 : i32
      %dma_start3A_215 = tpu.memref_slice %arg5[%add3A_166, %dma_start3A_214] : memref<20480x128xf32, #tpu.memory_space<hbm>> -> memref<128x128xf32, #tpu.memory_space<hbm>>
      %dma_start3A_216 = arith.constant 0 : i32
      %dma_start3A_217 = arith.constant 0 : i32
      %dma_start3A_218 = tpu.memref_slice %arg8[%run_scoped3A_167, %dma_start3A_216, %dma_start3A_217] : memref<2x128x128xf32, #tpu.memory_space<vmem>> -> memref<1x128x128xf32, #tpu.memory_space<vmem>>
      %dma_start3A_219 = tpu.memref_squeeze %dma_start3A_218 : memref<1x128x128xf32, #tpu.memory_space<vmem>> -> memref<128x128xf32, #tpu.memory_space<vmem>>
      tpu.enqueue_dma source(%dma_start3A_219 : memref<128x128xf32, #tpu.memory_space<vmem>>) target(%dma_start3A_215 : memref<128x128xf32, #tpu.memory_space<hbm>>) target_semaphore(%run_scoped3A_207 : memref<!tpu.dma_semaphore, #tpu.memory_space<semaphore_mem>>)
      %dma_wait3A_220 = arith.constant 0 : i32
      %dma_wait3A_221 = arith.constant 0 : i32
      %dma_wait3A_222 = tpu.memref_slice %arg8[%run_scoped3A_167, %dma_wait3A_220, %dma_wait3A_221] : memref<2x128x128xf32, #tpu.memory_space<vmem>> -> memref<1x128x128xf32, #tpu.memory_space<vmem>>
      %dma_wait3A_223 = tpu.memref_squeeze %dma_wait3A_222 : memref<1x128x128xf32, #tpu.memory_space<vmem>> -> memref<128x128xf32, #tpu.memory_space<vmem>>
      %dma_wait3A_224 = arith.constant 0 : i32
      %dma_wait3A_225 = tpu.memref_slice %arg5[%add3A_166, %dma_wait3A_224] : memref<20480x128xf32, #tpu.memory_space<hbm>> -> memref<128x128xf32, #tpu.memory_space<hbm>>
      %dma_wait3A_226 = arith.constant 0 : i32
      %dma_wait3A_227 = tpu.memref_slice %arg5[%add3A_166, %dma_wait3A_226] : memref<20480x128xf32, #tpu.memory_space<hbm>> -> memref<128x128xf32, #tpu.memory_space<hbm>>
      %dma_wait3A_228 = arith.constant 0 : i32
      %dma_wait3A_229 = arith.constant 0 : i32
      %dma_wait3A_230 = tpu.memref_slice %arg8[%run_scoped3A_167, %dma_wait3A_228, %dma_wait3A_229] : memref<2x128x128xf32, #tpu.memory_space<vmem>> -> memref<1x128x128xf32, #tpu.memory_space<vmem>>
      %dma_wait3A_231 = tpu.memref_squeeze %dma_wait3A_230 : memref<1x128x128xf32, #tpu.memory_space<vmem>> -> memref<128x128xf32, #tpu.memory_space<vmem>>
      tpu.wait_dma2 semaphore(%run_scoped3A_207 : memref<!tpu.dma_semaphore, #tpu.memory_space<semaphore_mem>>) src(%dma_wait3A_231 : memref<128x128xf32, #tpu.memory_space<vmem>>) dst(%dma_wait3A_227 : memref<128x128xf32, #tpu.memory_space<hbm>>)
      tpu.yield
    }) : () -> ()
    %mul3A_168 = arith.constant 640 : i32
    %mul3A_169 = arith.muli %arg1, %mul3A_168 : i32
    %add3A_170 = arith.constant 256 : i32
    %add3A_171 = arith.addi %mul3A_169, %add3A_170 : i32
    %run_scoped3A_172 = arith.constant 0 : i32
    "tpu.region"() ({
      %run_scoped3A_207 = tpu.sem_alloc : memref<!tpu.dma_semaphore, #tpu.memory_space<semaphore_mem>>
      %dma_start3A_208 = arith.constant 0 : i32
      %dma_start3A_209 = arith.constant 0 : i32
      %dma_start3A_210 = tpu.memref_slice %arg8[%run_scoped3A_172, %dma_start3A_208, %dma_start3A_209] : memref<2x128x128xf32, #tpu.memory_space<vmem>> -> memref<1x128x128xf32, #tpu.memory_space<vmem>>
      %dma_start3A_211 = tpu.memref_squeeze %dma_start3A_210 : memref<1x128x128xf32, #tpu.memory_space<vmem>> -> memref<128x128xf32, #tpu.memory_space<vmem>>
      %dma_start3A_212 = arith.constant 0 : i32
      %dma_start3A_213 = tpu.memref_slice %arg9[%add3A_171, %dma_start3A_212] : memref<10240x128xf32, #tpu.memory_space<vmem_shared>> -> memref<128x128xf32, #tpu.memory_space<vmem_shared>>
      %dma_start3A_214 = arith.constant 0 : i32
      %dma_start3A_215 = arith.constant 0 : i32
      %dma_start3A_216 = tpu.memref_slice %arg8[%run_scoped3A_172, %dma_start3A_214, %dma_start3A_215] : memref<2x128x128xf32, #tpu.memory_space<vmem>> -> memref<1x128x128xf32, #tpu.memory_space<vmem>>
      %dma_start3A_217 = tpu.memref_squeeze %dma_start3A_216 : memref<1x128x128xf32, #tpu.memory_space<vmem>> -> memref<128x128xf32, #tpu.memory_space<vmem>>
      %dma_start3A_218 = arith.constant 0 : i32
      %dma_start3A_219 = tpu.memref_slice %arg9[%add3A_171, %dma_start3A_218] : memref<10240x128xf32, #tpu.memory_space<vmem_shared>> -> memref<128x128xf32, #tpu.memory_space<vmem_shared>>
      tpu.enqueue_dma source(%dma_start3A_219 : memref<128x128xf32, #tpu.memory_space<vmem_shared>>) target(%dma_start3A_217 : memref<128x128xf32, #tpu.memory_space<vmem>>) target_semaphore(%run_scoped3A_207 : memref<!tpu.dma_semaphore, #tpu.memory_space<semaphore_mem>>)
      %dma_wait3A_220 = arith.constant 0 : i32
      %dma_wait3A_221 = arith.constant 0 : i32
      %dma_wait3A_222 = tpu.memref_slice %arg8[%run_scoped3A_172, %dma_wait3A_220, %dma_wait3A_221] : memref<2x128x128xf32, #tpu.memory_space<vmem>> -> memref<1x128x128xf32, #tpu.memory_space<vmem>>
      %dma_wait3A_223 = tpu.memref_squeeze %dma_wait3A_222 : memref<1x128x128xf32, #tpu.memory_space<vmem>> -> memref<128x128xf32, #tpu.memory_space<vmem>>
      %dma_wait3A_224 = arith.constant 0 : i32
      %dma_wait3A_225 = tpu.memref_slice %arg9[%add3A_171, %dma_wait3A_224] : memref<10240x128xf32, #tpu.memory_space<vmem_shared>> -> memref<128x128xf32, #tpu.memory_space<vmem_shared>>
      %dma_wait3A_226 = arith.constant 0 : i32
      %dma_wait3A_227 = arith.constant 0 : i32
      %dma_wait3A_228 = tpu.memref_slice %arg8[%run_scoped3A_172, %dma_wait3A_226, %dma_wait3A_227] : memref<2x128x128xf32, #tpu.memory_space<vmem>> -> memref<1x128x128xf32, #tpu.memory_space<vmem>>
      %dma_wait3A_229 = tpu.memref_squeeze %dma_wait3A_228 : memref<1x128x128xf32, #tpu.memory_space<vmem>> -> memref<128x128xf32, #tpu.memory_space<vmem>>
      %dma_wait3A_230 = arith.constant 0 : i32
      %dma_wait3A_231 = tpu.memref_slice %arg9[%add3A_171, %dma_wait3A_230] : memref<10240x128xf32, #tpu.memory_space<vmem_shared>> -> memref<128x128xf32, #tpu.memory_space<vmem_shared>>
      tpu.wait_dma2 semaphore(%run_scoped3A_207 : memref<!tpu.dma_semaphore, #tpu.memory_space<semaphore_mem>>) src(%dma_wait3A_231 : memref<128x128xf32, #tpu.memory_space<vmem_shared>>) dst(%dma_wait3A_229 : memref<128x128xf32, #tpu.memory_space<vmem>>)
      tpu.yield
    }) : () -> ()
    %mul3A_173 = arith.constant 10240 : i32
    %mul3A_174 = arith.muli %arg0, %mul3A_173 : i32
    %mul3A_175 = arith.constant 640 : i32
    %mul3A_176 = arith.muli %arg1, %mul3A_175 : i32
    %add3A_177 = arith.addi %mul3A_174, %mul3A_176 : i32
    %add3A_178 = arith.constant 256 : i32
    %add3A_179 = arith.addi %add3A_177, %add3A_178 : i32
    %run_scoped3A_180 = arith.constant 0 : i32
    "tpu.region"() ({
      %run_scoped3A_207 = tpu.sem_alloc : memref<!tpu.dma_semaphore, #tpu.memory_space<semaphore_mem>>
      %dma_start3A_208 = arith.constant 0 : i32
      %dma_start3A_209 = arith.constant 0 : i32
      %dma_start3A_210 = tpu.memref_slice %arg8[%run_scoped3A_180, %dma_start3A_208, %dma_start3A_209] : memref<2x128x128xf32, #tpu.memory_space<vmem>> -> memref<1x128x128xf32, #tpu.memory_space<vmem>>
      %dma_start3A_211 = tpu.memref_squeeze %dma_start3A_210 : memref<1x128x128xf32, #tpu.memory_space<vmem>> -> memref<128x128xf32, #tpu.memory_space<vmem>>
      %dma_start3A_212 = arith.constant 0 : i32
      %dma_start3A_213 = tpu.memref_slice %arg5[%add3A_179, %dma_start3A_212] : memref<20480x128xf32, #tpu.memory_space<hbm>> -> memref<128x128xf32, #tpu.memory_space<hbm>>
      %dma_start3A_214 = arith.constant 0 : i32
      %dma_start3A_215 = tpu.memref_slice %arg5[%add3A_179, %dma_start3A_214] : memref<20480x128xf32, #tpu.memory_space<hbm>> -> memref<128x128xf32, #tpu.memory_space<hbm>>
      %dma_start3A_216 = arith.constant 0 : i32
      %dma_start3A_217 = arith.constant 0 : i32
      %dma_start3A_218 = tpu.memref_slice %arg8[%run_scoped3A_180, %dma_start3A_216, %dma_start3A_217] : memref<2x128x128xf32, #tpu.memory_space<vmem>> -> memref<1x128x128xf32, #tpu.memory_space<vmem>>
      %dma_start3A_219 = tpu.memref_squeeze %dma_start3A_218 : memref<1x128x128xf32, #tpu.memory_space<vmem>> -> memref<128x128xf32, #tpu.memory_space<vmem>>
      tpu.enqueue_dma source(%dma_start3A_219 : memref<128x128xf32, #tpu.memory_space<vmem>>) target(%dma_start3A_215 : memref<128x128xf32, #tpu.memory_space<hbm>>) target_semaphore(%run_scoped3A_207 : memref<!tpu.dma_semaphore, #tpu.memory_space<semaphore_mem>>)
      %dma_wait3A_220 = arith.constant 0 : i32
      %dma_wait3A_221 = arith.constant 0 : i32
      %dma_wait3A_222 = tpu.memref_slice %arg8[%run_scoped3A_180, %dma_wait3A_220, %dma_wait3A_221] : memref<2x128x128xf32, #tpu.memory_space<vmem>> -> memref<1x128x128xf32, #tpu.memory_space<vmem>>
      %dma_wait3A_223 = tpu.memref_squeeze %dma_wait3A_222 : memref<1x128x128xf32, #tpu.memory_space<vmem>> -> memref<128x128xf32, #tpu.memory_space<vmem>>
      %dma_wait3A_224 = arith.constant 0 : i32
      %dma_wait3A_225 = tpu.memref_slice %arg5[%add3A_179, %dma_wait3A_224] : memref<20480x128xf32, #tpu.memory_space<hbm>> -> memref<128x128xf32, #tpu.memory_space<hbm>>
      %dma_wait3A_226 = arith.constant 0 : i32
      %dma_wait3A_227 = tpu.memref_slice %arg5[%add3A_179, %dma_wait3A_226] : memref<20480x128xf32, #tpu.memory_space<hbm>> -> memref<128x128xf32, #tpu.memory_space<hbm>>
      %dma_wait3A_228 = arith.constant 0 : i32
      %dma_wait3A_229 = arith.constant 0 : i32
      %dma_wait3A_230 = tpu.memref_slice %arg8[%run_scoped3A_180, %dma_wait3A_228, %dma_wait3A_229] : memref<2x128x128xf32, #tpu.memory_space<vmem>> -> memref<1x128x128xf32, #tpu.memory_space<vmem>>
      %dma_wait3A_231 = tpu.memref_squeeze %dma_wait3A_230 : memref<1x128x128xf32, #tpu.memory_space<vmem>> -> memref<128x128xf32, #tpu.memory_space<vmem>>
      tpu.wait_dma2 semaphore(%run_scoped3A_207 : memref<!tpu.dma_semaphore, #tpu.memory_space<semaphore_mem>>) src(%dma_wait3A_231 : memref<128x128xf32, #tpu.memory_space<vmem>>) dst(%dma_wait3A_227 : memref<128x128xf32, #tpu.memory_space<hbm>>)
      tpu.yield
    }) : () -> ()
    %mul3A_181 = arith.constant 640 : i32
    %mul3A_182 = arith.muli %arg1, %mul3A_181 : i32
    %add3A_183 = arith.constant 384 : i32
    %add3A_184 = arith.addi %mul3A_182, %add3A_183 : i32
    %run_scoped3A_185 = arith.constant 0 : i32
    "tpu.region"() ({
      %run_scoped3A_207 = tpu.sem_alloc : memref<!tpu.dma_semaphore, #tpu.memory_space<semaphore_mem>>
      %dma_start3A_208 = arith.constant 0 : i32
      %dma_start3A_209 = arith.constant 0 : i32
      %dma_start3A_210 = tpu.memref_slice %arg8[%run_scoped3A_185, %dma_start3A_208, %dma_start3A_209] : memref<2x128x128xf32, #tpu.memory_space<vmem>> -> memref<1x128x128xf32, #tpu.memory_space<vmem>>
      %dma_start3A_211 = tpu.memref_squeeze %dma_start3A_210 : memref<1x128x128xf32, #tpu.memory_space<vmem>> -> memref<128x128xf32, #tpu.memory_space<vmem>>
      %dma_start3A_212 = arith.constant 0 : i32
      %dma_start3A_213 = tpu.memref_slice %arg9[%add3A_184, %dma_start3A_212] : memref<10240x128xf32, #tpu.memory_space<vmem_shared>> -> memref<128x128xf32, #tpu.memory_space<vmem_shared>>
      %dma_start3A_214 = arith.constant 0 : i32
      %dma_start3A_215 = arith.constant 0 : i32
      %dma_start3A_216 = tpu.memref_slice %arg8[%run_scoped3A_185, %dma_start3A_214, %dma_start3A_215] : memref<2x128x128xf32, #tpu.memory_space<vmem>> -> memref<1x128x128xf32, #tpu.memory_space<vmem>>
      %dma_start3A_217 = tpu.memref_squeeze %dma_start3A_216 : memref<1x128x128xf32, #tpu.memory_space<vmem>> -> memref<128x128xf32, #tpu.memory_space<vmem>>
      %dma_start3A_218 = arith.constant 0 : i32
      %dma_start3A_219 = tpu.memref_slice %arg9[%add3A_184, %dma_start3A_218] : memref<10240x128xf32, #tpu.memory_space<vmem_shared>> -> memref<128x128xf32, #tpu.memory_space<vmem_shared>>
      tpu.enqueue_dma source(%dma_start3A_219 : memref<128x128xf32, #tpu.memory_space<vmem_shared>>) target(%dma_start3A_217 : memref<128x128xf32, #tpu.memory_space<vmem>>) target_semaphore(%run_scoped3A_207 : memref<!tpu.dma_semaphore, #tpu.memory_space<semaphore_mem>>)
      %dma_wait3A_220 = arith.constant 0 : i32
      %dma_wait3A_221 = arith.constant 0 : i32
      %dma_wait3A_222 = tpu.memref_slice %arg8[%run_scoped3A_185, %dma_wait3A_220, %dma_wait3A_221] : memref<2x128x128xf32, #tpu.memory_space<vmem>> -> memref<1x128x128xf32, #tpu.memory_space<vmem>>
      %dma_wait3A_223 = tpu.memref_squeeze %dma_wait3A_222 : memref<1x128x128xf32, #tpu.memory_space<vmem>> -> memref<128x128xf32, #tpu.memory_space<vmem>>
      %dma_wait3A_224 = arith.constant 0 : i32
      %dma_wait3A_225 = tpu.memref_slice %arg9[%add3A_184, %dma_wait3A_224] : memref<10240x128xf32, #tpu.memory_space<vmem_shared>> -> memref<128x128xf32, #tpu.memory_space<vmem_shared>>
      %dma_wait3A_226 = arith.constant 0 : i32
      %dma_wait3A_227 = arith.constant 0 : i32
      %dma_wait3A_228 = tpu.memref_slice %arg8[%run_scoped3A_185, %dma_wait3A_226, %dma_wait3A_227] : memref<2x128x128xf32, #tpu.memory_space<vmem>> -> memref<1x128x128xf32, #tpu.memory_space<vmem>>
      %dma_wait3A_229 = tpu.memref_squeeze %dma_wait3A_228 : memref<1x128x128xf32, #tpu.memory_space<vmem>> -> memref<128x128xf32, #tpu.memory_space<vmem>>
      %dma_wait3A_230 = arith.constant 0 : i32
      %dma_wait3A_231 = tpu.memref_slice %arg9[%add3A_184, %dma_wait3A_230] : memref<10240x128xf32, #tpu.memory_space<vmem_shared>> -> memref<128x128xf32, #tpu.memory_space<vmem_shared>>
      tpu.wait_dma2 semaphore(%run_scoped3A_207 : memref<!tpu.dma_semaphore, #tpu.memory_space<semaphore_mem>>) src(%dma_wait3A_231 : memref<128x128xf32, #tpu.memory_space<vmem_shared>>) dst(%dma_wait3A_229 : memref<128x128xf32, #tpu.memory_space<vmem>>)
      tpu.yield
    }) : () -> ()
    %mul3A_186 = arith.constant 10240 : i32
    %mul3A_187 = arith.muli %arg0, %mul3A_186 : i32
    %mul3A_188 = arith.constant 640 : i32
    %mul3A_189 = arith.muli %arg1, %mul3A_188 : i32
    %add3A_190 = arith.addi %mul3A_187, %mul3A_189 : i32
    %add3A_191 = arith.constant 384 : i32
    %add3A_192 = arith.addi %add3A_190, %add3A_191 : i32
    %run_scoped3A_193 = arith.constant 0 : i32
    "tpu.region"() ({
      %run_scoped3A_207 = tpu.sem_alloc : memref<!tpu.dma_semaphore, #tpu.memory_space<semaphore_mem>>
      %dma_start3A_208 = arith.constant 0 : i32
      %dma_start3A_209 = arith.constant 0 : i32
      %dma_start3A_210 = tpu.memref_slice %arg8[%run_scoped3A_193, %dma_start3A_208, %dma_start3A_209] : memref<2x128x128xf32, #tpu.memory_space<vmem>> -> memref<1x128x128xf32, #tpu.memory_space<vmem>>
      %dma_start3A_211 = tpu.memref_squeeze %dma_start3A_210 : memref<1x128x128xf32, #tpu.memory_space<vmem>> -> memref<128x128xf32, #tpu.memory_space<vmem>>
      %dma_start3A_212 = arith.constant 0 : i32
      %dma_start3A_213 = tpu.memref_slice %arg5[%add3A_192, %dma_start3A_212] : memref<20480x128xf32, #tpu.memory_space<hbm>> -> memref<128x128xf32, #tpu.memory_space<hbm>>
      %dma_start3A_214 = arith.constant 0 : i32
      %dma_start3A_215 = tpu.memref_slice %arg5[%add3A_192, %dma_start3A_214] : memref<20480x128xf32, #tpu.memory_space<hbm>> -> memref<128x128xf32, #tpu.memory_space<hbm>>
      %dma_start3A_216 = arith.constant 0 : i32
      %dma_start3A_217 = arith.constant 0 : i32
      %dma_start3A_218 = tpu.memref_slice %arg8[%run_scoped3A_193, %dma_start3A_216, %dma_start3A_217] : memref<2x128x128xf32, #tpu.memory_space<vmem>> -> memref<1x128x128xf32, #tpu.memory_space<vmem>>
      %dma_start3A_219 = tpu.memref_squeeze %dma_start3A_218 : memref<1x128x128xf32, #tpu.memory_space<vmem>> -> memref<128x128xf32, #tpu.memory_space<vmem>>
      tpu.enqueue_dma source(%dma_start3A_219 : memref<128x128xf32, #tpu.memory_space<vmem>>) target(%dma_start3A_215 : memref<128x128xf32, #tpu.memory_space<hbm>>) target_semaphore(%run_scoped3A_207 : memref<!tpu.dma_semaphore, #tpu.memory_space<semaphore_mem>>)
      %dma_wait3A_220 = arith.constant 0 : i32
      %dma_wait3A_221 = arith.constant 0 : i32
      %dma_wait3A_222 = tpu.memref_slice %arg8[%run_scoped3A_193, %dma_wait3A_220, %dma_wait3A_221] : memref<2x128x128xf32, #tpu.memory_space<vmem>> -> memref<1x128x128xf32, #tpu.memory_space<vmem>>
      %dma_wait3A_223 = tpu.memref_squeeze %dma_wait3A_222 : memref<1x128x128xf32, #tpu.memory_space<vmem>> -> memref<128x128xf32, #tpu.memory_space<vmem>>
      %dma_wait3A_224 = arith.constant 0 : i32
      %dma_wait3A_225 = tpu.memref_slice %arg5[%add3A_192, %dma_wait3A_224] : memref<20480x128xf32, #tpu.memory_space<hbm>> -> memref<128x128xf32, #tpu.memory_space<hbm>>
      %dma_wait3A_226 = arith.constant 0 : i32
      %dma_wait3A_227 = tpu.memref_slice %arg5[%add3A_192, %dma_wait3A_226] : memref<20480x128xf32, #tpu.memory_space<hbm>> -> memref<128x128xf32, #tpu.memory_space<hbm>>
      %dma_wait3A_228 = arith.constant 0 : i32
      %dma_wait3A_229 = arith.constant 0 : i32
      %dma_wait3A_230 = tpu.memref_slice %arg8[%run_scoped3A_193, %dma_wait3A_228, %dma_wait3A_229] : memref<2x128x128xf32, #tpu.memory_space<vmem>> -> memref<1x128x128xf32, #tpu.memory_space<vmem>>
      %dma_wait3A_231 = tpu.memref_squeeze %dma_wait3A_230 : memref<1x128x128xf32, #tpu.memory_space<vmem>> -> memref<128x128xf32, #tpu.memory_space<vmem>>
      tpu.wait_dma2 semaphore(%run_scoped3A_207 : memref<!tpu.dma_semaphore, #tpu.memory_space<semaphore_mem>>) src(%dma_wait3A_231 : memref<128x128xf32, #tpu.memory_space<vmem>>) dst(%dma_wait3A_227 : memref<128x128xf32, #tpu.memory_space<hbm>>)
      tpu.yield
    }) : () -> ()
    %mul3A_194 = arith.constant 640 : i32
    %mul3A_195 = arith.muli %arg1, %mul3A_194 : i32
    %add3A_196 = arith.constant 512 : i32
    %add3A_197 = arith.addi %mul3A_195, %add3A_196 : i32
    %run_scoped3A_198 = arith.constant 0 : i32
    "tpu.region"() ({
      %run_scoped3A_207 = tpu.sem_alloc : memref<!tpu.dma_semaphore, #tpu.memory_space<semaphore_mem>>
      %dma_start3A_208 = arith.constant 0 : i32
      %dma_start3A_209 = arith.constant 0 : i32
      %dma_start3A_210 = tpu.memref_slice %arg8[%run_scoped3A_198, %dma_start3A_208, %dma_start3A_209] : memref<2x128x128xf32, #tpu.memory_space<vmem>> -> memref<1x128x128xf32, #tpu.memory_space<vmem>>
      %dma_start3A_211 = tpu.memref_squeeze %dma_start3A_210 : memref<1x128x128xf32, #tpu.memory_space<vmem>> -> memref<128x128xf32, #tpu.memory_space<vmem>>
      %dma_start3A_212 = arith.constant 0 : i32
      %dma_start3A_213 = tpu.memref_slice %arg9[%add3A_197, %dma_start3A_212] : memref<10240x128xf32, #tpu.memory_space<vmem_shared>> -> memref<128x128xf32, #tpu.memory_space<vmem_shared>>
      %dma_start3A_214 = arith.constant 0 : i32
      %dma_start3A_215 = arith.constant 0 : i32
      %dma_start3A_216 = tpu.memref_slice %arg8[%run_scoped3A_198, %dma_start3A_214, %dma_start3A_215] : memref<2x128x128xf32, #tpu.memory_space<vmem>> -> memref<1x128x128xf32, #tpu.memory_space<vmem>>
      %dma_start3A_217 = tpu.memref_squeeze %dma_start3A_216 : memref<1x128x128xf32, #tpu.memory_space<vmem>> -> memref<128x128xf32, #tpu.memory_space<vmem>>
      %dma_start3A_218 = arith.constant 0 : i32
      %dma_start3A_219 = tpu.memref_slice %arg9[%add3A_197, %dma_start3A_218] : memref<10240x128xf32, #tpu.memory_space<vmem_shared>> -> memref<128x128xf32, #tpu.memory_space<vmem_shared>>
      tpu.enqueue_dma source(%dma_start3A_219 : memref<128x128xf32, #tpu.memory_space<vmem_shared>>) target(%dma_start3A_217 : memref<128x128xf32, #tpu.memory_space<vmem>>) target_semaphore(%run_scoped3A_207 : memref<!tpu.dma_semaphore, #tpu.memory_space<semaphore_mem>>)
      %dma_wait3A_220 = arith.constant 0 : i32
      %dma_wait3A_221 = arith.constant 0 : i32
      %dma_wait3A_222 = tpu.memref_slice %arg8[%run_scoped3A_198, %dma_wait3A_220, %dma_wait3A_221] : memref<2x128x128xf32, #tpu.memory_space<vmem>> -> memref<1x128x128xf32, #tpu.memory_space<vmem>>
      %dma_wait3A_223 = tpu.memref_squeeze %dma_wait3A_222 : memref<1x128x128xf32, #tpu.memory_space<vmem>> -> memref<128x128xf32, #tpu.memory_space<vmem>>
      %dma_wait3A_224 = arith.constant 0 : i32
      %dma_wait3A_225 = tpu.memref_slice %arg9[%add3A_197, %dma_wait3A_224] : memref<10240x128xf32, #tpu.memory_space<vmem_shared>> -> memref<128x128xf32, #tpu.memory_space<vmem_shared>>
      %dma_wait3A_226 = arith.constant 0 : i32
      %dma_wait3A_227 = arith.constant 0 : i32
      %dma_wait3A_228 = tpu.memref_slice %arg8[%run_scoped3A_198, %dma_wait3A_226, %dma_wait3A_227] : memref<2x128x128xf32, #tpu.memory_space<vmem>> -> memref<1x128x128xf32, #tpu.memory_space<vmem>>
      %dma_wait3A_229 = tpu.memref_squeeze %dma_wait3A_228 : memref<1x128x128xf32, #tpu.memory_space<vmem>> -> memref<128x128xf32, #tpu.memory_space<vmem>>
      %dma_wait3A_230 = arith.constant 0 : i32
      %dma_wait3A_231 = tpu.memref_slice %arg9[%add3A_197, %dma_wait3A_230] : memref<10240x128xf32, #tpu.memory_space<vmem_shared>> -> memref<128x128xf32, #tpu.memory_space<vmem_shared>>
      tpu.wait_dma2 semaphore(%run_scoped3A_207 : memref<!tpu.dma_semaphore, #tpu.memory_space<semaphore_mem>>) src(%dma_wait3A_231 : memref<128x128xf32, #tpu.memory_space<vmem_shared>>) dst(%dma_wait3A_229 : memref<128x128xf32, #tpu.memory_space<vmem>>)
      tpu.yield
    }) : () -> ()
    %mul3A_199 = arith.constant 10240 : i32
    %mul3A_200 = arith.muli %arg0, %mul3A_199 : i32
    %mul3A_201 = arith.constant 640 : i32
    %mul3A_202 = arith.muli %arg1, %mul3A_201 : i32
    %add3A_203 = arith.addi %mul3A_200, %mul3A_202 : i32
    %add3A_204 = arith.constant 512 : i32
    %add3A_205 = arith.addi %add3A_203, %add3A_204 : i32
    %run_scoped3A_206 = arith.constant 0 : i32
    "tpu.region"() ({
      %run_scoped3A_207 = tpu.sem_alloc : memref<!tpu.dma_semaphore, #tpu.memory_space<semaphore_mem>>
      %dma_start3A_208 = arith.constant 0 : i32
      %dma_start3A_209 = arith.constant 0 : i32
      %dma_start3A_210 = tpu.memref_slice %arg8[%run_scoped3A_206, %dma_start3A_208, %dma_start3A_209] : memref<2x128x128xf32, #tpu.memory_space<vmem>> -> memref<1x128x128xf32, #tpu.memory_space<vmem>>
      %dma_start3A_211 = tpu.memref_squeeze %dma_start3A_210 : memref<1x128x128xf32, #tpu.memory_space<vmem>> -> memref<128x128xf32, #tpu.memory_space<vmem>>
      %dma_start3A_212 = arith.constant 0 : i32
      %dma_start3A_213 = tpu.memref_slice %arg5[%add3A_205, %dma_start3A_212] : memref<20480x128xf32, #tpu.memory_space<hbm>> -> memref<128x128xf32, #tpu.memory_space<hbm>>
      %dma_start3A_214 = arith.constant 0 : i32
      %dma_start3A_215 = tpu.memref_slice %arg5[%add3A_205, %dma_start3A_214] : memref<20480x128xf32, #tpu.memory_space<hbm>> -> memref<128x128xf32, #tpu.memory_space<hbm>>
      %dma_start3A_216 = arith.constant 0 : i32
      %dma_start3A_217 = arith.constant 0 : i32
      %dma_start3A_218 = tpu.memref_slice %arg8[%run_scoped3A_206, %dma_start3A_216, %dma_start3A_217] : memref<2x128x128xf32, #tpu.memory_space<vmem>> -> memref<1x128x128xf32, #tpu.memory_space<vmem>>
      %dma_start3A_219 = tpu.memref_squeeze %dma_start3A_218 : memref<1x128x128xf32, #tpu.memory_space<vmem>> -> memref<128x128xf32, #tpu.memory_space<vmem>>
      tpu.enqueue_dma source(%dma_start3A_219 : memref<128x128xf32, #tpu.memory_space<vmem>>) target(%dma_start3A_215 : memref<128x128xf32, #tpu.memory_space<hbm>>) target_semaphore(%run_scoped3A_207 : memref<!tpu.dma_semaphore, #tpu.memory_space<semaphore_mem>>)
      %dma_wait3A_220 = arith.constant 0 : i32
      %dma_wait3A_221 = arith.constant 0 : i32
      %dma_wait3A_222 = tpu.memref_slice %arg8[%run_scoped3A_206, %dma_wait3A_220, %dma_wait3A_221] : memref<2x128x128xf32, #tpu.memory_space<vmem>> -> memref<1x128x128xf32, #tpu.memory_space<vmem>>
      %dma_wait3A_223 = tpu.memref_squeeze %dma_wait3A_222 : memref<1x128x128xf32, #tpu.memory_space<vmem>> -> memref<128x128xf32, #tpu.memory_space<vmem>>
      %dma_wait3A_224 = arith.constant 0 : i32
      %dma_wait3A_225 = tpu.memref_slice %arg5[%add3A_205, %dma_wait3A_224] : memref<20480x128xf32, #tpu.memory_space<hbm>> -> memref<128x128xf32, #tpu.memory_space<hbm>>
      %dma_wait3A_226 = arith.constant 0 : i32
      %dma_wait3A_227 = tpu.memref_slice %arg5[%add3A_205, %dma_wait3A_226] : memref<20480x128xf32, #tpu.memory_space<hbm>> -> memref<128x128xf32, #tpu.memory_space<hbm>>
      %dma_wait3A_228 = arith.constant 0 : i32
      %dma_wait3A_229 = arith.constant 0 : i32
      %dma_wait3A_230 = tpu.memref_slice %arg8[%run_scoped3A_206, %dma_wait3A_228, %dma_wait3A_229] : memref<2x128x128xf32, #tpu.memory_space<vmem>> -> memref<1x128x128xf32, #tpu.memory_space<vmem>>
      %dma_wait3A_231 = tpu.memref_squeeze %dma_wait3A_230 : memref<1x128x128xf32, #tpu.memory_space<vmem>> -> memref<128x128xf32, #tpu.memory_space<vmem>>
      tpu.wait_dma2 semaphore(%run_scoped3A_207 : memref<!tpu.dma_semaphore, #tpu.memory_space<semaphore_mem>>) src(%dma_wait3A_231 : memref<128x128xf32, #tpu.memory_space<vmem>>) dst(%dma_wait3A_227 : memref<128x128xf32, #tpu.memory_space<hbm>>)
      tpu.yield
    }) : () -> ()
    return
  }
}

#map = affine_map<(d0, d1) -> (0, 0)>
module attributes {stable_mosaic.version = 14 : i64} {
  func.func @_agg16(%arg0: i32, %arg1: i32, %arg2: memref<10240x16xf32, #tpu.memory_space<hbm>>, %arg3: memref<2560x128xi32, #tpu.memory_space<hbm>>, %arg4: memref<2560x128xi32, #tpu.memory_space<hbm>>, %arg5: memref<20480x16xf32, #tpu.memory_space<hbm>>, %arg6: memref<80x128xi32, #tpu.memory_space<vmem>>, %arg7: memref<80x128xi32, #tpu.memory_space<vmem>>, %arg8: memref<6x128x16xf32, #tpu.memory_space<vmem>>, %arg9: memref<10240x16xf32, #tpu.memory_space<vmem_shared>>, %arg10: memref<6x!tpu.dma_semaphore, #tpu.memory_space<semaphore_mem>>, %arg11: memref<6x!tpu.dma_semaphore, #tpu.memory_space<semaphore_mem>>) attributes {dimension_semantics = [#tpu.dimension_semantics<core_parallel>, #tpu.dimension_semantics<subcore_parallel>], iteration_bounds = array<i64: 2, 16>, scalar_prefetch = 0 : i64, scratch_operands = 6 : i64, tpu.core_type = #tpu.core_type<sc_vector_subcore>, window_params = [{transform_indices = #map}, {transform_indices = #map}, {transform_indices = #map}, {transform_indices = #map}]} {
    %mul3A = arith.constant 16 : i32
    %mul3A_0 = arith.muli %arg0, %mul3A : i32
    %add3A = arith.addi %mul3A_0, %arg1 : i32
    %scan3A = arith.constant 0 : i32
    %scan3A_1 = arith.constant 0 : i32
    %scan3A_2 = arith.constant 128 : i32
    %scan3A_3 = arith.addi %scan3A_1, %scan3A_2 : i32
    %scan3A_4 = arith.constant 1 : i32
    %scan3A_5 = scf.for %scan3A_241 = %scan3A_1 to %scan3A_3 step %scan3A_4 iter_args(%scan3A_242 = %scan3A) -> (i32)  : i32 {
      %broadcast_in_dim3A = arith.constant 0.000000e+00 : f32
      %broadcast_in_dim3A_243 = vector.broadcast %broadcast_in_dim3A : f32 to vector<16xf32>
      %swap3A = arith.constant 0 : i32
      %swap3A_244 = arith.index_cast %swap3A : i32 to index
      %swap3A_245 = arith.index_cast %scan3A_241 : i32 to index
      %swap3A_246 = arith.constant 0 : index
      %swap3A_247 = tpu.vector_load %arg8[%swap3A_244, %swap3A_245, %swap3A_246] {strides = array<i32>} : memref<6x128x16xf32, #tpu.memory_space<vmem>>, vector<1x1x16xf32>,
      %swap3A_248 = vector.shape_cast %swap3A_247 : vector<1x1x16xf32> to vector<16xf32>
      %swap3A_249 = vector.shape_cast %broadcast_in_dim3A_243 : vector<16xf32> to vector<1x1x16xf32>
      tpu.vector_store %arg8[%swap3A_244, %swap3A_245, %swap3A_246], %swap3A_249 {strides = array<i32>} : memref<6x128x16xf32, #tpu.memory_space<vmem>>, vector<1x1x16xf32>,
      %scan3A_250 = arith.constant 0 : i32
      scf.yield %scan3A_250 : i32
    }
    %scan3A_6 = arith.constant 128 : i32
    %mul3A_7 = arith.constant 640 : i32
    %mul3A_8 = arith.muli %arg1, %mul3A_7 : i32
    %add3A_9 = arith.constant 0 : i32
    %add3A_10 = arith.addi %mul3A_8, %add3A_9 : i32
    %run_scoped3A = arith.constant 0 : i32
    "tpu.region"() ({
      %run_scoped3A_241 = tpu.sem_alloc : memref<!tpu.dma_semaphore, #tpu.memory_space<semaphore_mem>>
      %dma_start3A_242 = arith.constant 0 : i32
      %dma_start3A_243 = arith.constant 0 : i32
      %dma_start3A_244 = tpu.memref_slice %arg8[%run_scoped3A, %dma_start3A_242, %dma_start3A_243] : memref<6x128x16xf32, #tpu.memory_space<vmem>> -> memref<1x128x16xf32, #tpu.memory_space<vmem>>
      %dma_start3A_245 = tpu.memref_squeeze %dma_start3A_244 : memref<1x128x16xf32, #tpu.memory_space<vmem>> -> memref<128x16xf32, #tpu.memory_space<vmem>>
      %dma_start3A_246 = arith.constant 0 : i32
      %dma_start3A_247 = tpu.memref_slice %arg9[%add3A_10, %dma_start3A_246] : memref<10240x16xf32, #tpu.memory_space<vmem_shared>> -> memref<128x16xf32, #tpu.memory_space<vmem_shared>>
      %dma_start3A_248 = arith.constant 0 : i32
      %dma_start3A_249 = tpu.memref_slice %arg9[%add3A_10, %dma_start3A_248] : memref<10240x16xf32, #tpu.memory_space<vmem_shared>> -> memref<128x16xf32, #tpu.memory_space<vmem_shared>>
      %dma_start3A_250 = arith.constant 0 : i32
      %dma_start3A_251 = arith.constant 0 : i32
      %dma_start3A_252 = tpu.memref_slice %arg8[%run_scoped3A, %dma_start3A_250, %dma_start3A_251] : memref<6x128x16xf32, #tpu.memory_space<vmem>> -> memref<1x128x16xf32, #tpu.memory_space<vmem>>
      %dma_start3A_253 = tpu.memref_squeeze %dma_start3A_252 : memref<1x128x16xf32, #tpu.memory_space<vmem>> -> memref<128x16xf32, #tpu.memory_space<vmem>>
      tpu.enqueue_dma source(%dma_start3A_253 : memref<128x16xf32, #tpu.memory_space<vmem>>) target(%dma_start3A_249 : memref<128x16xf32, #tpu.memory_space<vmem_shared>>) target_semaphore(%run_scoped3A_241 : memref<!tpu.dma_semaphore, #tpu.memory_space<semaphore_mem>>)
      %dma_wait3A_254 = arith.constant 0 : i32
      %dma_wait3A_255 = arith.constant 0 : i32
      %dma_wait3A_256 = tpu.memref_slice %arg8[%run_scoped3A, %dma_wait3A_254, %dma_wait3A_255] : memref<6x128x16xf32, #tpu.memory_space<vmem>> -> memref<1x128x16xf32, #tpu.memory_space<vmem>>
      %dma_wait3A_257 = tpu.memref_squeeze %dma_wait3A_256 : memref<1x128x16xf32, #tpu.memory_space<vmem>> -> memref<128x16xf32, #tpu.memory_space<vmem>>
      %dma_wait3A_258 = arith.constant 0 : i32
      %dma_wait3A_259 = tpu.memref_slice %arg9[%add3A_10, %dma_wait3A_258] : memref<10240x16xf32, #tpu.memory_space<vmem_shared>> -> memref<128x16xf32, #tpu.memory_space<vmem_shared>>
      %dma_wait3A_260 = arith.constant 0 : i32
      %dma_wait3A_261 = tpu.memref_slice %arg9[%add3A_10, %dma_wait3A_260] : memref<10240x16xf32, #tpu.memory_space<vmem_shared>> -> memref<128x16xf32, #tpu.memory_space<vmem_shared>>
      %dma_wait3A_262 = arith.constant 0 : i32
      %dma_wait3A_263 = arith.constant 0 : i32
      %dma_wait3A_264 = tpu.memref_slice %arg8[%run_scoped3A, %dma_wait3A_262, %dma_wait3A_263] : memref<6x128x16xf32, #tpu.memory_space<vmem>> -> memref<1x128x16xf32, #tpu.memory_space<vmem>>
      %dma_wait3A_265 = tpu.memref_squeeze %dma_wait3A_264 : memref<1x128x16xf32, #tpu.memory_space<vmem>> -> memref<128x16xf32, #tpu.memory_space<vmem>>
      tpu.wait_dma2 semaphore(%run_scoped3A_241 : memref<!tpu.dma_semaphore, #tpu.memory_space<semaphore_mem>>) src(%dma_wait3A_265 : memref<128x16xf32, #tpu.memory_space<vmem>>) dst(%dma_wait3A_261 : memref<128x16xf32, #tpu.memory_space<vmem_shared>>)
      tpu.yield
    }) : () -> ()
    %mul3A_11 = arith.constant 640 : i32
    %mul3A_12 = arith.muli %arg1, %mul3A_11 : i32
    %add3A_13 = arith.constant 128 : i32
    %add3A_14 = arith.addi %mul3A_12, %add3A_13 : i32
    %run_scoped3A_15 = arith.constant 0 : i32
    "tpu.region"() ({
      %run_scoped3A_241 = tpu.sem_alloc : memref<!tpu.dma_semaphore, #tpu.memory_space<semaphore_mem>>
      %dma_start3A_242 = arith.constant 0 : i32
      %dma_start3A_243 = arith.constant 0 : i32
      %dma_start3A_244 = tpu.memref_slice %arg8[%run_scoped3A_15, %dma_start3A_242, %dma_start3A_243] : memref<6x128x16xf32, #tpu.memory_space<vmem>> -> memref<1x128x16xf32, #tpu.memory_space<vmem>>
      %dma_start3A_245 = tpu.memref_squeeze %dma_start3A_244 : memref<1x128x16xf32, #tpu.memory_space<vmem>> -> memref<128x16xf32, #tpu.memory_space<vmem>>
      %dma_start3A_246 = arith.constant 0 : i32
      %dma_start3A_247 = tpu.memref_slice %arg9[%add3A_14, %dma_start3A_246] : memref<10240x16xf32, #tpu.memory_space<vmem_shared>> -> memref<128x16xf32, #tpu.memory_space<vmem_shared>>
      %dma_start3A_248 = arith.constant 0 : i32
      %dma_start3A_249 = tpu.memref_slice %arg9[%add3A_14, %dma_start3A_248] : memref<10240x16xf32, #tpu.memory_space<vmem_shared>> -> memref<128x16xf32, #tpu.memory_space<vmem_shared>>
      %dma_start3A_250 = arith.constant 0 : i32
      %dma_start3A_251 = arith.constant 0 : i32
      %dma_start3A_252 = tpu.memref_slice %arg8[%run_scoped3A_15, %dma_start3A_250, %dma_start3A_251] : memref<6x128x16xf32, #tpu.memory_space<vmem>> -> memref<1x128x16xf32, #tpu.memory_space<vmem>>
      %dma_start3A_253 = tpu.memref_squeeze %dma_start3A_252 : memref<1x128x16xf32, #tpu.memory_space<vmem>> -> memref<128x16xf32, #tpu.memory_space<vmem>>
      tpu.enqueue_dma source(%dma_start3A_253 : memref<128x16xf32, #tpu.memory_space<vmem>>) target(%dma_start3A_249 : memref<128x16xf32, #tpu.memory_space<vmem_shared>>) target_semaphore(%run_scoped3A_241 : memref<!tpu.dma_semaphore, #tpu.memory_space<semaphore_mem>>)
      %dma_wait3A_254 = arith.constant 0 : i32
      %dma_wait3A_255 = arith.constant 0 : i32
      %dma_wait3A_256 = tpu.memref_slice %arg8[%run_scoped3A_15, %dma_wait3A_254, %dma_wait3A_255] : memref<6x128x16xf32, #tpu.memory_space<vmem>> -> memref<1x128x16xf32, #tpu.memory_space<vmem>>
      %dma_wait3A_257 = tpu.memref_squeeze %dma_wait3A_256 : memref<1x128x16xf32, #tpu.memory_space<vmem>> -> memref<128x16xf32, #tpu.memory_space<vmem>>
      %dma_wait3A_258 = arith.constant 0 : i32
      %dma_wait3A_259 = tpu.memref_slice %arg9[%add3A_14, %dma_wait3A_258] : memref<10240x16xf32, #tpu.memory_space<vmem_shared>> -> memref<128x16xf32, #tpu.memory_space<vmem_shared>>
      %dma_wait3A_260 = arith.constant 0 : i32
      %dma_wait3A_261 = tpu.memref_slice %arg9[%add3A_14, %dma_wait3A_260] : memref<10240x16xf32, #tpu.memory_space<vmem_shared>> -> memref<128x16xf32, #tpu.memory_space<vmem_shared>>
      %dma_wait3A_262 = arith.constant 0 : i32
      %dma_wait3A_263 = arith.constant 0 : i32
      %dma_wait3A_264 = tpu.memref_slice %arg8[%run_scoped3A_15, %dma_wait3A_262, %dma_wait3A_263] : memref<6x128x16xf32, #tpu.memory_space<vmem>> -> memref<1x128x16xf32, #tpu.memory_space<vmem>>
      %dma_wait3A_265 = tpu.memref_squeeze %dma_wait3A_264 : memref<1x128x16xf32, #tpu.memory_space<vmem>> -> memref<128x16xf32, #tpu.memory_space<vmem>>
      tpu.wait_dma2 semaphore(%run_scoped3A_241 : memref<!tpu.dma_semaphore, #tpu.memory_space<semaphore_mem>>) src(%dma_wait3A_265 : memref<128x16xf32, #tpu.memory_space<vmem>>) dst(%dma_wait3A_261 : memref<128x16xf32, #tpu.memory_space<vmem_shared>>)
      tpu.yield
    }) : () -> ()
    %mul3A_16 = arith.constant 640 : i32
    %mul3A_17 = arith.muli %arg1, %mul3A_16 : i32
    %add3A_18 = arith.constant 256 : i32
    %add3A_19 = arith.addi %mul3A_17, %add3A_18 : i32
    %run_scoped3A_20 = arith.constant 0 : i32
    "tpu.region"() ({
      %run_scoped3A_241 = tpu.sem_alloc : memref<!tpu.dma_semaphore, #tpu.memory_space<semaphore_mem>>
      %dma_start3A_242 = arith.constant 0 : i32
      %dma_start3A_243 = arith.constant 0 : i32
      %dma_start3A_244 = tpu.memref_slice %arg8[%run_scoped3A_20, %dma_start3A_242, %dma_start3A_243] : memref<6x128x16xf32, #tpu.memory_space<vmem>> -> memref<1x128x16xf32, #tpu.memory_space<vmem>>
      %dma_start3A_245 = tpu.memref_squeeze %dma_start3A_244 : memref<1x128x16xf32, #tpu.memory_space<vmem>> -> memref<128x16xf32, #tpu.memory_space<vmem>>
      %dma_start3A_246 = arith.constant 0 : i32
      %dma_start3A_247 = tpu.memref_slice %arg9[%add3A_19, %dma_start3A_246] : memref<10240x16xf32, #tpu.memory_space<vmem_shared>> -> memref<128x16xf32, #tpu.memory_space<vmem_shared>>
      %dma_start3A_248 = arith.constant 0 : i32
      %dma_start3A_249 = tpu.memref_slice %arg9[%add3A_19, %dma_start3A_248] : memref<10240x16xf32, #tpu.memory_space<vmem_shared>> -> memref<128x16xf32, #tpu.memory_space<vmem_shared>>
      %dma_start3A_250 = arith.constant 0 : i32
      %dma_start3A_251 = arith.constant 0 : i32
      %dma_start3A_252 = tpu.memref_slice %arg8[%run_scoped3A_20, %dma_start3A_250, %dma_start3A_251] : memref<6x128x16xf32, #tpu.memory_space<vmem>> -> memref<1x128x16xf32, #tpu.memory_space<vmem>>
      %dma_start3A_253 = tpu.memref_squeeze %dma_start3A_252 : memref<1x128x16xf32, #tpu.memory_space<vmem>> -> memref<128x16xf32, #tpu.memory_space<vmem>>
      tpu.enqueue_dma source(%dma_start3A_253 : memref<128x16xf32, #tpu.memory_space<vmem>>) target(%dma_start3A_249 : memref<128x16xf32, #tpu.memory_space<vmem_shared>>) target_semaphore(%run_scoped3A_241 : memref<!tpu.dma_semaphore, #tpu.memory_space<semaphore_mem>>)
      %dma_wait3A_254 = arith.constant 0 : i32
      %dma_wait3A_255 = arith.constant 0 : i32
      %dma_wait3A_256 = tpu.memref_slice %arg8[%run_scoped3A_20, %dma_wait3A_254, %dma_wait3A_255] : memref<6x128x16xf32, #tpu.memory_space<vmem>> -> memref<1x128x16xf32, #tpu.memory_space<vmem>>
      %dma_wait3A_257 = tpu.memref_squeeze %dma_wait3A_256 : memref<1x128x16xf32, #tpu.memory_space<vmem>> -> memref<128x16xf32, #tpu.memory_space<vmem>>
      %dma_wait3A_258 = arith.constant 0 : i32
      %dma_wait3A_259 = tpu.memref_slice %arg9[%add3A_19, %dma_wait3A_258] : memref<10240x16xf32, #tpu.memory_space<vmem_shared>> -> memref<128x16xf32, #tpu.memory_space<vmem_shared>>
      %dma_wait3A_260 = arith.constant 0 : i32
      %dma_wait3A_261 = tpu.memref_slice %arg9[%add3A_19, %dma_wait3A_260] : memref<10240x16xf32, #tpu.memory_space<vmem_shared>> -> memref<128x16xf32, #tpu.memory_space<vmem_shared>>
      %dma_wait3A_262 = arith.constant 0 : i32
      %dma_wait3A_263 = arith.constant 0 : i32
      %dma_wait3A_264 = tpu.memref_slice %arg8[%run_scoped3A_20, %dma_wait3A_262, %dma_wait3A_263] : memref<6x128x16xf32, #tpu.memory_space<vmem>> -> memref<1x128x16xf32, #tpu.memory_space<vmem>>
      %dma_wait3A_265 = tpu.memref_squeeze %dma_wait3A_264 : memref<1x128x16xf32, #tpu.memory_space<vmem>> -> memref<128x16xf32, #tpu.memory_space<vmem>>
      tpu.wait_dma2 semaphore(%run_scoped3A_241 : memref<!tpu.dma_semaphore, #tpu.memory_space<semaphore_mem>>) src(%dma_wait3A_265 : memref<128x16xf32, #tpu.memory_space<vmem>>) dst(%dma_wait3A_261 : memref<128x16xf32, #tpu.memory_space<vmem_shared>>)
      tpu.yield
    }) : () -> ()
    %mul3A_21 = arith.constant 640 : i32
    %mul3A_22 = arith.muli %arg1, %mul3A_21 : i32
    %add3A_23 = arith.constant 384 : i32
    %add3A_24 = arith.addi %mul3A_22, %add3A_23 : i32
    %run_scoped3A_25 = arith.constant 0 : i32
    "tpu.region"() ({
      %run_scoped3A_241 = tpu.sem_alloc : memref<!tpu.dma_semaphore, #tpu.memory_space<semaphore_mem>>
      %dma_start3A_242 = arith.constant 0 : i32
      %dma_start3A_243 = arith.constant 0 : i32
      %dma_start3A_244 = tpu.memref_slice %arg8[%run_scoped3A_25, %dma_start3A_242, %dma_start3A_243] : memref<6x128x16xf32, #tpu.memory_space<vmem>> -> memref<1x128x16xf32, #tpu.memory_space<vmem>>
      %dma_start3A_245 = tpu.memref_squeeze %dma_start3A_244 : memref<1x128x16xf32, #tpu.memory_space<vmem>> -> memref<128x16xf32, #tpu.memory_space<vmem>>
      %dma_start3A_246 = arith.constant 0 : i32
      %dma_start3A_247 = tpu.memref_slice %arg9[%add3A_24, %dma_start3A_246] : memref<10240x16xf32, #tpu.memory_space<vmem_shared>> -> memref<128x16xf32, #tpu.memory_space<vmem_shared>>
      %dma_start3A_248 = arith.constant 0 : i32
      %dma_start3A_249 = tpu.memref_slice %arg9[%add3A_24, %dma_start3A_248] : memref<10240x16xf32, #tpu.memory_space<vmem_shared>> -> memref<128x16xf32, #tpu.memory_space<vmem_shared>>
      %dma_start3A_250 = arith.constant 0 : i32
      %dma_start3A_251 = arith.constant 0 : i32
      %dma_start3A_252 = tpu.memref_slice %arg8[%run_scoped3A_25, %dma_start3A_250, %dma_start3A_251] : memref<6x128x16xf32, #tpu.memory_space<vmem>> -> memref<1x128x16xf32, #tpu.memory_space<vmem>>
      %dma_start3A_253 = tpu.memref_squeeze %dma_start3A_252 : memref<1x128x16xf32, #tpu.memory_space<vmem>> -> memref<128x16xf32, #tpu.memory_space<vmem>>
      tpu.enqueue_dma source(%dma_start3A_253 : memref<128x16xf32, #tpu.memory_space<vmem>>) target(%dma_start3A_249 : memref<128x16xf32, #tpu.memory_space<vmem_shared>>) target_semaphore(%run_scoped3A_241 : memref<!tpu.dma_semaphore, #tpu.memory_space<semaphore_mem>>)
      %dma_wait3A_254 = arith.constant 0 : i32
      %dma_wait3A_255 = arith.constant 0 : i32
      %dma_wait3A_256 = tpu.memref_slice %arg8[%run_scoped3A_25, %dma_wait3A_254, %dma_wait3A_255] : memref<6x128x16xf32, #tpu.memory_space<vmem>> -> memref<1x128x16xf32, #tpu.memory_space<vmem>>
      %dma_wait3A_257 = tpu.memref_squeeze %dma_wait3A_256 : memref<1x128x16xf32, #tpu.memory_space<vmem>> -> memref<128x16xf32, #tpu.memory_space<vmem>>
      %dma_wait3A_258 = arith.constant 0 : i32
      %dma_wait3A_259 = tpu.memref_slice %arg9[%add3A_24, %dma_wait3A_258] : memref<10240x16xf32, #tpu.memory_space<vmem_shared>> -> memref<128x16xf32, #tpu.memory_space<vmem_shared>>
      %dma_wait3A_260 = arith.constant 0 : i32
      %dma_wait3A_261 = tpu.memref_slice %arg9[%add3A_24, %dma_wait3A_260] : memref<10240x16xf32, #tpu.memory_space<vmem_shared>> -> memref<128x16xf32, #tpu.memory_space<vmem_shared>>
      %dma_wait3A_262 = arith.constant 0 : i32
      %dma_wait3A_263 = arith.constant 0 : i32
      %dma_wait3A_264 = tpu.memref_slice %arg8[%run_scoped3A_25, %dma_wait3A_262, %dma_wait3A_263] : memref<6x128x16xf32, #tpu.memory_space<vmem>> -> memref<1x128x16xf32, #tpu.memory_space<vmem>>
      %dma_wait3A_265 = tpu.memref_squeeze %dma_wait3A_264 : memref<1x128x16xf32, #tpu.memory_space<vmem>> -> memref<128x16xf32, #tpu.memory_space<vmem>>
      tpu.wait_dma2 semaphore(%run_scoped3A_241 : memref<!tpu.dma_semaphore, #tpu.memory_space<semaphore_mem>>) src(%dma_wait3A_265 : memref<128x16xf32, #tpu.memory_space<vmem>>) dst(%dma_wait3A_261 : memref<128x16xf32, #tpu.memory_space<vmem_shared>>)
      tpu.yield
    }) : () -> ()
    %mul3A_26 = arith.constant 640 : i32
    %mul3A_27 = arith.muli %arg1, %mul3A_26 : i32
    %add3A_28 = arith.constant 512 : i32
    %add3A_29 = arith.addi %mul3A_27, %add3A_28 : i32
    %run_scoped3A_30 = arith.constant 0 : i32
    "tpu.region"() ({
      %run_scoped3A_241 = tpu.sem_alloc : memref<!tpu.dma_semaphore, #tpu.memory_space<semaphore_mem>>
      %dma_start3A_242 = arith.constant 0 : i32
      %dma_start3A_243 = arith.constant 0 : i32
      %dma_start3A_244 = tpu.memref_slice %arg8[%run_scoped3A_30, %dma_start3A_242, %dma_start3A_243] : memref<6x128x16xf32, #tpu.memory_space<vmem>> -> memref<1x128x16xf32, #tpu.memory_space<vmem>>
      %dma_start3A_245 = tpu.memref_squeeze %dma_start3A_244 : memref<1x128x16xf32, #tpu.memory_space<vmem>> -> memref<128x16xf32, #tpu.memory_space<vmem>>
      %dma_start3A_246 = arith.constant 0 : i32
      %dma_start3A_247 = tpu.memref_slice %arg9[%add3A_29, %dma_start3A_246] : memref<10240x16xf32, #tpu.memory_space<vmem_shared>> -> memref<128x16xf32, #tpu.memory_space<vmem_shared>>
      %dma_start3A_248 = arith.constant 0 : i32
      %dma_start3A_249 = tpu.memref_slice %arg9[%add3A_29, %dma_start3A_248] : memref<10240x16xf32, #tpu.memory_space<vmem_shared>> -> memref<128x16xf32, #tpu.memory_space<vmem_shared>>
      %dma_start3A_250 = arith.constant 0 : i32
      %dma_start3A_251 = arith.constant 0 : i32
      %dma_start3A_252 = tpu.memref_slice %arg8[%run_scoped3A_30, %dma_start3A_250, %dma_start3A_251] : memref<6x128x16xf32, #tpu.memory_space<vmem>> -> memref<1x128x16xf32, #tpu.memory_space<vmem>>
      %dma_start3A_253 = tpu.memref_squeeze %dma_start3A_252 : memref<1x128x16xf32, #tpu.memory_space<vmem>> -> memref<128x16xf32, #tpu.memory_space<vmem>>
      tpu.enqueue_dma source(%dma_start3A_253 : memref<128x16xf32, #tpu.memory_space<vmem>>) target(%dma_start3A_249 : memref<128x16xf32, #tpu.memory_space<vmem_shared>>) target_semaphore(%run_scoped3A_241 : memref<!tpu.dma_semaphore, #tpu.memory_space<semaphore_mem>>)
      %dma_wait3A_254 = arith.constant 0 : i32
      %dma_wait3A_255 = arith.constant 0 : i32
      %dma_wait3A_256 = tpu.memref_slice %arg8[%run_scoped3A_30, %dma_wait3A_254, %dma_wait3A_255] : memref<6x128x16xf32, #tpu.memory_space<vmem>> -> memref<1x128x16xf32, #tpu.memory_space<vmem>>
      %dma_wait3A_257 = tpu.memref_squeeze %dma_wait3A_256 : memref<1x128x16xf32, #tpu.memory_space<vmem>> -> memref<128x16xf32, #tpu.memory_space<vmem>>
      %dma_wait3A_258 = arith.constant 0 : i32
      %dma_wait3A_259 = tpu.memref_slice %arg9[%add3A_29, %dma_wait3A_258] : memref<10240x16xf32, #tpu.memory_space<vmem_shared>> -> memref<128x16xf32, #tpu.memory_space<vmem_shared>>
      %dma_wait3A_260 = arith.constant 0 : i32
      %dma_wait3A_261 = tpu.memref_slice %arg9[%add3A_29, %dma_wait3A_260] : memref<10240x16xf32, #tpu.memory_space<vmem_shared>> -> memref<128x16xf32, #tpu.memory_space<vmem_shared>>
      %dma_wait3A_262 = arith.constant 0 : i32
      %dma_wait3A_263 = arith.constant 0 : i32
      %dma_wait3A_264 = tpu.memref_slice %arg8[%run_scoped3A_30, %dma_wait3A_262, %dma_wait3A_263] : memref<6x128x16xf32, #tpu.memory_space<vmem>> -> memref<1x128x16xf32, #tpu.memory_space<vmem>>
      %dma_wait3A_265 = tpu.memref_squeeze %dma_wait3A_264 : memref<1x128x16xf32, #tpu.memory_space<vmem>> -> memref<128x16xf32, #tpu.memory_space<vmem>>
      tpu.wait_dma2 semaphore(%run_scoped3A_241 : memref<!tpu.dma_semaphore, #tpu.memory_space<semaphore_mem>>) src(%dma_wait3A_265 : memref<128x16xf32, #tpu.memory_space<vmem>>) dst(%dma_wait3A_261 : memref<128x16xf32, #tpu.memory_space<vmem_shared>>)
      tpu.yield
    }) : () -> ()
    %mul3A_31 = arith.constant 80 : i32
    %mul3A_32 = arith.muli %add3A, %mul3A_31 : i32
    "tpu.region"() ({
      %run_scoped3A_241 = tpu.sem_alloc : memref<!tpu.dma_semaphore, #tpu.memory_space<semaphore_mem>>
      %dma_start3A_242 = arith.constant 0 : i32
      %dma_start3A_243 = tpu.memref_slice %arg3[%mul3A_32, %dma_start3A_242] : memref<2560x128xi32, #tpu.memory_space<hbm>> -> memref<80x128xi32, #tpu.memory_space<hbm>>
      %dma_start3A_244 = arith.constant 0 : i32
      %dma_start3A_245 = tpu.memref_slice %arg3[%mul3A_32, %dma_start3A_244] : memref<2560x128xi32, #tpu.memory_space<hbm>> -> memref<80x128xi32, #tpu.memory_space<hbm>>
      tpu.enqueue_dma source(%dma_start3A_245 : memref<80x128xi32, #tpu.memory_space<hbm>>) target(%arg6 : memref<80x128xi32, #tpu.memory_space<vmem>>) target_semaphore(%run_scoped3A_241 : memref<!tpu.dma_semaphore, #tpu.memory_space<semaphore_mem>>)
      %dma_wait3A_246 = arith.constant 0 : i32
      %dma_wait3A_247 = tpu.memref_slice %arg3[%mul3A_32, %dma_wait3A_246] : memref<2560x128xi32, #tpu.memory_space<hbm>> -> memref<80x128xi32, #tpu.memory_space<hbm>>
      %dma_wait3A_248 = arith.constant 0 : i32
      %dma_wait3A_249 = tpu.memref_slice %arg3[%mul3A_32, %dma_wait3A_248] : memref<2560x128xi32, #tpu.memory_space<hbm>> -> memref<80x128xi32, #tpu.memory_space<hbm>>
      tpu.wait_dma2 semaphore(%run_scoped3A_241 : memref<!tpu.dma_semaphore, #tpu.memory_space<semaphore_mem>>) src(%dma_wait3A_249 : memref<80x128xi32, #tpu.memory_space<hbm>>) dst(%arg6 : memref<80x128xi32, #tpu.memory_space<vmem>>)
      tpu.yield
    }) : () -> ()
    %mul3A_33 = arith.constant 80 : i32
    %mul3A_34 = arith.muli %add3A, %mul3A_33 : i32
    "tpu.region"() ({
      %run_scoped3A_241 = tpu.sem_alloc : memref<!tpu.dma_semaphore, #tpu.memory_space<semaphore_mem>>
      %dma_start3A_242 = arith.constant 0 : i32
      %dma_start3A_243 = tpu.memref_slice %arg4[%mul3A_34, %dma_start3A_242] : memref<2560x128xi32, #tpu.memory_space<hbm>> -> memref<80x128xi32, #tpu.memory_space<hbm>>
      %dma_start3A_244 = arith.constant 0 : i32
      %dma_start3A_245 = tpu.memref_slice %arg4[%mul3A_34, %dma_start3A_244] : memref<2560x128xi32, #tpu.memory_space<hbm>> -> memref<80x128xi32, #tpu.memory_space<hbm>>
      tpu.enqueue_dma source(%dma_start3A_245 : memref<80x128xi32, #tpu.memory_space<hbm>>) target(%arg7 : memref<80x128xi32, #tpu.memory_space<vmem>>) target_semaphore(%run_scoped3A_241 : memref<!tpu.dma_semaphore, #tpu.memory_space<semaphore_mem>>)
      %dma_wait3A_246 = arith.constant 0 : i32
      %dma_wait3A_247 = tpu.memref_slice %arg4[%mul3A_34, %dma_wait3A_246] : memref<2560x128xi32, #tpu.memory_space<hbm>> -> memref<80x128xi32, #tpu.memory_space<hbm>>
      %dma_wait3A_248 = arith.constant 0 : i32
      %dma_wait3A_249 = tpu.memref_slice %arg4[%mul3A_34, %dma_wait3A_248] : memref<2560x128xi32, #tpu.memory_space<hbm>> -> memref<80x128xi32, #tpu.memory_space<hbm>>
      tpu.wait_dma2 semaphore(%run_scoped3A_241 : memref<!tpu.dma_semaphore, #tpu.memory_space<semaphore_mem>>) src(%dma_wait3A_249 : memref<80x128xi32, #tpu.memory_space<hbm>>) dst(%arg7 : memref<80x128xi32, #tpu.memory_space<vmem>>)
      tpu.yield
    }) : () -> ()
    %barrier3A = arith.constant 0 : index
    tpu.barrier barrier_id(%barrier3A)
    %dma_start3A = arith.constant 0 : i32
    %dma_start3A_35 = arith.constant 0 : i32
    %dma_start3A_36 = arith.constant 0 : i32
    %dma_start3A_37 = arith.constant 0 : i32
    %dma_start3A_38 = arith.constant 0 : i32
    %dma_start3A_39 = tpu.memref_slice %arg8[%dma_start3A_35, %dma_start3A_37, %dma_start3A_38] : memref<6x128x16xf32, #tpu.memory_space<vmem>> -> memref<1x128x16xf32, #tpu.memory_space<vmem>>
    %dma_start3A_40 = tpu.memref_squeeze %dma_start3A_39 : memref<1x128x16xf32, #tpu.memory_space<vmem>> -> memref<128x16xf32, #tpu.memory_space<vmem>>
    %dma_start3A_41 = arith.constant 0 : i32
    %dma_start3A_42 = tpu.memref_slice %arg6[%dma_start3A, %dma_start3A_41] : memref<80x128xi32, #tpu.memory_space<vmem>> -> memref<1x128xi32, #tpu.memory_space<vmem>>
    %dma_start3A_43 = tpu.memref_squeeze %dma_start3A_42 : memref<1x128xi32, #tpu.memory_space<vmem>> -> memref<128xi32, #tpu.memory_space<vmem>>
    %dma_start3A_44 = arith.constant 0 : i32
    %dma_start3A_45 = arith.constant 0 : i32
    %dma_start3A_46 = tpu.memref_slice %arg2[%dma_start3A_44, %dma_start3A_45] : memref<10240x16xf32, #tpu.memory_space<hbm>> -> memref<10240x16xf32, #tpu.memory_space<hbm>>
    %dma_start3A_47 = tpu.memref_slice %arg10[%dma_start3A_36] : memref<6x!tpu.dma_semaphore, #tpu.memory_space<semaphore_mem>> -> memref<1x!tpu.dma_semaphore, #tpu.memory_space<semaphore_mem>>
    %dma_start3A_48 = tpu.memref_squeeze %dma_start3A_47 : memref<1x!tpu.dma_semaphore, #tpu.memory_space<semaphore_mem>> -> memref<!tpu.dma_semaphore, #tpu.memory_space<semaphore_mem>>
    tpu.enqueue_indirect_dma source(%dma_start3A_46 : memref<10240x16xf32, #tpu.memory_space<hbm>>) target(%dma_start3A_40 : memref<128x16xf32, #tpu.memory_space<vmem>>) offsets(%dma_start3A_43 : memref<128xi32, #tpu.memory_space<vmem>>) semaphore(%dma_start3A_48 : memref<!tpu.dma_semaphore, #tpu.memory_space<semaphore_mem>>)
    %dma_start3A_49 = arith.constant 1 : i32
    %dma_start3A_50 = arith.constant 1 : i32
    %dma_start3A_51 = arith.constant 1 : i32
    %dma_start3A_52 = arith.constant 0 : i32
    %dma_start3A_53 = arith.constant 0 : i32
    %dma_start3A_54 = tpu.memref_slice %arg8[%dma_start3A_50, %dma_start3A_52, %dma_start3A_53] : memref<6x128x16xf32, #tpu.memory_space<vmem>> -> memref<1x128x16xf32, #tpu.memory_space<vmem>>
    %dma_start3A_55 = tpu.memref_squeeze %dma_start3A_54 : memref<1x128x16xf32, #tpu.memory_space<vmem>> -> memref<128x16xf32, #tpu.memory_space<vmem>>
    %dma_start3A_56 = arith.constant 0 : i32
    %dma_start3A_57 = tpu.memref_slice %arg6[%dma_start3A_49, %dma_start3A_56] : memref<80x128xi32, #tpu.memory_space<vmem>> -> memref<1x128xi32, #tpu.memory_space<vmem>>
    %dma_start3A_58 = tpu.memref_squeeze %dma_start3A_57 : memref<1x128xi32, #tpu.memory_space<vmem>> -> memref<128xi32, #tpu.memory_space<vmem>>
    %dma_start3A_59 = arith.constant 0 : i32
    %dma_start3A_60 = arith.constant 0 : i32
    %dma_start3A_61 = tpu.memref_slice %arg2[%dma_start3A_59, %dma_start3A_60] : memref<10240x16xf32, #tpu.memory_space<hbm>> -> memref<10240x16xf32, #tpu.memory_space<hbm>>
    %dma_start3A_62 = tpu.memref_slice %arg10[%dma_start3A_51] : memref<6x!tpu.dma_semaphore, #tpu.memory_space<semaphore_mem>> -> memref<1x!tpu.dma_semaphore, #tpu.memory_space<semaphore_mem>>
    %dma_start3A_63 = tpu.memref_squeeze %dma_start3A_62 : memref<1x!tpu.dma_semaphore, #tpu.memory_space<semaphore_mem>> -> memref<!tpu.dma_semaphore, #tpu.memory_space<semaphore_mem>>
    tpu.enqueue_indirect_dma source(%dma_start3A_61 : memref<10240x16xf32, #tpu.memory_space<hbm>>) target(%dma_start3A_55 : memref<128x16xf32, #tpu.memory_space<vmem>>) offsets(%dma_start3A_58 : memref<128xi32, #tpu.memory_space<vmem>>) semaphore(%dma_start3A_63 : memref<!tpu.dma_semaphore, #tpu.memory_space<semaphore_mem>>)
    %dma_start3A_64 = arith.constant 2 : i32
    %dma_start3A_65 = arith.constant 2 : i32
    %dma_start3A_66 = arith.constant 2 : i32
    %dma_start3A_67 = arith.constant 0 : i32
    %dma_start3A_68 = arith.constant 0 : i32
    %dma_start3A_69 = tpu.memref_slice %arg8[%dma_start3A_65, %dma_start3A_67, %dma_start3A_68] : memref<6x128x16xf32, #tpu.memory_space<vmem>> -> memref<1x128x16xf32, #tpu.memory_space<vmem>>
    %dma_start3A_70 = tpu.memref_squeeze %dma_start3A_69 : memref<1x128x16xf32, #tpu.memory_space<vmem>> -> memref<128x16xf32, #tpu.memory_space<vmem>>
    %dma_start3A_71 = arith.constant 0 : i32
    %dma_start3A_72 = tpu.memref_slice %arg6[%dma_start3A_64, %dma_start3A_71] : memref<80x128xi32, #tpu.memory_space<vmem>> -> memref<1x128xi32, #tpu.memory_space<vmem>>
    %dma_start3A_73 = tpu.memref_squeeze %dma_start3A_72 : memref<1x128xi32, #tpu.memory_space<vmem>> -> memref<128xi32, #tpu.memory_space<vmem>>
    %dma_start3A_74 = arith.constant 0 : i32
    %dma_start3A_75 = arith.constant 0 : i32
    %dma_start3A_76 = tpu.memref_slice %arg2[%dma_start3A_74, %dma_start3A_75] : memref<10240x16xf32, #tpu.memory_space<hbm>> -> memref<10240x16xf32, #tpu.memory_space<hbm>>
    %dma_start3A_77 = tpu.memref_slice %arg10[%dma_start3A_66] : memref<6x!tpu.dma_semaphore, #tpu.memory_space<semaphore_mem>> -> memref<1x!tpu.dma_semaphore, #tpu.memory_space<semaphore_mem>>
    %dma_start3A_78 = tpu.memref_squeeze %dma_start3A_77 : memref<1x!tpu.dma_semaphore, #tpu.memory_space<semaphore_mem>> -> memref<!tpu.dma_semaphore, #tpu.memory_space<semaphore_mem>>
    tpu.enqueue_indirect_dma source(%dma_start3A_76 : memref<10240x16xf32, #tpu.memory_space<hbm>>) target(%dma_start3A_70 : memref<128x16xf32, #tpu.memory_space<vmem>>) offsets(%dma_start3A_73 : memref<128xi32, #tpu.memory_space<vmem>>) semaphore(%dma_start3A_78 : memref<!tpu.dma_semaphore, #tpu.memory_space<semaphore_mem>>)
    %scan3A_79 = arith.constant 0 : i32
    %scan3A_80 = arith.constant 0 : i32
    %scan3A_81 = arith.constant 80 : i32
    %scan3A_82 = arith.addi %scan3A_80, %scan3A_81 : i32
    %scan3A_83 = arith.constant 1 : i32
    %scan3A_84 = scf.for %scan3A_241 = %scan3A_80 to %scan3A_82 step %scan3A_83 iter_args(%scan3A_242 = %scan3A_79) -> (i32)  : i32 {
      %add3A_243 = arith.constant 0 : i32
      %add3A_244 = arith.addi %add3A_243, %scan3A_241 : i32
      %add3A_245 = arith.constant 3 : i32
      %add3A_246 = arith.addi %scan3A_241, %add3A_245 : i32
      %rem3A = arith.constant 6 : i32
      %rem3A_247 = arith.remsi %add3A_246, %rem3A : i32
      %add3A_248 = arith.constant 3 : i32
      %add3A_249 = arith.addi %scan3A_241, %add3A_248 : i32
      %lt3A = arith.constant 80 : i32
      %lt3A_250 = arith.cmpi slt, %add3A_249, %lt3A : i32
      %convert_element_type3A = arith.extui %lt3A_250 : i1 to i32
      %cond3A = arith.constant 0 : i32
      %cond3A_251 = arith.cmpi ne, %convert_element_type3A, %cond3A : i32
      scf.if %cond3A_251 {
        %ge3A = arith.constant 3 : i32
        %ge3A_279 = arith.cmpi sge, %scan3A_241, %ge3A : i32
        %convert_element_type3A_280 = arith.extui %ge3A_279 : i1 to i32
        %cond3A_281 = arith.constant 0 : i32
        %cond3A_282 = arith.cmpi ne, %convert_element_type3A_280, %cond3A_281 : i32
        scf.if %cond3A_282 {
          %sub3A = arith.constant 6 : i32
          %sub3A_297 = arith.subi %add3A_244, %sub3A : i32
          %add3A_298 = arith.constant 3 : i32
          %add3A_299 = arith.addi %sub3A_297, %add3A_298 : i32
          %dma_wait3A_300 = arith.constant 0 : i32
          %dma_wait3A_301 = arith.constant 0 : i32
          %dma_wait3A_302 = tpu.memref_slice %arg8[%rem3A_247, %dma_wait3A_300, %dma_wait3A_301] : memref<6x128x16xf32, #tpu.memory_space<vmem>> -> memref<1x128x16xf32, #tpu.memory_space<vmem>>
          %dma_wait3A_303 = tpu.memref_squeeze %dma_wait3A_302 : memref<1x128x16xf32, #tpu.memory_space<vmem>> -> memref<128x16xf32, #tpu.memory_space<vmem>>
          %dma_wait3A_304 = arith.constant 0 : i32
          %dma_wait3A_305 = tpu.memref_slice %arg7[%add3A_299, %dma_wait3A_304] : memref<80x128xi32, #tpu.memory_space<vmem>> -> memref<1x128xi32, #tpu.memory_space<vmem>>
          %dma_wait3A_306 = tpu.memref_squeeze %dma_wait3A_305 : memref<1x128xi32, #tpu.memory_space<vmem>> -> memref<128xi32, #tpu.memory_space<vmem>>
          %dma_wait3A_307 = arith.constant 0 : i32
          %dma_wait3A_308 = arith.constant 0 : i32
          %dma_wait3A_309 = tpu.memref_slice %arg9[%dma_wait3A_307, %dma_wait3A_308] : memref<10240x16xf32, #tpu.memory_space<vmem_shared>> -> memref<10240x16xf32, #tpu.memory_space<vmem_shared>>
          %dma_wait3A_310 = tpu.memref_slice %arg11[%rem3A_247] : memref<6x!tpu.dma_semaphore, #tpu.memory_space<semaphore_mem>> -> memref<1x!tpu.dma_semaphore, #tpu.memory_space<semaphore_mem>>
          %dma_wait3A_311 = tpu.memref_squeeze %dma_wait3A_310 : memref<1x!tpu.dma_semaphore, #tpu.memory_space<semaphore_mem>> -> memref<!tpu.dma_semaphore, #tpu.memory_space<semaphore_mem>>
          tpu.wait_indirect_dma semaphore(%dma_wait3A_311 : memref<!tpu.dma_semaphore, #tpu.memory_space<semaphore_mem>>) src(%dma_wait3A_303 : memref<128x16xf32, #tpu.memory_space<vmem>>) dst(%dma_wait3A_309 : memref<10240x16xf32, #tpu.memory_space<vmem_shared>>)
        } else {
        }
        %add3A_283 = arith.constant 3 : i32
        %add3A_284 = arith.addi %add3A_244, %add3A_283 : i32
        %dma_start3A_285 = arith.constant 0 : i32
        %dma_start3A_286 = arith.constant 0 : i32
        %dma_start3A_287 = tpu.memref_slice %arg8[%rem3A_247, %dma_start3A_285, %dma_start3A_286] : memref<6x128x16xf32, #tpu.memory_space<vmem>> -> memref<1x128x16xf32, #tpu.memory_space<vmem>>
        %dma_start3A_288 = tpu.memref_squeeze %dma_start3A_287 : memref<1x128x16xf32, #tpu.memory_space<vmem>> -> memref<128x16xf32, #tpu.memory_space<vmem>>
        %dma_start3A_289 = arith.constant 0 : i32
        %dma_start3A_290 = tpu.memref_slice %arg6[%add3A_284, %dma_start3A_289] : memref<80x128xi32, #tpu.memory_space<vmem>> -> memref<1x128xi32, #tpu.memory_space<vmem>>
        %dma_start3A_291 = tpu.memref_squeeze %dma_start3A_290 : memref<1x128xi32, #tpu.memory_space<vmem>> -> memref<128xi32, #tpu.memory_space<vmem>>
        %dma_start3A_292 = arith.constant 0 : i32
        %dma_start3A_293 = arith.constant 0 : i32
        %dma_start3A_294 = tpu.memref_slice %arg2[%dma_start3A_292, %dma_start3A_293] : memref<10240x16xf32, #tpu.memory_space<hbm>> -> memref<10240x16xf32, #tpu.memory_space<hbm>>
        %dma_start3A_295 = tpu.memref_slice %arg10[%rem3A_247] : memref<6x!tpu.dma_semaphore, #tpu.memory_space<semaphore_mem>> -> memref<1x!tpu.dma_semaphore, #tpu.memory_space<semaphore_mem>>
        %dma_start3A_296 = tpu.memref_squeeze %dma_start3A_295 : memref<1x!tpu.dma_semaphore, #tpu.memory_space<semaphore_mem>> -> memref<!tpu.dma_semaphore, #tpu.memory_space<semaphore_mem>>
        tpu.enqueue_indirect_dma source(%dma_start3A_294 : memref<10240x16xf32, #tpu.memory_space<hbm>>) target(%dma_start3A_288 : memref<128x16xf32, #tpu.memory_space<vmem>>) offsets(%dma_start3A_291 : memref<128xi32, #tpu.memory_space<vmem>>) semaphore(%dma_start3A_296 : memref<!tpu.dma_semaphore, #tpu.memory_space<semaphore_mem>>)
      } else {
      }
      %rem3A_252 = arith.constant 6 : i32
      %rem3A_253 = arith.remsi %scan3A_241, %rem3A_252 : i32
      %dma_wait3A_254 = arith.constant 0 : i32
      %dma_wait3A_255 = arith.constant 0 : i32
      %dma_wait3A_256 = tpu.memref_slice %arg8[%rem3A_253, %dma_wait3A_254, %dma_wait3A_255] : memref<6x128x16xf32, #tpu.memory_space<vmem>> -> memref<1x128x16xf32, #tpu.memory_space<vmem>>
      %dma_wait3A_257 = tpu.memref_squeeze %dma_wait3A_256 : memref<1x128x16xf32, #tpu.memory_space<vmem>> -> memref<128x16xf32, #tpu.memory_space<vmem>>
      %dma_wait3A_258 = arith.constant 0 : i32
      %dma_wait3A_259 = tpu.memref_slice %arg6[%add3A_244, %dma_wait3A_258] : memref<80x128xi32, #tpu.memory_space<vmem>> -> memref<1x128xi32, #tpu.memory_space<vmem>>
      %dma_wait3A_260 = tpu.memref_squeeze %dma_wait3A_259 : memref<1x128xi32, #tpu.memory_space<vmem>> -> memref<128xi32, #tpu.memory_space<vmem>>
      %dma_wait3A_261 = arith.constant 0 : i32
      %dma_wait3A_262 = arith.constant 0 : i32
      %dma_wait3A_263 = tpu.memref_slice %arg2[%dma_wait3A_261, %dma_wait3A_262] : memref<10240x16xf32, #tpu.memory_space<hbm>> -> memref<10240x16xf32, #tpu.memory_space<hbm>>
      %dma_wait3A_264 = tpu.memref_slice %arg10[%rem3A_253] : memref<6x!tpu.dma_semaphore, #tpu.memory_space<semaphore_mem>> -> memref<1x!tpu.dma_semaphore, #tpu.memory_space<semaphore_mem>>
      %dma_wait3A_265 = tpu.memref_squeeze %dma_wait3A_264 : memref<1x!tpu.dma_semaphore, #tpu.memory_space<semaphore_mem>> -> memref<!tpu.dma_semaphore, #tpu.memory_space<semaphore_mem>>
      tpu.wait_indirect_dma semaphore(%dma_wait3A_265 : memref<!tpu.dma_semaphore, #tpu.memory_space<semaphore_mem>>) src(%dma_wait3A_263 : memref<10240x16xf32, #tpu.memory_space<hbm>>) dst(%dma_wait3A_257 : memref<128x16xf32, #tpu.memory_space<vmem>>)
      %dma_start3A_266 = arith.constant 0 : i32
      %dma_start3A_267 = arith.constant 0 : i32
      %dma_start3A_268 = tpu.memref_slice %arg8[%rem3A_253, %dma_start3A_266, %dma_start3A_267] : memref<6x128x16xf32, #tpu.memory_space<vmem>> -> memref<1x128x16xf32, #tpu.memory_space<vmem>>
      %dma_start3A_269 = tpu.memref_squeeze %dma_start3A_268 : memref<1x128x16xf32, #tpu.memory_space<vmem>> -> memref<128x16xf32, #tpu.memory_space<vmem>>
      %dma_start3A_270 = arith.constant 0 : i32
      %dma_start3A_271 = tpu.memref_slice %arg7[%add3A_244, %dma_start3A_270] : memref<80x128xi32, #tpu.memory_space<vmem>> -> memref<1x128xi32, #tpu.memory_space<vmem>>
      %dma_start3A_272 = tpu.memref_squeeze %dma_start3A_271 : memref<1x128xi32, #tpu.memory_space<vmem>> -> memref<128xi32, #tpu.memory_space<vmem>>
      %dma_start3A_273 = arith.constant 0 : i32
      %dma_start3A_274 = arith.constant 0 : i32
      %dma_start3A_275 = tpu.memref_slice %arg9[%dma_start3A_273, %dma_start3A_274] : memref<10240x16xf32, #tpu.memory_space<vmem_shared>> -> memref<10240x16xf32, #tpu.memory_space<vmem_shared>>
      %dma_start3A_276 = tpu.memref_slice %arg11[%rem3A_253] : memref<6x!tpu.dma_semaphore, #tpu.memory_space<semaphore_mem>> -> memref<1x!tpu.dma_semaphore, #tpu.memory_space<semaphore_mem>>
      %dma_start3A_277 = tpu.memref_squeeze %dma_start3A_276 : memref<1x!tpu.dma_semaphore, #tpu.memory_space<semaphore_mem>> -> memref<!tpu.dma_semaphore, #tpu.memory_space<semaphore_mem>>
      tpu.enqueue_indirect_dma source(%dma_start3A_269 : memref<128x16xf32, #tpu.memory_space<vmem>>) target(%dma_start3A_275 : memref<10240x16xf32, #tpu.memory_space<vmem_shared>>) offsets(%dma_start3A_272 : memref<128xi32, #tpu.memory_space<vmem>>) semaphore(%dma_start3A_277 : memref<!tpu.dma_semaphore, #tpu.memory_space<semaphore_mem>>) {add = true}
      %scan3A_278 = arith.constant 0 : i32
      scf.yield %scan3A_278 : i32
    }
    %scan3A_85 = arith.constant 80 : i32
    %dma_wait3A = arith.constant 2 : i32
    %dma_wait3A_86 = arith.constant 74 : i32
    %dma_wait3A_87 = arith.constant 2 : i32
    %dma_wait3A_88 = arith.constant 0 : i32
    %dma_wait3A_89 = arith.constant 0 : i32
    %dma_wait3A_90 = tpu.memref_slice %arg8[%dma_wait3A, %dma_wait3A_88, %dma_wait3A_89] : memref<6x128x16xf32, #tpu.memory_space<vmem>> -> memref<1x128x16xf32, #tpu.memory_space<vmem>>
    %dma_wait3A_91 = tpu.memref_squeeze %dma_wait3A_90 : memref<1x128x16xf32, #tpu.memory_space<vmem>> -> memref<128x16xf32, #tpu.memory_space<vmem>>
    %dma_wait3A_92 = arith.constant 0 : i32
    %dma_wait3A_93 = tpu.memref_slice %arg7[%dma_wait3A_86, %dma_wait3A_92] : memref<80x128xi32, #tpu.memory_space<vmem>> -> memref<1x128xi32, #tpu.memory_space<vmem>>
    %dma_wait3A_94 = tpu.memref_squeeze %dma_wait3A_93 : memref<1x128xi32, #tpu.memory_space<vmem>> -> memref<128xi32, #tpu.memory_space<vmem>>
    %dma_wait3A_95 = arith.constant 0 : i32
    %dma_wait3A_96 = arith.constant 0 : i32
    %dma_wait3A_97 = tpu.memref_slice %arg9[%dma_wait3A_95, %dma_wait3A_96] : memref<10240x16xf32, #tpu.memory_space<vmem_shared>> -> memref<10240x16xf32, #tpu.memory_space<vmem_shared>>
    %dma_wait3A_98 = tpu.memref_slice %arg11[%dma_wait3A_87] : memref<6x!tpu.dma_semaphore, #tpu.memory_space<semaphore_mem>> -> memref<1x!tpu.dma_semaphore, #tpu.memory_space<semaphore_mem>>
    %dma_wait3A_99 = tpu.memref_squeeze %dma_wait3A_98 : memref<1x!tpu.dma_semaphore, #tpu.memory_space<semaphore_mem>> -> memref<!tpu.dma_semaphore, #tpu.memory_space<semaphore_mem>>
    tpu.wait_indirect_dma semaphore(%dma_wait3A_99 : memref<!tpu.dma_semaphore, #tpu.memory_space<semaphore_mem>>) src(%dma_wait3A_91 : memref<128x16xf32, #tpu.memory_space<vmem>>) dst(%dma_wait3A_97 : memref<10240x16xf32, #tpu.memory_space<vmem_shared>>)
    %dma_wait3A_100 = arith.constant 3 : i32
    %dma_wait3A_101 = arith.constant 75 : i32
    %dma_wait3A_102 = arith.constant 3 : i32
    %dma_wait3A_103 = arith.constant 0 : i32
    %dma_wait3A_104 = arith.constant 0 : i32
    %dma_wait3A_105 = tpu.memref_slice %arg8[%dma_wait3A_100, %dma_wait3A_103, %dma_wait3A_104] : memref<6x128x16xf32, #tpu.memory_space<vmem>> -> memref<1x128x16xf32, #tpu.memory_space<vmem>>
    %dma_wait3A_106 = tpu.memref_squeeze %dma_wait3A_105 : memref<1x128x16xf32, #tpu.memory_space<vmem>> -> memref<128x16xf32, #tpu.memory_space<vmem>>
    %dma_wait3A_107 = arith.constant 0 : i32
    %dma_wait3A_108 = tpu.memref_slice %arg7[%dma_wait3A_101, %dma_wait3A_107] : memref<80x128xi32, #tpu.memory_space<vmem>> -> memref<1x128xi32, #tpu.memory_space<vmem>>
    %dma_wait3A_109 = tpu.memref_squeeze %dma_wait3A_108 : memref<1x128xi32, #tpu.memory_space<vmem>> -> memref<128xi32, #tpu.memory_space<vmem>>
    %dma_wait3A_110 = arith.constant 0 : i32
    %dma_wait3A_111 = arith.constant 0 : i32
    %dma_wait3A_112 = tpu.memref_slice %arg9[%dma_wait3A_110, %dma_wait3A_111] : memref<10240x16xf32, #tpu.memory_space<vmem_shared>> -> memref<10240x16xf32, #tpu.memory_space<vmem_shared>>
    %dma_wait3A_113 = tpu.memref_slice %arg11[%dma_wait3A_102] : memref<6x!tpu.dma_semaphore, #tpu.memory_space<semaphore_mem>> -> memref<1x!tpu.dma_semaphore, #tpu.memory_space<semaphore_mem>>
    %dma_wait3A_114 = tpu.memref_squeeze %dma_wait3A_113 : memref<1x!tpu.dma_semaphore, #tpu.memory_space<semaphore_mem>> -> memref<!tpu.dma_semaphore, #tpu.memory_space<semaphore_mem>>
    tpu.wait_indirect_dma semaphore(%dma_wait3A_114 : memref<!tpu.dma_semaphore, #tpu.memory_space<semaphore_mem>>) src(%dma_wait3A_106 : memref<128x16xf32, #tpu.memory_space<vmem>>) dst(%dma_wait3A_112 : memref<10240x16xf32, #tpu.memory_space<vmem_shared>>)
    %dma_wait3A_115 = arith.constant 4 : i32
    %dma_wait3A_116 = arith.constant 76 : i32
    %dma_wait3A_117 = arith.constant 4 : i32
    %dma_wait3A_118 = arith.constant 0 : i32
    %dma_wait3A_119 = arith.constant 0 : i32
    %dma_wait3A_120 = tpu.memref_slice %arg8[%dma_wait3A_115, %dma_wait3A_118, %dma_wait3A_119] : memref<6x128x16xf32, #tpu.memory_space<vmem>> -> memref<1x128x16xf32, #tpu.memory_space<vmem>>
    %dma_wait3A_121 = tpu.memref_squeeze %dma_wait3A_120 : memref<1x128x16xf32, #tpu.memory_space<vmem>> -> memref<128x16xf32, #tpu.memory_space<vmem>>
    %dma_wait3A_122 = arith.constant 0 : i32
    %dma_wait3A_123 = tpu.memref_slice %arg7[%dma_wait3A_116, %dma_wait3A_122] : memref<80x128xi32, #tpu.memory_space<vmem>> -> memref<1x128xi32, #tpu.memory_space<vmem>>
    %dma_wait3A_124 = tpu.memref_squeeze %dma_wait3A_123 : memref<1x128xi32, #tpu.memory_space<vmem>> -> memref<128xi32, #tpu.memory_space<vmem>>
    %dma_wait3A_125 = arith.constant 0 : i32
    %dma_wait3A_126 = arith.constant 0 : i32
    %dma_wait3A_127 = tpu.memref_slice %arg9[%dma_wait3A_125, %dma_wait3A_126] : memref<10240x16xf32, #tpu.memory_space<vmem_shared>> -> memref<10240x16xf32, #tpu.memory_space<vmem_shared>>
    %dma_wait3A_128 = tpu.memref_slice %arg11[%dma_wait3A_117] : memref<6x!tpu.dma_semaphore, #tpu.memory_space<semaphore_mem>> -> memref<1x!tpu.dma_semaphore, #tpu.memory_space<semaphore_mem>>
    %dma_wait3A_129 = tpu.memref_squeeze %dma_wait3A_128 : memref<1x!tpu.dma_semaphore, #tpu.memory_space<semaphore_mem>> -> memref<!tpu.dma_semaphore, #tpu.memory_space<semaphore_mem>>
    tpu.wait_indirect_dma semaphore(%dma_wait3A_129 : memref<!tpu.dma_semaphore, #tpu.memory_space<semaphore_mem>>) src(%dma_wait3A_121 : memref<128x16xf32, #tpu.memory_space<vmem>>) dst(%dma_wait3A_127 : memref<10240x16xf32, #tpu.memory_space<vmem_shared>>)
    %dma_wait3A_130 = arith.constant 5 : i32
    %dma_wait3A_131 = arith.constant 77 : i32
    %dma_wait3A_132 = arith.constant 5 : i32
    %dma_wait3A_133 = arith.constant 0 : i32
    %dma_wait3A_134 = arith.constant 0 : i32
    %dma_wait3A_135 = tpu.memref_slice %arg8[%dma_wait3A_130, %dma_wait3A_133, %dma_wait3A_134] : memref<6x128x16xf32, #tpu.memory_space<vmem>> -> memref<1x128x16xf32, #tpu.memory_space<vmem>>
    %dma_wait3A_136 = tpu.memref_squeeze %dma_wait3A_135 : memref<1x128x16xf32, #tpu.memory_space<vmem>> -> memref<128x16xf32, #tpu.memory_space<vmem>>
    %dma_wait3A_137 = arith.constant 0 : i32
    %dma_wait3A_138 = tpu.memref_slice %arg7[%dma_wait3A_131, %dma_wait3A_137] : memref<80x128xi32, #tpu.memory_space<vmem>> -> memref<1x128xi32, #tpu.memory_space<vmem>>
    %dma_wait3A_139 = tpu.memref_squeeze %dma_wait3A_138 : memref<1x128xi32, #tpu.memory_space<vmem>> -> memref<128xi32, #tpu.memory_space<vmem>>
    %dma_wait3A_140 = arith.constant 0 : i32
    %dma_wait3A_141 = arith.constant 0 : i32
    %dma_wait3A_142 = tpu.memref_slice %arg9[%dma_wait3A_140, %dma_wait3A_141] : memref<10240x16xf32, #tpu.memory_space<vmem_shared>> -> memref<10240x16xf32, #tpu.memory_space<vmem_shared>>
    %dma_wait3A_143 = tpu.memref_slice %arg11[%dma_wait3A_132] : memref<6x!tpu.dma_semaphore, #tpu.memory_space<semaphore_mem>> -> memref<1x!tpu.dma_semaphore, #tpu.memory_space<semaphore_mem>>
    %dma_wait3A_144 = tpu.memref_squeeze %dma_wait3A_143 : memref<1x!tpu.dma_semaphore, #tpu.memory_space<semaphore_mem>> -> memref<!tpu.dma_semaphore, #tpu.memory_space<semaphore_mem>>
    tpu.wait_indirect_dma semaphore(%dma_wait3A_144 : memref<!tpu.dma_semaphore, #tpu.memory_space<semaphore_mem>>) src(%dma_wait3A_136 : memref<128x16xf32, #tpu.memory_space<vmem>>) dst(%dma_wait3A_142 : memref<10240x16xf32, #tpu.memory_space<vmem_shared>>)
    %dma_wait3A_145 = arith.constant 0 : i32
    %dma_wait3A_146 = arith.constant 78 : i32
    %dma_wait3A_147 = arith.constant 0 : i32
    %dma_wait3A_148 = arith.constant 0 : i32
    %dma_wait3A_149 = arith.constant 0 : i32
    %dma_wait3A_150 = tpu.memref_slice %arg8[%dma_wait3A_145, %dma_wait3A_148, %dma_wait3A_149] : memref<6x128x16xf32, #tpu.memory_space<vmem>> -> memref<1x128x16xf32, #tpu.memory_space<vmem>>
    %dma_wait3A_151 = tpu.memref_squeeze %dma_wait3A_150 : memref<1x128x16xf32, #tpu.memory_space<vmem>> -> memref<128x16xf32, #tpu.memory_space<vmem>>
    %dma_wait3A_152 = arith.constant 0 : i32
    %dma_wait3A_153 = tpu.memref_slice %arg7[%dma_wait3A_146, %dma_wait3A_152] : memref<80x128xi32, #tpu.memory_space<vmem>> -> memref<1x128xi32, #tpu.memory_space<vmem>>
    %dma_wait3A_154 = tpu.memref_squeeze %dma_wait3A_153 : memref<1x128xi32, #tpu.memory_space<vmem>> -> memref<128xi32, #tpu.memory_space<vmem>>
    %dma_wait3A_155 = arith.constant 0 : i32
    %dma_wait3A_156 = arith.constant 0 : i32
    %dma_wait3A_157 = tpu.memref_slice %arg9[%dma_wait3A_155, %dma_wait3A_156] : memref<10240x16xf32, #tpu.memory_space<vmem_shared>> -> memref<10240x16xf32, #tpu.memory_space<vmem_shared>>
    %dma_wait3A_158 = tpu.memref_slice %arg11[%dma_wait3A_147] : memref<6x!tpu.dma_semaphore, #tpu.memory_space<semaphore_mem>> -> memref<1x!tpu.dma_semaphore, #tpu.memory_space<semaphore_mem>>
    %dma_wait3A_159 = tpu.memref_squeeze %dma_wait3A_158 : memref<1x!tpu.dma_semaphore, #tpu.memory_space<semaphore_mem>> -> memref<!tpu.dma_semaphore, #tpu.memory_space<semaphore_mem>>
    tpu.wait_indirect_dma semaphore(%dma_wait3A_159 : memref<!tpu.dma_semaphore, #tpu.memory_space<semaphore_mem>>) src(%dma_wait3A_151 : memref<128x16xf32, #tpu.memory_space<vmem>>) dst(%dma_wait3A_157 : memref<10240x16xf32, #tpu.memory_space<vmem_shared>>)
    %dma_wait3A_160 = arith.constant 1 : i32
    %dma_wait3A_161 = arith.constant 79 : i32
    %dma_wait3A_162 = arith.constant 1 : i32
    %dma_wait3A_163 = arith.constant 0 : i32
    %dma_wait3A_164 = arith.constant 0 : i32
    %dma_wait3A_165 = tpu.memref_slice %arg8[%dma_wait3A_160, %dma_wait3A_163, %dma_wait3A_164] : memref<6x128x16xf32, #tpu.memory_space<vmem>> -> memref<1x128x16xf32, #tpu.memory_space<vmem>>
    %dma_wait3A_166 = tpu.memref_squeeze %dma_wait3A_165 : memref<1x128x16xf32, #tpu.memory_space<vmem>> -> memref<128x16xf32, #tpu.memory_space<vmem>>
    %dma_wait3A_167 = arith.constant 0 : i32
    %dma_wait3A_168 = tpu.memref_slice %arg7[%dma_wait3A_161, %dma_wait3A_167] : memref<80x128xi32, #tpu.memory_space<vmem>> -> memref<1x128xi32, #tpu.memory_space<vmem>>
    %dma_wait3A_169 = tpu.memref_squeeze %dma_wait3A_168 : memref<1x128xi32, #tpu.memory_space<vmem>> -> memref<128xi32, #tpu.memory_space<vmem>>
    %dma_wait3A_170 = arith.constant 0 : i32
    %dma_wait3A_171 = arith.constant 0 : i32
    %dma_wait3A_172 = tpu.memref_slice %arg9[%dma_wait3A_170, %dma_wait3A_171] : memref<10240x16xf32, #tpu.memory_space<vmem_shared>> -> memref<10240x16xf32, #tpu.memory_space<vmem_shared>>
    %dma_wait3A_173 = tpu.memref_slice %arg11[%dma_wait3A_162] : memref<6x!tpu.dma_semaphore, #tpu.memory_space<semaphore_mem>> -> memref<1x!tpu.dma_semaphore, #tpu.memory_space<semaphore_mem>>
    %dma_wait3A_174 = tpu.memref_squeeze %dma_wait3A_173 : memref<1x!tpu.dma_semaphore, #tpu.memory_space<semaphore_mem>> -> memref<!tpu.dma_semaphore, #tpu.memory_space<semaphore_mem>>
    tpu.wait_indirect_dma semaphore(%dma_wait3A_174 : memref<!tpu.dma_semaphore, #tpu.memory_space<semaphore_mem>>) src(%dma_wait3A_166 : memref<128x16xf32, #tpu.memory_space<vmem>>) dst(%dma_wait3A_172 : memref<10240x16xf32, #tpu.memory_space<vmem_shared>>)
    %barrier3A_175 = arith.constant 0 : index
    tpu.barrier barrier_id(%barrier3A_175)
    %mul3A_176 = arith.constant 640 : i32
    %mul3A_177 = arith.muli %arg1, %mul3A_176 : i32
    %add3A_178 = arith.constant 0 : i32
    %add3A_179 = arith.addi %mul3A_177, %add3A_178 : i32
    %run_scoped3A_180 = arith.constant 0 : i32
    "tpu.region"() ({
      %run_scoped3A_241 = tpu.sem_alloc : memref<!tpu.dma_semaphore, #tpu.memory_space<semaphore_mem>>
      %dma_start3A_242 = arith.constant 0 : i32
      %dma_start3A_243 = arith.constant 0 : i32
      %dma_start3A_244 = tpu.memref_slice %arg8[%run_scoped3A_180, %dma_start3A_242, %dma_start3A_243] : memref<6x128x16xf32, #tpu.memory_space<vmem>> -> memref<1x128x16xf32, #tpu.memory_space<vmem>>
      %dma_start3A_245 = tpu.memref_squeeze %dma_start3A_244 : memref<1x128x16xf32, #tpu.memory_space<vmem>> -> memref<128x16xf32, #tpu.memory_space<vmem>>
      %dma_start3A_246 = arith.constant 0 : i32
      %dma_start3A_247 = tpu.memref_slice %arg9[%add3A_179, %dma_start3A_246] : memref<10240x16xf32, #tpu.memory_space<vmem_shared>> -> memref<128x16xf32, #tpu.memory_space<vmem_shared>>
      %dma_start3A_248 = arith.constant 0 : i32
      %dma_start3A_249 = arith.constant 0 : i32
      %dma_start3A_250 = tpu.memref_slice %arg8[%run_scoped3A_180, %dma_start3A_248, %dma_start3A_249] : memref<6x128x16xf32, #tpu.memory_space<vmem>> -> memref<1x128x16xf32, #tpu.memory_space<vmem>>
      %dma_start3A_251 = tpu.memref_squeeze %dma_start3A_250 : memref<1x128x16xf32, #tpu.memory_space<vmem>> -> memref<128x16xf32, #tpu.memory_space<vmem>>
      %dma_start3A_252 = arith.constant 0 : i32
      %dma_start3A_253 = tpu.memref_slice %arg9[%add3A_179, %dma_start3A_252] : memref<10240x16xf32, #tpu.memory_space<vmem_shared>> -> memref<128x16xf32, #tpu.memory_space<vmem_shared>>
      tpu.enqueue_dma source(%dma_start3A_253 : memref<128x16xf32, #tpu.memory_space<vmem_shared>>) target(%dma_start3A_251 : memref<128x16xf32, #tpu.memory_space<vmem>>) target_semaphore(%run_scoped3A_241 : memref<!tpu.dma_semaphore, #tpu.memory_space<semaphore_mem>>)
      %dma_wait3A_254 = arith.constant 0 : i32
      %dma_wait3A_255 = arith.constant 0 : i32
      %dma_wait3A_256 = tpu.memref_slice %arg8[%run_scoped3A_180, %dma_wait3A_254, %dma_wait3A_255] : memref<6x128x16xf32, #tpu.memory_space<vmem>> -> memref<1x128x16xf32, #tpu.memory_space<vmem>>
      %dma_wait3A_257 = tpu.memref_squeeze %dma_wait3A_256 : memref<1x128x16xf32, #tpu.memory_space<vmem>> -> memref<128x16xf32, #tpu.memory_space<vmem>>
      %dma_wait3A_258 = arith.constant 0 : i32
      %dma_wait3A_259 = tpu.memref_slice %arg9[%add3A_179, %dma_wait3A_258] : memref<10240x16xf32, #tpu.memory_space<vmem_shared>> -> memref<128x16xf32, #tpu.memory_space<vmem_shared>>
      %dma_wait3A_260 = arith.constant 0 : i32
      %dma_wait3A_261 = arith.constant 0 : i32
      %dma_wait3A_262 = tpu.memref_slice %arg8[%run_scoped3A_180, %dma_wait3A_260, %dma_wait3A_261] : memref<6x128x16xf32, #tpu.memory_space<vmem>> -> memref<1x128x16xf32, #tpu.memory_space<vmem>>
      %dma_wait3A_263 = tpu.memref_squeeze %dma_wait3A_262 : memref<1x128x16xf32, #tpu.memory_space<vmem>> -> memref<128x16xf32, #tpu.memory_space<vmem>>
      %dma_wait3A_264 = arith.constant 0 : i32
      %dma_wait3A_265 = tpu.memref_slice %arg9[%add3A_179, %dma_wait3A_264] : memref<10240x16xf32, #tpu.memory_space<vmem_shared>> -> memref<128x16xf32, #tpu.memory_space<vmem_shared>>
      tpu.wait_dma2 semaphore(%run_scoped3A_241 : memref<!tpu.dma_semaphore, #tpu.memory_space<semaphore_mem>>) src(%dma_wait3A_265 : memref<128x16xf32, #tpu.memory_space<vmem_shared>>) dst(%dma_wait3A_263 : memref<128x16xf32, #tpu.memory_space<vmem>>)
      tpu.yield
    }) : () -> ()
    %mul3A_181 = arith.constant 10240 : i32
    %mul3A_182 = arith.muli %arg0, %mul3A_181 : i32
    %mul3A_183 = arith.constant 640 : i32
    %mul3A_184 = arith.muli %arg1, %mul3A_183 : i32
    %add3A_185 = arith.addi %mul3A_182, %mul3A_184 : i32
    %add3A_186 = arith.constant 0 : i32
    %add3A_187 = arith.addi %add3A_185, %add3A_186 : i32
    %run_scoped3A_188 = arith.constant 0 : i32
    "tpu.region"() ({
      %run_scoped3A_241 = tpu.sem_alloc : memref<!tpu.dma_semaphore, #tpu.memory_space<semaphore_mem>>
      %dma_start3A_242 = arith.constant 0 : i32
      %dma_start3A_243 = arith.constant 0 : i32
      %dma_start3A_244 = tpu.memref_slice %arg8[%run_scoped3A_188, %dma_start3A_242, %dma_start3A_243] : memref<6x128x16xf32, #tpu.memory_space<vmem>> -> memref<1x128x16xf32, #tpu.memory_space<vmem>>
      %dma_start3A_245 = tpu.memref_squeeze %dma_start3A_244 : memref<1x128x16xf32, #tpu.memory_space<vmem>> -> memref<128x16xf32, #tpu.memory_space<vmem>>
      %dma_start3A_246 = arith.constant 0 : i32
      %dma_start3A_247 = tpu.memref_slice %arg5[%add3A_187, %dma_start3A_246] : memref<20480x16xf32, #tpu.memory_space<hbm>> -> memref<128x16xf32, #tpu.memory_space<hbm>>
      %dma_start3A_248 = arith.constant 0 : i32
      %dma_start3A_249 = tpu.memref_slice %arg5[%add3A_187, %dma_start3A_248] : memref<20480x16xf32, #tpu.memory_space<hbm>> -> memref<128x16xf32, #tpu.memory_space<hbm>>
      %dma_start3A_250 = arith.constant 0 : i32
      %dma_start3A_251 = arith.constant 0 : i32
      %dma_start3A_252 = tpu.memref_slice %arg8[%run_scoped3A_188, %dma_start3A_250, %dma_start3A_251] : memref<6x128x16xf32, #tpu.memory_space<vmem>> -> memref<1x128x16xf32, #tpu.memory_space<vmem>>
      %dma_start3A_253 = tpu.memref_squeeze %dma_start3A_252 : memref<1x128x16xf32, #tpu.memory_space<vmem>> -> memref<128x16xf32, #tpu.memory_space<vmem>>
      tpu.enqueue_dma source(%dma_start3A_253 : memref<128x16xf32, #tpu.memory_space<vmem>>) target(%dma_start3A_249 : memref<128x16xf32, #tpu.memory_space<hbm>>) target_semaphore(%run_scoped3A_241 : memref<!tpu.dma_semaphore, #tpu.memory_space<semaphore_mem>>)
      %dma_wait3A_254 = arith.constant 0 : i32
      %dma_wait3A_255 = arith.constant 0 : i32
      %dma_wait3A_256 = tpu.memref_slice %arg8[%run_scoped3A_188, %dma_wait3A_254, %dma_wait3A_255] : memref<6x128x16xf32, #tpu.memory_space<vmem>> -> memref<1x128x16xf32, #tpu.memory_space<vmem>>
      %dma_wait3A_257 = tpu.memref_squeeze %dma_wait3A_256 : memref<1x128x16xf32, #tpu.memory_space<vmem>> -> memref<128x16xf32, #tpu.memory_space<vmem>>
      %dma_wait3A_258 = arith.constant 0 : i32
      %dma_wait3A_259 = tpu.memref_slice %arg5[%add3A_187, %dma_wait3A_258] : memref<20480x16xf32, #tpu.memory_space<hbm>> -> memref<128x16xf32, #tpu.memory_space<hbm>>
      %dma_wait3A_260 = arith.constant 0 : i32
      %dma_wait3A_261 = tpu.memref_slice %arg5[%add3A_187, %dma_wait3A_260] : memref<20480x16xf32, #tpu.memory_space<hbm>> -> memref<128x16xf32, #tpu.memory_space<hbm>>
      %dma_wait3A_262 = arith.constant 0 : i32
      %dma_wait3A_263 = arith.constant 0 : i32
      %dma_wait3A_264 = tpu.memref_slice %arg8[%run_scoped3A_188, %dma_wait3A_262, %dma_wait3A_263] : memref<6x128x16xf32, #tpu.memory_space<vmem>> -> memref<1x128x16xf32, #tpu.memory_space<vmem>>
      %dma_wait3A_265 = tpu.memref_squeeze %dma_wait3A_264 : memref<1x128x16xf32, #tpu.memory_space<vmem>> -> memref<128x16xf32, #tpu.memory_space<vmem>>
      tpu.wait_dma2 semaphore(%run_scoped3A_241 : memref<!tpu.dma_semaphore, #tpu.memory_space<semaphore_mem>>) src(%dma_wait3A_265 : memref<128x16xf32, #tpu.memory_space<vmem>>) dst(%dma_wait3A_261 : memref<128x16xf32, #tpu.memory_space<hbm>>)
      tpu.yield
    }) : () -> ()
    %mul3A_189 = arith.constant 640 : i32
    %mul3A_190 = arith.muli %arg1, %mul3A_189 : i32
    %add3A_191 = arith.constant 128 : i32
    %add3A_192 = arith.addi %mul3A_190, %add3A_191 : i32
    %run_scoped3A_193 = arith.constant 0 : i32
    "tpu.region"() ({
      %run_scoped3A_241 = tpu.sem_alloc : memref<!tpu.dma_semaphore, #tpu.memory_space<semaphore_mem>>
      %dma_start3A_242 = arith.constant 0 : i32
      %dma_start3A_243 = arith.constant 0 : i32
      %dma_start3A_244 = tpu.memref_slice %arg8[%run_scoped3A_193, %dma_start3A_242, %dma_start3A_243] : memref<6x128x16xf32, #tpu.memory_space<vmem>> -> memref<1x128x16xf32, #tpu.memory_space<vmem>>
      %dma_start3A_245 = tpu.memref_squeeze %dma_start3A_244 : memref<1x128x16xf32, #tpu.memory_space<vmem>> -> memref<128x16xf32, #tpu.memory_space<vmem>>
      %dma_start3A_246 = arith.constant 0 : i32
      %dma_start3A_247 = tpu.memref_slice %arg9[%add3A_192, %dma_start3A_246] : memref<10240x16xf32, #tpu.memory_space<vmem_shared>> -> memref<128x16xf32, #tpu.memory_space<vmem_shared>>
      %dma_start3A_248 = arith.constant 0 : i32
      %dma_start3A_249 = arith.constant 0 : i32
      %dma_start3A_250 = tpu.memref_slice %arg8[%run_scoped3A_193, %dma_start3A_248, %dma_start3A_249] : memref<6x128x16xf32, #tpu.memory_space<vmem>> -> memref<1x128x16xf32, #tpu.memory_space<vmem>>
      %dma_start3A_251 = tpu.memref_squeeze %dma_start3A_250 : memref<1x128x16xf32, #tpu.memory_space<vmem>> -> memref<128x16xf32, #tpu.memory_space<vmem>>
      %dma_start3A_252 = arith.constant 0 : i32
      %dma_start3A_253 = tpu.memref_slice %arg9[%add3A_192, %dma_start3A_252] : memref<10240x16xf32, #tpu.memory_space<vmem_shared>> -> memref<128x16xf32, #tpu.memory_space<vmem_shared>>
      tpu.enqueue_dma source(%dma_start3A_253 : memref<128x16xf32, #tpu.memory_space<vmem_shared>>) target(%dma_start3A_251 : memref<128x16xf32, #tpu.memory_space<vmem>>) target_semaphore(%run_scoped3A_241 : memref<!tpu.dma_semaphore, #tpu.memory_space<semaphore_mem>>)
      %dma_wait3A_254 = arith.constant 0 : i32
      %dma_wait3A_255 = arith.constant 0 : i32
      %dma_wait3A_256 = tpu.memref_slice %arg8[%run_scoped3A_193, %dma_wait3A_254, %dma_wait3A_255] : memref<6x128x16xf32, #tpu.memory_space<vmem>> -> memref<1x128x16xf32, #tpu.memory_space<vmem>>
      %dma_wait3A_257 = tpu.memref_squeeze %dma_wait3A_256 : memref<1x128x16xf32, #tpu.memory_space<vmem>> -> memref<128x16xf32, #tpu.memory_space<vmem>>
      %dma_wait3A_258 = arith.constant 0 : i32
      %dma_wait3A_259 = tpu.memref_slice %arg9[%add3A_192, %dma_wait3A_258] : memref<10240x16xf32, #tpu.memory_space<vmem_shared>> -> memref<128x16xf32, #tpu.memory_space<vmem_shared>>
      %dma_wait3A_260 = arith.constant 0 : i32
      %dma_wait3A_261 = arith.constant 0 : i32
      %dma_wait3A_262 = tpu.memref_slice %arg8[%run_scoped3A_193, %dma_wait3A_260, %dma_wait3A_261] : memref<6x128x16xf32, #tpu.memory_space<vmem>> -> memref<1x128x16xf32, #tpu.memory_space<vmem>>
      %dma_wait3A_263 = tpu.memref_squeeze %dma_wait3A_262 : memref<1x128x16xf32, #tpu.memory_space<vmem>> -> memref<128x16xf32, #tpu.memory_space<vmem>>
      %dma_wait3A_264 = arith.constant 0 : i32
      %dma_wait3A_265 = tpu.memref_slice %arg9[%add3A_192, %dma_wait3A_264] : memref<10240x16xf32, #tpu.memory_space<vmem_shared>> -> memref<128x16xf32, #tpu.memory_space<vmem_shared>>
      tpu.wait_dma2 semaphore(%run_scoped3A_241 : memref<!tpu.dma_semaphore, #tpu.memory_space<semaphore_mem>>) src(%dma_wait3A_265 : memref<128x16xf32, #tpu.memory_space<vmem_shared>>) dst(%dma_wait3A_263 : memref<128x16xf32, #tpu.memory_space<vmem>>)
      tpu.yield
    }) : () -> ()
    %mul3A_194 = arith.constant 10240 : i32
    %mul3A_195 = arith.muli %arg0, %mul3A_194 : i32
    %mul3A_196 = arith.constant 640 : i32
    %mul3A_197 = arith.muli %arg1, %mul3A_196 : i32
    %add3A_198 = arith.addi %mul3A_195, %mul3A_197 : i32
    %add3A_199 = arith.constant 128 : i32
    %add3A_200 = arith.addi %add3A_198, %add3A_199 : i32
    %run_scoped3A_201 = arith.constant 0 : i32
    "tpu.region"() ({
      %run_scoped3A_241 = tpu.sem_alloc : memref<!tpu.dma_semaphore, #tpu.memory_space<semaphore_mem>>
      %dma_start3A_242 = arith.constant 0 : i32
      %dma_start3A_243 = arith.constant 0 : i32
      %dma_start3A_244 = tpu.memref_slice %arg8[%run_scoped3A_201, %dma_start3A_242, %dma_start3A_243] : memref<6x128x16xf32, #tpu.memory_space<vmem>> -> memref<1x128x16xf32, #tpu.memory_space<vmem>>
      %dma_start3A_245 = tpu.memref_squeeze %dma_start3A_244 : memref<1x128x16xf32, #tpu.memory_space<vmem>> -> memref<128x16xf32, #tpu.memory_space<vmem>>
      %dma_start3A_246 = arith.constant 0 : i32
      %dma_start3A_247 = tpu.memref_slice %arg5[%add3A_200, %dma_start3A_246] : memref<20480x16xf32, #tpu.memory_space<hbm>> -> memref<128x16xf32, #tpu.memory_space<hbm>>
      %dma_start3A_248 = arith.constant 0 : i32
      %dma_start3A_249 = tpu.memref_slice %arg5[%add3A_200, %dma_start3A_248] : memref<20480x16xf32, #tpu.memory_space<hbm>> -> memref<128x16xf32, #tpu.memory_space<hbm>>
      %dma_start3A_250 = arith.constant 0 : i32
      %dma_start3A_251 = arith.constant 0 : i32
      %dma_start3A_252 = tpu.memref_slice %arg8[%run_scoped3A_201, %dma_start3A_250, %dma_start3A_251] : memref<6x128x16xf32, #tpu.memory_space<vmem>> -> memref<1x128x16xf32, #tpu.memory_space<vmem>>
      %dma_start3A_253 = tpu.memref_squeeze %dma_start3A_252 : memref<1x128x16xf32, #tpu.memory_space<vmem>> -> memref<128x16xf32, #tpu.memory_space<vmem>>
      tpu.enqueue_dma source(%dma_start3A_253 : memref<128x16xf32, #tpu.memory_space<vmem>>) target(%dma_start3A_249 : memref<128x16xf32, #tpu.memory_space<hbm>>) target_semaphore(%run_scoped3A_241 : memref<!tpu.dma_semaphore, #tpu.memory_space<semaphore_mem>>)
      %dma_wait3A_254 = arith.constant 0 : i32
      %dma_wait3A_255 = arith.constant 0 : i32
      %dma_wait3A_256 = tpu.memref_slice %arg8[%run_scoped3A_201, %dma_wait3A_254, %dma_wait3A_255] : memref<6x128x16xf32, #tpu.memory_space<vmem>> -> memref<1x128x16xf32, #tpu.memory_space<vmem>>
      %dma_wait3A_257 = tpu.memref_squeeze %dma_wait3A_256 : memref<1x128x16xf32, #tpu.memory_space<vmem>> -> memref<128x16xf32, #tpu.memory_space<vmem>>
      %dma_wait3A_258 = arith.constant 0 : i32
      %dma_wait3A_259 = tpu.memref_slice %arg5[%add3A_200, %dma_wait3A_258] : memref<20480x16xf32, #tpu.memory_space<hbm>> -> memref<128x16xf32, #tpu.memory_space<hbm>>
      %dma_wait3A_260 = arith.constant 0 : i32
      %dma_wait3A_261 = tpu.memref_slice %arg5[%add3A_200, %dma_wait3A_260] : memref<20480x16xf32, #tpu.memory_space<hbm>> -> memref<128x16xf32, #tpu.memory_space<hbm>>
      %dma_wait3A_262 = arith.constant 0 : i32
      %dma_wait3A_263 = arith.constant 0 : i32
      %dma_wait3A_264 = tpu.memref_slice %arg8[%run_scoped3A_201, %dma_wait3A_262, %dma_wait3A_263] : memref<6x128x16xf32, #tpu.memory_space<vmem>> -> memref<1x128x16xf32, #tpu.memory_space<vmem>>
      %dma_wait3A_265 = tpu.memref_squeeze %dma_wait3A_264 : memref<1x128x16xf32, #tpu.memory_space<vmem>> -> memref<128x16xf32, #tpu.memory_space<vmem>>
      tpu.wait_dma2 semaphore(%run_scoped3A_241 : memref<!tpu.dma_semaphore, #tpu.memory_space<semaphore_mem>>) src(%dma_wait3A_265 : memref<128x16xf32, #tpu.memory_space<vmem>>) dst(%dma_wait3A_261 : memref<128x16xf32, #tpu.memory_space<hbm>>)
      tpu.yield
    }) : () -> ()
    %mul3A_202 = arith.constant 640 : i32
    %mul3A_203 = arith.muli %arg1, %mul3A_202 : i32
    %add3A_204 = arith.constant 256 : i32
    %add3A_205 = arith.addi %mul3A_203, %add3A_204 : i32
    %run_scoped3A_206 = arith.constant 0 : i32
    "tpu.region"() ({
      %run_scoped3A_241 = tpu.sem_alloc : memref<!tpu.dma_semaphore, #tpu.memory_space<semaphore_mem>>
      %dma_start3A_242 = arith.constant 0 : i32
      %dma_start3A_243 = arith.constant 0 : i32
      %dma_start3A_244 = tpu.memref_slice %arg8[%run_scoped3A_206, %dma_start3A_242, %dma_start3A_243] : memref<6x128x16xf32, #tpu.memory_space<vmem>> -> memref<1x128x16xf32, #tpu.memory_space<vmem>>
      %dma_start3A_245 = tpu.memref_squeeze %dma_start3A_244 : memref<1x128x16xf32, #tpu.memory_space<vmem>> -> memref<128x16xf32, #tpu.memory_space<vmem>>
      %dma_start3A_246 = arith.constant 0 : i32
      %dma_start3A_247 = tpu.memref_slice %arg9[%add3A_205, %dma_start3A_246] : memref<10240x16xf32, #tpu.memory_space<vmem_shared>> -> memref<128x16xf32, #tpu.memory_space<vmem_shared>>
      %dma_start3A_248 = arith.constant 0 : i32
      %dma_start3A_249 = arith.constant 0 : i32
      %dma_start3A_250 = tpu.memref_slice %arg8[%run_scoped3A_206, %dma_start3A_248, %dma_start3A_249] : memref<6x128x16xf32, #tpu.memory_space<vmem>> -> memref<1x128x16xf32, #tpu.memory_space<vmem>>
      %dma_start3A_251 = tpu.memref_squeeze %dma_start3A_250 : memref<1x128x16xf32, #tpu.memory_space<vmem>> -> memref<128x16xf32, #tpu.memory_space<vmem>>
      %dma_start3A_252 = arith.constant 0 : i32
      %dma_start3A_253 = tpu.memref_slice %arg9[%add3A_205, %dma_start3A_252] : memref<10240x16xf32, #tpu.memory_space<vmem_shared>> -> memref<128x16xf32, #tpu.memory_space<vmem_shared>>
      tpu.enqueue_dma source(%dma_start3A_253 : memref<128x16xf32, #tpu.memory_space<vmem_shared>>) target(%dma_start3A_251 : memref<128x16xf32, #tpu.memory_space<vmem>>) target_semaphore(%run_scoped3A_241 : memref<!tpu.dma_semaphore, #tpu.memory_space<semaphore_mem>>)
      %dma_wait3A_254 = arith.constant 0 : i32
      %dma_wait3A_255 = arith.constant 0 : i32
      %dma_wait3A_256 = tpu.memref_slice %arg8[%run_scoped3A_206, %dma_wait3A_254, %dma_wait3A_255] : memref<6x128x16xf32, #tpu.memory_space<vmem>> -> memref<1x128x16xf32, #tpu.memory_space<vmem>>
      %dma_wait3A_257 = tpu.memref_squeeze %dma_wait3A_256 : memref<1x128x16xf32, #tpu.memory_space<vmem>> -> memref<128x16xf32, #tpu.memory_space<vmem>>
      %dma_wait3A_258 = arith.constant 0 : i32
      %dma_wait3A_259 = tpu.memref_slice %arg9[%add3A_205, %dma_wait3A_258] : memref<10240x16xf32, #tpu.memory_space<vmem_shared>> -> memref<128x16xf32, #tpu.memory_space<vmem_shared>>
      %dma_wait3A_260 = arith.constant 0 : i32
      %dma_wait3A_261 = arith.constant 0 : i32
      %dma_wait3A_262 = tpu.memref_slice %arg8[%run_scoped3A_206, %dma_wait3A_260, %dma_wait3A_261] : memref<6x128x16xf32, #tpu.memory_space<vmem>> -> memref<1x128x16xf32, #tpu.memory_space<vmem>>
      %dma_wait3A_263 = tpu.memref_squeeze %dma_wait3A_262 : memref<1x128x16xf32, #tpu.memory_space<vmem>> -> memref<128x16xf32, #tpu.memory_space<vmem>>
      %dma_wait3A_264 = arith.constant 0 : i32
      %dma_wait3A_265 = tpu.memref_slice %arg9[%add3A_205, %dma_wait3A_264] : memref<10240x16xf32, #tpu.memory_space<vmem_shared>> -> memref<128x16xf32, #tpu.memory_space<vmem_shared>>
      tpu.wait_dma2 semaphore(%run_scoped3A_241 : memref<!tpu.dma_semaphore, #tpu.memory_space<semaphore_mem>>) src(%dma_wait3A_265 : memref<128x16xf32, #tpu.memory_space<vmem_shared>>) dst(%dma_wait3A_263 : memref<128x16xf32, #tpu.memory_space<vmem>>)
      tpu.yield
    }) : () -> ()
    %mul3A_207 = arith.constant 10240 : i32
    %mul3A_208 = arith.muli %arg0, %mul3A_207 : i32
    %mul3A_209 = arith.constant 640 : i32
    %mul3A_210 = arith.muli %arg1, %mul3A_209 : i32
    %add3A_211 = arith.addi %mul3A_208, %mul3A_210 : i32
    %add3A_212 = arith.constant 256 : i32
    %add3A_213 = arith.addi %add3A_211, %add3A_212 : i32
    %run_scoped3A_214 = arith.constant 0 : i32
    "tpu.region"() ({
      %run_scoped3A_241 = tpu.sem_alloc : memref<!tpu.dma_semaphore, #tpu.memory_space<semaphore_mem>>
      %dma_start3A_242 = arith.constant 0 : i32
      %dma_start3A_243 = arith.constant 0 : i32
      %dma_start3A_244 = tpu.memref_slice %arg8[%run_scoped3A_214, %dma_start3A_242, %dma_start3A_243] : memref<6x128x16xf32, #tpu.memory_space<vmem>> -> memref<1x128x16xf32, #tpu.memory_space<vmem>>
      %dma_start3A_245 = tpu.memref_squeeze %dma_start3A_244 : memref<1x128x16xf32, #tpu.memory_space<vmem>> -> memref<128x16xf32, #tpu.memory_space<vmem>>
      %dma_start3A_246 = arith.constant 0 : i32
      %dma_start3A_247 = tpu.memref_slice %arg5[%add3A_213, %dma_start3A_246] : memref<20480x16xf32, #tpu.memory_space<hbm>> -> memref<128x16xf32, #tpu.memory_space<hbm>>
      %dma_start3A_248 = arith.constant 0 : i32
      %dma_start3A_249 = tpu.memref_slice %arg5[%add3A_213, %dma_start3A_248] : memref<20480x16xf32, #tpu.memory_space<hbm>> -> memref<128x16xf32, #tpu.memory_space<hbm>>
      %dma_start3A_250 = arith.constant 0 : i32
      %dma_start3A_251 = arith.constant 0 : i32
      %dma_start3A_252 = tpu.memref_slice %arg8[%run_scoped3A_214, %dma_start3A_250, %dma_start3A_251] : memref<6x128x16xf32, #tpu.memory_space<vmem>> -> memref<1x128x16xf32, #tpu.memory_space<vmem>>
      %dma_start3A_253 = tpu.memref_squeeze %dma_start3A_252 : memref<1x128x16xf32, #tpu.memory_space<vmem>> -> memref<128x16xf32, #tpu.memory_space<vmem>>
      tpu.enqueue_dma source(%dma_start3A_253 : memref<128x16xf32, #tpu.memory_space<vmem>>) target(%dma_start3A_249 : memref<128x16xf32, #tpu.memory_space<hbm>>) target_semaphore(%run_scoped3A_241 : memref<!tpu.dma_semaphore, #tpu.memory_space<semaphore_mem>>)
      %dma_wait3A_254 = arith.constant 0 : i32
      %dma_wait3A_255 = arith.constant 0 : i32
      %dma_wait3A_256 = tpu.memref_slice %arg8[%run_scoped3A_214, %dma_wait3A_254, %dma_wait3A_255] : memref<6x128x16xf32, #tpu.memory_space<vmem>> -> memref<1x128x16xf32, #tpu.memory_space<vmem>>
      %dma_wait3A_257 = tpu.memref_squeeze %dma_wait3A_256 : memref<1x128x16xf32, #tpu.memory_space<vmem>> -> memref<128x16xf32, #tpu.memory_space<vmem>>
      %dma_wait3A_258 = arith.constant 0 : i32
      %dma_wait3A_259 = tpu.memref_slice %arg5[%add3A_213, %dma_wait3A_258] : memref<20480x16xf32, #tpu.memory_space<hbm>> -> memref<128x16xf32, #tpu.memory_space<hbm>>
      %dma_wait3A_260 = arith.constant 0 : i32
      %dma_wait3A_261 = tpu.memref_slice %arg5[%add3A_213, %dma_wait3A_260] : memref<20480x16xf32, #tpu.memory_space<hbm>> -> memref<128x16xf32, #tpu.memory_space<hbm>>
      %dma_wait3A_262 = arith.constant 0 : i32
      %dma_wait3A_263 = arith.constant 0 : i32
      %dma_wait3A_264 = tpu.memref_slice %arg8[%run_scoped3A_214, %dma_wait3A_262, %dma_wait3A_263] : memref<6x128x16xf32, #tpu.memory_space<vmem>> -> memref<1x128x16xf32, #tpu.memory_space<vmem>>
      %dma_wait3A_265 = tpu.memref_squeeze %dma_wait3A_264 : memref<1x128x16xf32, #tpu.memory_space<vmem>> -> memref<128x16xf32, #tpu.memory_space<vmem>>
      tpu.wait_dma2 semaphore(%run_scoped3A_241 : memref<!tpu.dma_semaphore, #tpu.memory_space<semaphore_mem>>) src(%dma_wait3A_265 : memref<128x16xf32, #tpu.memory_space<vmem>>) dst(%dma_wait3A_261 : memref<128x16xf32, #tpu.memory_space<hbm>>)
      tpu.yield
    }) : () -> ()
    %mul3A_215 = arith.constant 640 : i32
    %mul3A_216 = arith.muli %arg1, %mul3A_215 : i32
    %add3A_217 = arith.constant 384 : i32
    %add3A_218 = arith.addi %mul3A_216, %add3A_217 : i32
    %run_scoped3A_219 = arith.constant 0 : i32
    "tpu.region"() ({
      %run_scoped3A_241 = tpu.sem_alloc : memref<!tpu.dma_semaphore, #tpu.memory_space<semaphore_mem>>
      %dma_start3A_242 = arith.constant 0 : i32
      %dma_start3A_243 = arith.constant 0 : i32
      %dma_start3A_244 = tpu.memref_slice %arg8[%run_scoped3A_219, %dma_start3A_242, %dma_start3A_243] : memref<6x128x16xf32, #tpu.memory_space<vmem>> -> memref<1x128x16xf32, #tpu.memory_space<vmem>>
      %dma_start3A_245 = tpu.memref_squeeze %dma_start3A_244 : memref<1x128x16xf32, #tpu.memory_space<vmem>> -> memref<128x16xf32, #tpu.memory_space<vmem>>
      %dma_start3A_246 = arith.constant 0 : i32
      %dma_start3A_247 = tpu.memref_slice %arg9[%add3A_218, %dma_start3A_246] : memref<10240x16xf32, #tpu.memory_space<vmem_shared>> -> memref<128x16xf32, #tpu.memory_space<vmem_shared>>
      %dma_start3A_248 = arith.constant 0 : i32
      %dma_start3A_249 = arith.constant 0 : i32
      %dma_start3A_250 = tpu.memref_slice %arg8[%run_scoped3A_219, %dma_start3A_248, %dma_start3A_249] : memref<6x128x16xf32, #tpu.memory_space<vmem>> -> memref<1x128x16xf32, #tpu.memory_space<vmem>>
      %dma_start3A_251 = tpu.memref_squeeze %dma_start3A_250 : memref<1x128x16xf32, #tpu.memory_space<vmem>> -> memref<128x16xf32, #tpu.memory_space<vmem>>
      %dma_start3A_252 = arith.constant 0 : i32
      %dma_start3A_253 = tpu.memref_slice %arg9[%add3A_218, %dma_start3A_252] : memref<10240x16xf32, #tpu.memory_space<vmem_shared>> -> memref<128x16xf32, #tpu.memory_space<vmem_shared>>
      tpu.enqueue_dma source(%dma_start3A_253 : memref<128x16xf32, #tpu.memory_space<vmem_shared>>) target(%dma_start3A_251 : memref<128x16xf32, #tpu.memory_space<vmem>>) target_semaphore(%run_scoped3A_241 : memref<!tpu.dma_semaphore, #tpu.memory_space<semaphore_mem>>)
      %dma_wait3A_254 = arith.constant 0 : i32
      %dma_wait3A_255 = arith.constant 0 : i32
      %dma_wait3A_256 = tpu.memref_slice %arg8[%run_scoped3A_219, %dma_wait3A_254, %dma_wait3A_255] : memref<6x128x16xf32, #tpu.memory_space<vmem>> -> memref<1x128x16xf32, #tpu.memory_space<vmem>>
      %dma_wait3A_257 = tpu.memref_squeeze %dma_wait3A_256 : memref<1x128x16xf32, #tpu.memory_space<vmem>> -> memref<128x16xf32, #tpu.memory_space<vmem>>
      %dma_wait3A_258 = arith.constant 0 : i32
      %dma_wait3A_259 = tpu.memref_slice %arg9[%add3A_218, %dma_wait3A_258] : memref<10240x16xf32, #tpu.memory_space<vmem_shared>> -> memref<128x16xf32, #tpu.memory_space<vmem_shared>>
      %dma_wait3A_260 = arith.constant 0 : i32
      %dma_wait3A_261 = arith.constant 0 : i32
      %dma_wait3A_262 = tpu.memref_slice %arg8[%run_scoped3A_219, %dma_wait3A_260, %dma_wait3A_261] : memref<6x128x16xf32, #tpu.memory_space<vmem>> -> memref<1x128x16xf32, #tpu.memory_space<vmem>>
      %dma_wait3A_263 = tpu.memref_squeeze %dma_wait3A_262 : memref<1x128x16xf32, #tpu.memory_space<vmem>> -> memref<128x16xf32, #tpu.memory_space<vmem>>
      %dma_wait3A_264 = arith.constant 0 : i32
      %dma_wait3A_265 = tpu.memref_slice %arg9[%add3A_218, %dma_wait3A_264] : memref<10240x16xf32, #tpu.memory_space<vmem_shared>> -> memref<128x16xf32, #tpu.memory_space<vmem_shared>>
      tpu.wait_dma2 semaphore(%run_scoped3A_241 : memref<!tpu.dma_semaphore, #tpu.memory_space<semaphore_mem>>) src(%dma_wait3A_265 : memref<128x16xf32, #tpu.memory_space<vmem_shared>>) dst(%dma_wait3A_263 : memref<128x16xf32, #tpu.memory_space<vmem>>)
      tpu.yield
    }) : () -> ()
    %mul3A_220 = arith.constant 10240 : i32
    %mul3A_221 = arith.muli %arg0, %mul3A_220 : i32
    %mul3A_222 = arith.constant 640 : i32
    %mul3A_223 = arith.muli %arg1, %mul3A_222 : i32
    %add3A_224 = arith.addi %mul3A_221, %mul3A_223 : i32
    %add3A_225 = arith.constant 384 : i32
    %add3A_226 = arith.addi %add3A_224, %add3A_225 : i32
    %run_scoped3A_227 = arith.constant 0 : i32
    "tpu.region"() ({
      %run_scoped3A_241 = tpu.sem_alloc : memref<!tpu.dma_semaphore, #tpu.memory_space<semaphore_mem>>
      %dma_start3A_242 = arith.constant 0 : i32
      %dma_start3A_243 = arith.constant 0 : i32
      %dma_start3A_244 = tpu.memref_slice %arg8[%run_scoped3A_227, %dma_start3A_242, %dma_start3A_243] : memref<6x128x16xf32, #tpu.memory_space<vmem>> -> memref<1x128x16xf32, #tpu.memory_space<vmem>>
      %dma_start3A_245 = tpu.memref_squeeze %dma_start3A_244 : memref<1x128x16xf32, #tpu.memory_space<vmem>> -> memref<128x16xf32, #tpu.memory_space<vmem>>
      %dma_start3A_246 = arith.constant 0 : i32
      %dma_start3A_247 = tpu.memref_slice %arg5[%add3A_226, %dma_start3A_246] : memref<20480x16xf32, #tpu.memory_space<hbm>> -> memref<128x16xf32, #tpu.memory_space<hbm>>
      %dma_start3A_248 = arith.constant 0 : i32
      %dma_start3A_249 = tpu.memref_slice %arg5[%add3A_226, %dma_start3A_248] : memref<20480x16xf32, #tpu.memory_space<hbm>> -> memref<128x16xf32, #tpu.memory_space<hbm>>
      %dma_start3A_250 = arith.constant 0 : i32
      %dma_start3A_251 = arith.constant 0 : i32
      %dma_start3A_252 = tpu.memref_slice %arg8[%run_scoped3A_227, %dma_start3A_250, %dma_start3A_251] : memref<6x128x16xf32, #tpu.memory_space<vmem>> -> memref<1x128x16xf32, #tpu.memory_space<vmem>>
      %dma_start3A_253 = tpu.memref_squeeze %dma_start3A_252 : memref<1x128x16xf32, #tpu.memory_space<vmem>> -> memref<128x16xf32, #tpu.memory_space<vmem>>
      tpu.enqueue_dma source(%dma_start3A_253 : memref<128x16xf32, #tpu.memory_space<vmem>>) target(%dma_start3A_249 : memref<128x16xf32, #tpu.memory_space<hbm>>) target_semaphore(%run_scoped3A_241 : memref<!tpu.dma_semaphore, #tpu.memory_space<semaphore_mem>>)
      %dma_wait3A_254 = arith.constant 0 : i32
      %dma_wait3A_255 = arith.constant 0 : i32
      %dma_wait3A_256 = tpu.memref_slice %arg8[%run_scoped3A_227, %dma_wait3A_254, %dma_wait3A_255] : memref<6x128x16xf32, #tpu.memory_space<vmem>> -> memref<1x128x16xf32, #tpu.memory_space<vmem>>
      %dma_wait3A_257 = tpu.memref_squeeze %dma_wait3A_256 : memref<1x128x16xf32, #tpu.memory_space<vmem>> -> memref<128x16xf32, #tpu.memory_space<vmem>>
      %dma_wait3A_258 = arith.constant 0 : i32
      %dma_wait3A_259 = tpu.memref_slice %arg5[%add3A_226, %dma_wait3A_258] : memref<20480x16xf32, #tpu.memory_space<hbm>> -> memref<128x16xf32, #tpu.memory_space<hbm>>
      %dma_wait3A_260 = arith.constant 0 : i32
      %dma_wait3A_261 = tpu.memref_slice %arg5[%add3A_226, %dma_wait3A_260] : memref<20480x16xf32, #tpu.memory_space<hbm>> -> memref<128x16xf32, #tpu.memory_space<hbm>>
      %dma_wait3A_262 = arith.constant 0 : i32
      %dma_wait3A_263 = arith.constant 0 : i32
      %dma_wait3A_264 = tpu.memref_slice %arg8[%run_scoped3A_227, %dma_wait3A_262, %dma_wait3A_263] : memref<6x128x16xf32, #tpu.memory_space<vmem>> -> memref<1x128x16xf32, #tpu.memory_space<vmem>>
      %dma_wait3A_265 = tpu.memref_squeeze %dma_wait3A_264 : memref<1x128x16xf32, #tpu.memory_space<vmem>> -> memref<128x16xf32, #tpu.memory_space<vmem>>
      tpu.wait_dma2 semaphore(%run_scoped3A_241 : memref<!tpu.dma_semaphore, #tpu.memory_space<semaphore_mem>>) src(%dma_wait3A_265 : memref<128x16xf32, #tpu.memory_space<vmem>>) dst(%dma_wait3A_261 : memref<128x16xf32, #tpu.memory_space<hbm>>)
      tpu.yield
    }) : () -> ()
    %mul3A_228 = arith.constant 640 : i32
    %mul3A_229 = arith.muli %arg1, %mul3A_228 : i32
    %add3A_230 = arith.constant 512 : i32
    %add3A_231 = arith.addi %mul3A_229, %add3A_230 : i32
    %run_scoped3A_232 = arith.constant 0 : i32
    "tpu.region"() ({
      %run_scoped3A_241 = tpu.sem_alloc : memref<!tpu.dma_semaphore, #tpu.memory_space<semaphore_mem>>
      %dma_start3A_242 = arith.constant 0 : i32
      %dma_start3A_243 = arith.constant 0 : i32
      %dma_start3A_244 = tpu.memref_slice %arg8[%run_scoped3A_232, %dma_start3A_242, %dma_start3A_243] : memref<6x128x16xf32, #tpu.memory_space<vmem>> -> memref<1x128x16xf32, #tpu.memory_space<vmem>>
      %dma_start3A_245 = tpu.memref_squeeze %dma_start3A_244 : memref<1x128x16xf32, #tpu.memory_space<vmem>> -> memref<128x16xf32, #tpu.memory_space<vmem>>
      %dma_start3A_246 = arith.constant 0 : i32
      %dma_start3A_247 = tpu.memref_slice %arg9[%add3A_231, %dma_start3A_246] : memref<10240x16xf32, #tpu.memory_space<vmem_shared>> -> memref<128x16xf32, #tpu.memory_space<vmem_shared>>
      %dma_start3A_248 = arith.constant 0 : i32
      %dma_start3A_249 = arith.constant 0 : i32
      %dma_start3A_250 = tpu.memref_slice %arg8[%run_scoped3A_232, %dma_start3A_248, %dma_start3A_249] : memref<6x128x16xf32, #tpu.memory_space<vmem>> -> memref<1x128x16xf32, #tpu.memory_space<vmem>>
      %dma_start3A_251 = tpu.memref_squeeze %dma_start3A_250 : memref<1x128x16xf32, #tpu.memory_space<vmem>> -> memref<128x16xf32, #tpu.memory_space<vmem>>
      %dma_start3A_252 = arith.constant 0 : i32
      %dma_start3A_253 = tpu.memref_slice %arg9[%add3A_231, %dma_start3A_252] : memref<10240x16xf32, #tpu.memory_space<vmem_shared>> -> memref<128x16xf32, #tpu.memory_space<vmem_shared>>
      tpu.enqueue_dma source(%dma_start3A_253 : memref<128x16xf32, #tpu.memory_space<vmem_shared>>) target(%dma_start3A_251 : memref<128x16xf32, #tpu.memory_space<vmem>>) target_semaphore(%run_scoped3A_241 : memref<!tpu.dma_semaphore, #tpu.memory_space<semaphore_mem>>)
      %dma_wait3A_254 = arith.constant 0 : i32
      %dma_wait3A_255 = arith.constant 0 : i32
      %dma_wait3A_256 = tpu.memref_slice %arg8[%run_scoped3A_232, %dma_wait3A_254, %dma_wait3A_255] : memref<6x128x16xf32, #tpu.memory_space<vmem>> -> memref<1x128x16xf32, #tpu.memory_space<vmem>>
      %dma_wait3A_257 = tpu.memref_squeeze %dma_wait3A_256 : memref<1x128x16xf32, #tpu.memory_space<vmem>> -> memref<128x16xf32, #tpu.memory_space<vmem>>
      %dma_wait3A_258 = arith.constant 0 : i32
      %dma_wait3A_259 = tpu.memref_slice %arg9[%add3A_231, %dma_wait3A_258] : memref<10240x16xf32, #tpu.memory_space<vmem_shared>> -> memref<128x16xf32, #tpu.memory_space<vmem_shared>>
      %dma_wait3A_260 = arith.constant 0 : i32
      %dma_wait3A_261 = arith.constant 0 : i32
      %dma_wait3A_262 = tpu.memref_slice %arg8[%run_scoped3A_232, %dma_wait3A_260, %dma_wait3A_261] : memref<6x128x16xf32, #tpu.memory_space<vmem>> -> memref<1x128x16xf32, #tpu.memory_space<vmem>>
      %dma_wait3A_263 = tpu.memref_squeeze %dma_wait3A_262 : memref<1x128x16xf32, #tpu.memory_space<vmem>> -> memref<128x16xf32, #tpu.memory_space<vmem>>
      %dma_wait3A_264 = arith.constant 0 : i32
      %dma_wait3A_265 = tpu.memref_slice %arg9[%add3A_231, %dma_wait3A_264] : memref<10240x16xf32, #tpu.memory_space<vmem_shared>> -> memref<128x16xf32, #tpu.memory_space<vmem_shared>>
      tpu.wait_dma2 semaphore(%run_scoped3A_241 : memref<!tpu.dma_semaphore, #tpu.memory_space<semaphore_mem>>) src(%dma_wait3A_265 : memref<128x16xf32, #tpu.memory_space<vmem_shared>>) dst(%dma_wait3A_263 : memref<128x16xf32, #tpu.memory_space<vmem>>)
      tpu.yield
    }) : () -> ()
    %mul3A_233 = arith.constant 10240 : i32
    %mul3A_234 = arith.muli %arg0, %mul3A_233 : i32
    %mul3A_235 = arith.constant 640 : i32
    %mul3A_236 = arith.muli %arg1, %mul3A_235 : i32
    %add3A_237 = arith.addi %mul3A_234, %mul3A_236 : i32
    %add3A_238 = arith.constant 512 : i32
    %add3A_239 = arith.addi %add3A_237, %add3A_238 : i32
    %run_scoped3A_240 = arith.constant 0 : i32
    "tpu.region"() ({
      %run_scoped3A_241 = tpu.sem_alloc : memref<!tpu.dma_semaphore, #tpu.memory_space<semaphore_mem>>
      %dma_start3A_242 = arith.constant 0 : i32
      %dma_start3A_243 = arith.constant 0 : i32
      %dma_start3A_244 = tpu.memref_slice %arg8[%run_scoped3A_240, %dma_start3A_242, %dma_start3A_243] : memref<6x128x16xf32, #tpu.memory_space<vmem>> -> memref<1x128x16xf32, #tpu.memory_space<vmem>>
      %dma_start3A_245 = tpu.memref_squeeze %dma_start3A_244 : memref<1x128x16xf32, #tpu.memory_space<vmem>> -> memref<128x16xf32, #tpu.memory_space<vmem>>
      %dma_start3A_246 = arith.constant 0 : i32
      %dma_start3A_247 = tpu.memref_slice %arg5[%add3A_239, %dma_start3A_246] : memref<20480x16xf32, #tpu.memory_space<hbm>> -> memref<128x16xf32, #tpu.memory_space<hbm>>
      %dma_start3A_248 = arith.constant 0 : i32
      %dma_start3A_249 = tpu.memref_slice %arg5[%add3A_239, %dma_start3A_248] : memref<20480x16xf32, #tpu.memory_space<hbm>> -> memref<128x16xf32, #tpu.memory_space<hbm>>
      %dma_start3A_250 = arith.constant 0 : i32
      %dma_start3A_251 = arith.constant 0 : i32
      %dma_start3A_252 = tpu.memref_slice %arg8[%run_scoped3A_240, %dma_start3A_250, %dma_start3A_251] : memref<6x128x16xf32, #tpu.memory_space<vmem>> -> memref<1x128x16xf32, #tpu.memory_space<vmem>>
      %dma_start3A_253 = tpu.memref_squeeze %dma_start3A_252 : memref<1x128x16xf32, #tpu.memory_space<vmem>> -> memref<128x16xf32, #tpu.memory_space<vmem>>
      tpu.enqueue_dma source(%dma_start3A_253 : memref<128x16xf32, #tpu.memory_space<vmem>>) target(%dma_start3A_249 : memref<128x16xf32, #tpu.memory_space<hbm>>) target_semaphore(%run_scoped3A_241 : memref<!tpu.dma_semaphore, #tpu.memory_space<semaphore_mem>>)
      %dma_wait3A_254 = arith.constant 0 : i32
      %dma_wait3A_255 = arith.constant 0 : i32
      %dma_wait3A_256 = tpu.memref_slice %arg8[%run_scoped3A_240, %dma_wait3A_254, %dma_wait3A_255] : memref<6x128x16xf32, #tpu.memory_space<vmem>> -> memref<1x128x16xf32, #tpu.memory_space<vmem>>
      %dma_wait3A_257 = tpu.memref_squeeze %dma_wait3A_256 : memref<1x128x16xf32, #tpu.memory_space<vmem>> -> memref<128x16xf32, #tpu.memory_space<vmem>>
      %dma_wait3A_258 = arith.constant 0 : i32
      %dma_wait3A_259 = tpu.memref_slice %arg5[%add3A_239, %dma_wait3A_258] : memref<20480x16xf32, #tpu.memory_space<hbm>> -> memref<128x16xf32, #tpu.memory_space<hbm>>
      %dma_wait3A_260 = arith.constant 0 : i32
      %dma_wait3A_261 = tpu.memref_slice %arg5[%add3A_239, %dma_wait3A_260] : memref<20480x16xf32, #tpu.memory_space<hbm>> -> memref<128x16xf32, #tpu.memory_space<hbm>>
      %dma_wait3A_262 = arith.constant 0 : i32
      %dma_wait3A_263 = arith.constant 0 : i32
      %dma_wait3A_264 = tpu.memref_slice %arg8[%run_scoped3A_240, %dma_wait3A_262, %dma_wait3A_263] : memref<6x128x16xf32, #tpu.memory_space<vmem>> -> memref<1x128x16xf32, #tpu.memory_space<vmem>>
      %dma_wait3A_265 = tpu.memref_squeeze %dma_wait3A_264 : memref<1x128x16xf32, #tpu.memory_space<vmem>> -> memref<128x16xf32, #tpu.memory_space<vmem>>
      tpu.wait_dma2 semaphore(%run_scoped3A_241 : memref<!tpu.dma_semaphore, #tpu.memory_space<semaphore_mem>>) src(%dma_wait3A_265 : memref<128x16xf32, #tpu.memory_space<vmem>>) dst(%dma_wait3A_261 : memref<128x16xf32, #tpu.memory_space<hbm>>)
      tpu.yield
    }) : () -> ()
    return
  }
}

module attributes {stable_mosaic.version = 14 : i64} {
  func.func @_prep_body(%arg0: memref<10000x128xf32, #tpu.memory_space<vmem>>, %arg1: memref<10000x4xf32, #tpu.memory_space<vmem>>, %arg2: memref<10240x128xf32, #tpu.memory_space<vmem>>) attributes {dimension_semantics = [], scalar_prefetch = 0 : i64, scratch_operands = 0 : i64, tpu.core_type = #tpu.core_type<tc>} {
    %get3A = arith.constant 0 : index
    %get3A_0 = arith.constant 0 : index
    %get3A_1 = vector.load %arg1[%get3A, %get3A_0] : memref<10000x4xf32, #tpu.memory_space<vmem>>, vector<10000x1xf32>
    %get3A_2 = arith.constant 0 : index
    %get3A_3 = arith.constant 2 : index
    %get3A_4 = vector.load %arg1[%get3A_2, %get3A_3] : memref<10000x4xf32, #tpu.memory_space<vmem>>, vector<10000x1xf32>
    %add3A = arith.addf %get3A_1, %get3A_4 : vector<10000x1xf32>
    %max3A = arith.constant 1.000000e+00 : f32
    %max3A_5 = vector.broadcast %max3A : f32 to vector<10000x1xf32>
    %max3A_6 = arith.maximumf %add3A, %max3A_5 : vector<10000x1xf32>
    %rsqrt3A = math.rsqrt %max3A_6 : vector<10000x1xf32>
    %get3A_7 = arith.constant 0 : index
    %get3A_8 = arith.constant 0 : index
    %get3A_9 = vector.load %arg0[%get3A_7, %get3A_8] : memref<10000x128xf32, #tpu.memory_space<vmem>>, vector<10000x128xf32>
    %mul3A = vector.broadcast %rsqrt3A : vector<10000x1xf32> to vector<10000x128xf32>
    %mul3A_10 = arith.mulf %get3A_9, %mul3A : vector<10000x128xf32>
    %swap3A = arith.constant 0 : index
    %swap3A_11 = arith.constant 0 : index
    %swap3A_12 = vector.load %arg2[%swap3A, %swap3A_11] : memref<10240x128xf32, #tpu.memory_space<vmem>>, vector<10000x128xf32>
    tpu.vector_store %arg2[%swap3A, %swap3A_11], %mul3A_10 {strides = array<i32>} : memref<10240x128xf32, #tpu.memory_space<vmem>>, vector<10000x128xf32>,
    %broadcast_in_dim3A = arith.constant 0.000000e+00 : f32
    %broadcast_in_dim3A_13 = vector.broadcast %broadcast_in_dim3A : f32 to vector<240x128xf32>
    %swap3A_14 = arith.constant 10000 : index
    %swap3A_15 = arith.constant 0 : index
    %swap3A_16 = vector.load %arg2[%swap3A_14, %swap3A_15] : memref<10240x128xf32, #tpu.memory_space<vmem>>, vector<240x128xf32>
    tpu.vector_store %arg2[%swap3A_14, %swap3A_15], %broadcast_in_dim3A_13 {strides = array<i32>} : memref<10240x128xf32, #tpu.memory_space<vmem>>, vector<240x128xf32>,
    return
  }
}

module attributes {stable_mosaic.version = 14 : i64} {
  func.func @_mid_body(%arg0: memref<20480x128xf32, #tpu.memory_space<vmem>>, %arg1: memref<10000x4xf32, #tpu.memory_space<vmem>>, %arg2: memref<128x256xf32, #tpu.memory_space<vmem>>, %arg3: memref<256xf32, #tpu.memory_space<vmem>>, %arg4: memref<256x256xf32, #tpu.memory_space<vmem>>, %arg5: memref<256x16xf32, #tpu.memory_space<vmem>>, %arg6: memref<10240x16xf32, #tpu.memory_space<vmem>>) attributes {dimension_semantics = [], scalar_prefetch = 0 : i64, scratch_operands = 0 : i64, tpu.core_type = #tpu.core_type<tc>} {
    %get3A = arith.constant 0 : index
    %get3A_0 = arith.constant 0 : index
    %get3A_1 = vector.load %arg0[%get3A, %get3A_0] : memref<20480x128xf32, #tpu.memory_space<vmem>>, vector<10000x128xf32>
    %get3A_2 = arith.constant 10240 : index
    %get3A_3 = arith.constant 0 : index
    %get3A_4 = vector.load %arg0[%get3A_2, %get3A_3] : memref<20480x128xf32, #tpu.memory_space<vmem>>, vector<10000x128xf32>
    %add3A = arith.addf %get3A_1, %get3A_4 : vector<10000x128xf32>
    %get3A_5 = arith.constant 0 : index
    %get3A_6 = arith.constant 1 : index
    %get3A_7 = vector.load %arg1[%get3A_5, %get3A_6] : memref<10000x4xf32, #tpu.memory_space<vmem>>, vector<10000x1xf32>
    %get3A_8 = arith.constant 0 : index
    %get3A_9 = arith.constant 3 : index
    %get3A_10 = vector.load %arg1[%get3A_8, %get3A_9] : memref<10000x4xf32, #tpu.memory_space<vmem>>, vector<10000x1xf32>
    %add3A_11 = arith.addf %get3A_7, %get3A_10 : vector<10000x1xf32>
    %get3A_12 = arith.constant 0 : index
    %get3A_13 = arith.constant 0 : index
    %get3A_14 = vector.load %arg1[%get3A_12, %get3A_13] : memref<10000x4xf32, #tpu.memory_space<vmem>>, vector<10000x1xf32>
    %get3A_15 = arith.constant 0 : index
    %get3A_16 = arith.constant 2 : index
    %get3A_17 = vector.load %arg1[%get3A_15, %get3A_16] : memref<10000x4xf32, #tpu.memory_space<vmem>>, vector<10000x1xf32>
    %add3A_18 = arith.addf %get3A_14, %get3A_17 : vector<10000x1xf32>
    %max3A = arith.constant 1.000000e+00 : f32
    %max3A_19 = vector.broadcast %max3A : f32 to vector<10000x1xf32>
    %max3A_20 = arith.maximumf %add3A_11, %max3A_19 : vector<10000x1xf32>
    %rsqrt3A = math.rsqrt %max3A_20 : vector<10000x1xf32>
    %max3A_21 = arith.constant 1.000000e+00 : f32
    %max3A_22 = vector.broadcast %max3A_21 : f32 to vector<10000x1xf32>
    %max3A_23 = arith.maximumf %add3A_18, %max3A_22 : vector<10000x1xf32>
    %rsqrt3A_24 = math.rsqrt %max3A_23 : vector<10000x1xf32>
    %mul3A = vector.broadcast %rsqrt3A : vector<10000x1xf32> to vector<10000x128xf32>
    %mul3A_25 = arith.mulf %add3A, %mul3A : vector<10000x128xf32>
    %get3A_26 = arith.constant 0 : index
    %get3A_27 = arith.constant 0 : index
    %get3A_28 = vector.load %arg2[%get3A_26, %get3A_27] : memref<128x256xf32, #tpu.memory_space<vmem>>, vector<128x256xf32>
    %dot_general3A = arith.constant dense<0.000000e+00> : vector<10000x256xf32>
    %dot_general3A_29 = tpu.matmul %mul3A_25, %get3A_28, %dot_general3A {dimension_numbers = #tpu.dot_dimension_numbers<[1], [0], [0], [1], [0, 0, 1, 1], [], []>, transpose_lhs_hint = false} : vector<10000x128xf32>, vector<128x256xf32>, vector<10000x256xf32> -> vector<10000x256xf32>
    %get3A_30 = arith.constant 0 : index
    %get3A_31 = vector.load %arg3[%get3A_30] : memref<256xf32, #tpu.memory_space<vmem>>, vector<256xf32>
    %broadcast_in_dim3A = vector.shape_cast %get3A_31 : vector<256xf32> to vector<1x256xf32>
    %add3A_32 = vector.broadcast %broadcast_in_dim3A : vector<1x256xf32> to vector<10000x256xf32>
    %add3A_33 = arith.addf %dot_general3A_29, %add3A_32 : vector<10000x256xf32>
    %max3A_34 = arith.constant 0.000000e+00 : f32
    %max3A_35 = vector.broadcast %max3A_34 : f32 to vector<10000x256xf32>
    %max3A_36 = arith.maximumf %add3A_33, %max3A_35 : vector<10000x256xf32>
    %get3A_37 = arith.constant 0 : index
    %get3A_38 = arith.constant 0 : index
    %get3A_39 = vector.load %arg4[%get3A_37, %get3A_38] : memref<256x256xf32, #tpu.memory_space<vmem>>, vector<256x256xf32>
    %get3A_40 = arith.constant 0 : index
    %get3A_41 = arith.constant 0 : index
    %get3A_42 = vector.load %arg5[%get3A_40, %get3A_41] : memref<256x16xf32, #tpu.memory_space<vmem>>, vector<256x16xf32>
    %dot_general3A_43 = arith.constant dense<0.000000e+00> : vector<256x16xf32>
    %dot_general3A_44 = tpu.matmul %get3A_39, %get3A_42, %dot_general3A_43 {dimension_numbers = #tpu.dot_dimension_numbers<[1], [0], [0], [1], [0, 0, 1, 1], [], []>, transpose_lhs_hint = false} : vector<256x256xf32>, vector<256x16xf32>, vector<256x16xf32> -> vector<256x16xf32>
    %mul3A_45 = vector.broadcast %rsqrt3A_24 : vector<10000x1xf32> to vector<10000x256xf32>
    %mul3A_46 = arith.mulf %max3A_36, %mul3A_45 : vector<10000x256xf32>
    %dot_general3A_47 = arith.constant dense<0.000000e+00> : vector<10000x16xf32>
    %dot_general3A_48 = tpu.matmul %mul3A_46, %dot_general3A_44, %dot_general3A_47 {dimension_numbers = #tpu.dot_dimension_numbers<[1], [0], [0], [1], [0, 0, 1, 1], [], []>, transpose_lhs_hint = false} : vector<10000x256xf32>, vector<256x16xf32>, vector<10000x16xf32> -> vector<10000x16xf32>
    %swap3A = arith.constant 0 : index
    %swap3A_49 = arith.constant 0 : index
    %swap3A_50 = vector.load %arg6[%swap3A, %swap3A_49] : memref<10240x16xf32, #tpu.memory_space<vmem>>, vector<10000x16xf32>
    tpu.vector_store %arg6[%swap3A, %swap3A_49], %dot_general3A_48 {strides = array<i32>} : memref<10240x16xf32, #tpu.memory_space<vmem>>, vector<10000x16xf32>,
    %broadcast_in_dim3A_51 = arith.constant 0.000000e+00 : f32
    %broadcast_in_dim3A_52 = vector.broadcast %broadcast_in_dim3A_51 : f32 to vector<240x16xf32>
    %swap3A_53 = arith.constant 10000 : index
    %swap3A_54 = arith.constant 0 : index
    %swap3A_55 = vector.load %arg6[%swap3A_53, %swap3A_54] : memref<10240x16xf32, #tpu.memory_space<vmem>>, vector<240x16xf32>
    tpu.vector_store %arg6[%swap3A_53, %swap3A_54], %broadcast_in_dim3A_52 {strides = array<i32>} : memref<10240x16xf32, #tpu.memory_space<vmem>>, vector<240x16xf32>,
    return
  }
}

module attributes {stable_mosaic.version = 14 : i64} {
  func.func @_fin_body(%arg0: memref<20480x16xf32, #tpu.memory_space<vmem>>, %arg1: memref<10000x4xf32, #tpu.memory_space<vmem>>, %arg2: memref<256xf32, #tpu.memory_space<vmem>>, %arg3: memref<256x16xf32, #tpu.memory_space<vmem>>, %arg4: memref<16xf32, #tpu.memory_space<vmem>>, %arg5: memref<10000x16xf32, #tpu.memory_space<vmem>>) attributes {dimension_semantics = [], scalar_prefetch = 0 : i64, scratch_operands = 0 : i64, tpu.core_type = #tpu.core_type<tc>} {
    %get3A = arith.constant 0 : index
    %get3A_0 = arith.constant 0 : index
    %get3A_1 = vector.load %arg0[%get3A, %get3A_0] : memref<20480x16xf32, #tpu.memory_space<vmem>>, vector<10000x16xf32>
    %get3A_2 = arith.constant 10240 : index
    %get3A_3 = arith.constant 0 : index
    %get3A_4 = vector.load %arg0[%get3A_2, %get3A_3] : memref<20480x16xf32, #tpu.memory_space<vmem>>, vector<10000x16xf32>
    %add3A = arith.addf %get3A_1, %get3A_4 : vector<10000x16xf32>
    %get3A_5 = arith.constant 0 : index
    %get3A_6 = arith.constant 1 : index
    %get3A_7 = vector.load %arg1[%get3A_5, %get3A_6] : memref<10000x4xf32, #tpu.memory_space<vmem>>, vector<10000x1xf32>
    %get3A_8 = arith.constant 0 : index
    %get3A_9 = arith.constant 3 : index
    %get3A_10 = vector.load %arg1[%get3A_8, %get3A_9] : memref<10000x4xf32, #tpu.memory_space<vmem>>, vector<10000x1xf32>
    %add3A_11 = arith.addf %get3A_7, %get3A_10 : vector<10000x1xf32>
    %max3A = arith.constant 1.000000e+00 : f32
    %max3A_12 = vector.broadcast %max3A : f32 to vector<10000x1xf32>
    %max3A_13 = arith.maximumf %add3A_11, %max3A_12 : vector<10000x1xf32>
    %rsqrt3A = math.rsqrt %max3A_13 : vector<10000x1xf32>
    %get3A_14 = arith.constant 0 : index
    %get3A_15 = vector.load %arg2[%get3A_14] : memref<256xf32, #tpu.memory_space<vmem>>, vector<256xf32>
    %reshape3A = vector.shape_cast %get3A_15 : vector<256xf32> to vector<1x256xf32>
    %get3A_16 = arith.constant 0 : index
    %get3A_17 = arith.constant 0 : index
    %get3A_18 = vector.load %arg3[%get3A_16, %get3A_17] : memref<256x16xf32, #tpu.memory_space<vmem>>, vector<256x16xf32>
    %dot_general3A = arith.constant dense<0.000000e+00> : vector<1x16xf32>
    %dot_general3A_19 = tpu.matmul %reshape3A, %get3A_18, %dot_general3A {dimension_numbers = #tpu.dot_dimension_numbers<[1], [0], [0], [1], [0, 0, 1, 1], [], []>, transpose_lhs_hint = false} : vector<1x256xf32>, vector<256x16xf32>, vector<1x16xf32> -> vector<1x16xf32>
    %mul3A = vector.broadcast %rsqrt3A : vector<10000x1xf32> to vector<10000x16xf32>
    %mul3A_20 = arith.mulf %add3A, %mul3A : vector<10000x16xf32>
    %add3A_21 = vector.broadcast %dot_general3A_19 : vector<1x16xf32> to vector<10000x16xf32>
    %add3A_22 = arith.addf %mul3A_20, %add3A_21 : vector<10000x16xf32>
    %get3A_23 = arith.constant 0 : index
    %get3A_24 = vector.load %arg4[%get3A_23] : memref<16xf32, #tpu.memory_space<vmem>>, vector<16xf32>
    %reshape3A_25 = vector.shape_cast %get3A_24 : vector<16xf32> to vector<1x16xf32>
    %add3A_26 = vector.broadcast %reshape3A_25 : vector<1x16xf32> to vector<10000x16xf32>
    %add3A_27 = arith.addf %add3A_22, %add3A_26 : vector<10000x16xf32>
    %swap3A = arith.constant 0 : index
    %swap3A_28 = arith.constant 0 : index
    %swap3A_29 = vector.load %arg5[%swap3A, %swap3A_28] : memref<10000x16xf32, #tpu.memory_space<vmem>>, vector<10000x16xf32>
    tpu.vector_store %arg5[%swap3A, %swap3A_28], %add3A_27 {strides = array<i32>} : memref<10000x16xf32, #tpu.memory_space<vmem>>, vector<10000x16xf32>,
    return
  }
}

</mosaic_0001>

<sc_bundles>
// kernel: kernel.11.cloned.1.call-start
scs
__scs_entry_jumppad:
0x0: {  	(pc) =	sbr.rel $0x88, $3  }
0x1: {  	(tag) =	ssettag $0x0;
	lr =	simm.s32 $0x1  }
0x2: {  	[smem:$0x3F99] =	sst lr;
	_ =	strace $0xD0000000  }
0x3: {  	_ = 	snop  }
0x4: {  	_ = 	snop  }
0x5: {  	_ = 	snop  }
0x6: {  	_ = 	snop  }
0x7: {  	_ = 	snop  }
__scs_overlays_trampoline_lowered:
0x8: {  	[smem:$0x3FA8] =	sst s0  }
0x9: {  	[smem:$0x3FA9] =	sst s1  }
0xa: {  	[smem:$0x3FAA] =	sst s2  }
0xb: {  	[smem:$0x3FAB] =	sst s3  }
0xc: {  	[smem:$0x3FAC] =	sst s4  }
0xd: {  	[smem:$0x3FAD] =	sst s5  }
0xe: {  	[smem:$0x3FAE] =	sst s6  }
0xf: {  	[smem:$0x3FAF] =	sst s7  }
0x10: {  	[smem:$0x3FB0] =	sst s8  }
0x11: {  	[smem:$0x3FB1] =	sst s9;
	s0 =	simm.s32 @!p0 $0x0  }
0x12: {  	s1 =	sld [smem:$0x3F97];
	s0 =	simm.s32 @p0 $0x1  }
0x13: {  	[smem:$0x3FB2] =	sst s0;
	s0 =	simm.s32 @!p1 $0x0  }
0x14: {  	s2 =	sld [smem:$0x3F96];
	s0 =	simm.s32 @p1 $0x1  }
0x15: {  	[smem:$0x3FB3] =	sst s0;
	s0 =	simm.s32 @!p2 $0x0  }
0x16: {  	s3 =	sld [smem:$0x3FDB];
	s0 =	simm.s32 @p2 $0x1  }
0x17: {  	s4 =	simm.s32 $0x1BF5;
	[smem:$0x3FB5] =	sst s0  }
0x18: {  	s0 =	sld [smem:$0x3F98];
	_ =	swait.ge [sflag:s4], $0x0  }
0x19: {  	s7 =	sld [smem:$0x3F99]  }
0x1a: {  	s8 =	sadd.s32 $0xFFFFE003, lr  }
0x1b: {  	s9 =	sadd.s32 $0xFFFFFEF7, lr;
	s5 =	simm.s32 $0xFFFFFFFF;
	p2 =	slt.u32 s8, $0xFFFFF086  }
0x1c: {  	p1 =	slt.u32 s9, $0xF7A;
	s5 =	simm.s32 @!p2 $0x0  }
0x1d: {  	s5 =	simm.s32 @p1 $0x1;
	p0 =	seq.s32 s7, s2  }
0x1e: {  	s7 =	smul.u32 @!p0 $0xF7A, s2;
	p2 =	seq.s32 @!p0 s5, $0x0  }
0x1f: {  	s9 =	smul.u32 $0xF7A, s1;
	s8 =	simm.s32 @!p0 $0x1BF5;
	p2 =	por !p2, p0  }
0x20: {  	[sflag:s8] =	ssyncset.s32 @!p0 $0xFFFFF086;
	s6 =	sadd.s32 @!p0 s3, s7;
	s7 =	simm.s32 @!p0 $0x108  }
0x21: {  	s3 =	sadd.s32 s3, s9;
	s6 =	sadd.s32 @!p0 $0x88, s6;
	s7 =	simm.s32 @p2 $0x1082  }
0x22: {  	[simem:s7], [sflag:s8] =	dma.local @!p0 [hbm:s6], $0xF7A  }
0x23: {  	s9 =	sor.u32 $0xD0000000, s2;
	s6 =	simm.s32 $0x108;
	_ =	swait.ge @!p0 [sflag:s8], $0x0  }
0x24: {  	s3 =	sadd.s32 $0x88, s3;
	s6 =	simm.s32 @!p1 $0x1082;
	[sflag:s4] =	ssyncset.s32 $0xFFFFF086  }
0x25: {  	[simem:s6], [sflag:s4] =	dma.local [hbm:s3], $0xF7A  }
0x26: {  	[smem:$0x3F99] =	sst s1;
	(tag) =	ssettag s2;
	_ =	strace s9  }
0x27: {  	s1 =	sld [smem:$0x3FA9]  }
0x28: {  	s2 =	sld [smem:$0x3FAA]  }
0x29: {  	s4 =	sld [smem:$0x3FAC]  }
0x2a: {  	p0 =	seq.s32 s5, $0x0;
	s5 =	sld [smem:$0x3FAD]  }
0x2b: {  	s6 =	sld [smem:$0x3FAE]  }
0x2c: {  	s7 =	sld [smem:$0x3FAF]  }
0x2d: {  	s3 =	simm.s32 $0x108;
	s8 =	sld [smem:$0x3FB0]  }
0x2e: {  	s3 =	simm.s32 @!p0 $0x1082;
	s9 =	sld [smem:$0x3FB1]  }
0x2f: {  	lr =	sadd.s32 s0, s3;
	s0 =	sld [smem:$0x3FA8]  }
0x30: {  	s3 =	sld [smem:$0x3FAB]  }
0x31: {  	[smem:$0x3FB4] =	sst s10  }
0x32: {  	s10 =	sld [smem:$0x3FB2];
	_ =	sdelay $0x3  }
0x33: {  	p0 =	seq.s32 s10, $0x1;
	s10 =	sld [smem:$0x3FB4];
	_ =	sdelay $0x3  }
0x34: {  	[smem:$0x3FB4] =	sst s10  }
0x35: {  	s10 =	sld [smem:$0x3FB3];
	_ =	sdelay $0x3  }
0x36: {  	p1 =	seq.s32 s10, $0x1;
	s10 =	sld [smem:$0x3FB4];
	_ =	sdelay $0x3  }
0x37: {  	[smem:$0x3FB4] =	sst s10  }
0x38: {  	s10 =	sld [smem:$0x3FB5]  }
0x39: {  	_ = 	snop;
	(pc) =	sbr.ind lr, $3  }
0x3a: {  	_ = 	snop  }
0x3b: {  	_ = 	snop  }
0x3c: {  	p2 =	seq.s32 s10, $0x1;
	s10 =	sld [smem:$0x3FB4]  }
0x3d: {  	_ =	shalt  }
0x3e: {  	_ =	shalt  }
0x3f: {  	_ =	shalt  }
0x40: {  	_ =	shalt  }
0x41: {  	_ =	shalt  }
0x42: {  	_ =	shalt  }
0x43: {  	_ =	shalt  }
0x44: {  	_ =	shalt  }
0x45: {  	_ =	shalt  }
0x46: {  	_ =	shalt  }
0x47: {  	_ =	shalt  }
0x48: {  	_ =	shalt  }
0x49: {  	_ =	shalt  }
0x4a: {  	_ =	shalt  }
0x4b: {  	_ =	shalt  }
0x4c: {  	_ =	shalt  }
0x4d: {  	_ =	shalt  }
0x4e: {  	_ =	shalt  }
0x4f: {  	_ =	shalt  }
0x50: {  	_ =	shalt  }
0x51: {  	_ =	shalt  }
0x52: {  	_ =	shalt  }
0x53: {  	_ =	shalt  }
0x54: {  	_ =	shalt  }
0x55: {  	_ =	shalt  }
0x56: {  	_ =	shalt  }
0x57: {  	_ =	shalt  }
0x58: {  	_ =	shalt  }
0x59: {  	_ =	shalt  }
0x5a: {  	_ =	shalt  }
0x5b: {  	_ =	shalt  }
0x5c: {  	_ =	shalt  }
0x5d: {  	_ =	shalt  }
0x5e: {  	_ =	shalt  }
0x5f: {  	_ =	shalt  }
0x60: {  	_ =	shalt  }
0x61: {  	_ =	shalt  }
0x62: {  	_ =	shalt  }
0x63: {  	_ =	shalt  }
0x64: {  	_ =	shalt  }
0x65: {  	_ =	shalt  }
0x66: {  	_ =	shalt  }
0x67: {  	_ =	shalt  }
0x68: {  	_ =	shalt  }
0x69: {  	_ =	shalt  }
0x6a: {  	_ =	shalt  }
0x6b: {  	_ =	shalt  }
0x6c: {  	_ =	shalt  }
0x6d: {  	_ =	shalt  }
0x6e: {  	_ =	shalt  }
0x6f: {  	_ =	shalt  }
0x70: {  	_ =	shalt  }
0x71: {  	_ =	shalt  }
0x72: {  	_ =	shalt  }
0x73: {  	_ =	shalt  }
0x74: {  	_ =	shalt  }
0x75: {  	_ =	shalt  }
0x76: {  	_ =	shalt  }
0x77: {  	_ =	shalt  }
0x78: {  	_ =	shalt  }
0x79: {  	_ =	shalt  }
0x7a: {  	_ =	shalt  }
0x7b: {  	_ =	shalt  }
0x7c: {  	_ =	shalt  }
0x7d: {  	_ =	shalt  }
0x7e: {  	_ =	shalt  }
0x7f: {  	_ =	shalt  }
0x80: {  	_ =	shalt  }
0x81: {  	_ =	shalt  }
0x82: {  	_ =	shalt  }
0x83: {  	_ =	shalt  }
0x84: {  	_ =	shalt  }
0x85: {  	_ =	shalt  }
0x86: {  	_ =	shalt  }
0x87: {  	_ =	shalt  }
.Lfunc_end0:
.L_simem_size_0:
called_computation.1_lowered:
.L_overlay_start_0:
0x88: {  	s2 =	sld [smem:$0x3FD9]  }
0x89: {  	s3 =	sld [smem:$0x3FFE];
	_ =	sdelay $0x1  }
0x8a: {  	s1 =	srdreg.scid  }
0x8b: {  	s0 =	sand.u32 $0x1, s1  }
0x8c: {  	s16 =	sshll.u32 s0, $0xA;
	s2 =	sadd.s32 s3, s2  }
0x8d: {  	s2 =	sadd.s32 s2, s16  }
0x8e: {  	[smem:$0x3FC0] =	sst s2  }
0x8f: {  	_ = 	snop  }
0x90: {  	(tm) =	ssettm $0x1  }
0x91: {  	s17 =	sld [smem:$0x3FFB];
	_ =	sdelay $0x3  }
0x92: {  	_ =	strace s17  }
0x93: {  	s2 =	sld [smem:$0x3FFC];
	_ =	sdelay $0x3  }
0x94: {  	_ =	strace s2  }
0x95: {  	s2 =	sld [smem:$0x3FFD];
	_ =	sdelay $0x3  }
0x96: {  	_ =	strace s2  }
0x97: {  	_ =	strace $0x8FFFFFFF  }
0x98: {  	s18 =	sld [smem:$0x3FDB];
	_ =	sdelay $0x1  }
0x99: {  	s19 =	simm.s32 $_scs_section_size  }
0x9a: {  	s4 =	simm.s32 $_size__tile_overlayer_lowered;
	s5 =	simm.s32 $_tile_overlayer_lowered  }
0x9b: {  	s22 =	simm.s32 $0x1BFF;
	s21 =	sshll.u32 s5, $0x1;
	s2 =	sadd.s32 s19, s18  }
0x9c: {  	s6 =	simm.s32 $0x0;
	s20 =	sshll.u32 s4, $0x1;
	s4 =	sadd.s32 s21, s2  }
0x9d: {  	[timem:s6], [sflag:s22] =	dma.local [hbm:s4], s20  }
0x9e: {  	_ =	swait.ge [sflag:s22], s20  }
0x9f: {  	s3 =	ssub.s32 $0x0, s20;
	[sflag:s22] =	ssyncset.done $0x0  }
0xa0: {  	[sflag:s22] =	ssyncadd.s32 s3;
	_ =	sdelay $0x1  }
0xa1: {  	s23 =	simm.s32 $0x1B8B  }
0xa2: {  	_ =	swait.ge [sflag:s23], $0x1  }
0xa3: {  	[sflag:s23] =	ssyncset.done $0x0  }
0xa4: {  	s25 =	simm.s32 $0x1B8E;
	s24 =	sld [smem:$0x3FFE];
	[sflag:s23] =	ssyncadd.s32 $0xFFFFFFFF  }
0xa5: {  	s26 =	simm.s32 $execute0_lowered;
	[smem:$0x3FD2] =	sst s25  }
0xa6: {  	s4 =	sshll.u32 s26, $0x1;
	_ =	strace $0x80000049;
	[dreg:$0x1] =	wrdreg $0xFFFFFFFF  }
0xa7: {  	s28 =	simm.s32 $_size_execute0_lowered;
	s2 =	sadd.s32 s2, s4;
	[dreg:$0x0] =	wrdreg $0x0  }
0xa8: {  	s4 =	sshll.u32 s28, $0x1;
	[dreg:$0x2] =	wrdreg s2  }
0xa9: {  	[dreg:$0x3] =	wrdreg s4  }
0xaa: {  	[dreg:$0x4] =	wrdreg $0xC0  }
0xab: {  	_ =	task [dreg:s6], $0x5FFFF  }
0xac: {  	[dreg:$0x1] =	wrdreg $0xFFFFFFFF  }
0xad: {  	[dreg:$0x0] =	wrdreg $0x60  }
0xae: {  	[dreg:$0x2] =	wrdreg s24  }
0xaf: {  	[dreg:$0x3] =	wrdreg $0xA8000  }
0xb0: {  	[dreg:$0x4] =	wrdreg $0x9  }
0xb1: {  	_ =	task.clear_ibuf [dreg:s6], $0x5FFFF;
	_ =	strace $0x90000049  }
0xb2: {  	s29 =	simm.s32 $0x9;
	_ =	strace $0x8000004B  }
0xb3: {  	_ =	swait.ge [sflag:s29], $0x1  }
0xb4: {  	[sflag:s29] =	ssyncadd.s32 $0xFFFFFFFF  }
0xb5: {  	_ =	strace $0x9000004B  }
0xb6: {  	_ =	sfence  }
0xb7: {  	s30 =	sld [smem:$0x0];
	_ =	sdelay $0x2  }
0xb8: {  	s31 =	sshll.u32 s1, $0xD;
	s1 =	sshrl.u32 s1, $0x2  }
0xb9: {  	s3 =	sand.u32 $0x4000, s31;
	s1 =	sadd.s32 s1, s30  }
0xba: {  	s0 =	sor.u32 s3, s0;
	s1 =	sshll.u32 s1, $0x11  }
0xbb: {  	s0 =	sor.u32 s1, s0  }
0xbc: {  	s0 =	sadd.s32 $0x8F2B, s0  }
0xbd: {  	[sflag:s0] =	ssyncadd.remote.s32 $0x1  }
0xbe: {  	_ =	sfence.sel $0xFFFF  }
0xbf: {  	[dreg:$0x0] =	wrdreg $0xFFFFFFFF;
	(pc) =	sbr.abs _section_cstart, $3  }
0xc0: {  	[dreg:$0x1] =	wrdreg $0xFFFFFFFF  }
0xc1: {  	_ =	task.clear_ibuf [dreg:s6], $0x2FFFF;
	_ =	strace $0x9FFFFFFF  }
0xc2: {  	(tm) =	ssettm $0x7FFFFFFF  }
0xc3: {  	_ =	shalt  }
tec
execute0_lowered:
.L_overlay_start_1:
0x0: {  	(tag) =	ssettag $0x1  }
0x1: {  	s5 =	rddreg [dreg:$0x0];
	s1 =	srdreg.scid  }
0x2: {  	s0 =	stileid.u32;
	s2 =	rddreg [dreg:$0x1]  }
0x3: {  	s3 =	simm.s32 $0x0;
	s20 =	simm.s32 $0x2800;
	s21 =	simm.s32 $0x5  }
0x4: {  	s22 =	simm.s32 $0x80;
	s23 =	simm.s32 $0x3;
	s24 =	simm.s32 $0x4  }
0x5: {  	s25 =	simm.s32 $0x0;
	s6 =	sand.u32 $0x1, s1;
	s7 =	smul.u32 $0x280, s0  }
0x6: {  	[smem:$0x7FF] =	sst s3;
	s4 =	sadd.s32 $0x15E00, s5;
	s26 =	smul.u32 $0x50000, s0  }
0x7: {  	s12 =	sadd.s32 $0xBE00, s5;
	s13 =	sadd.s32 $0x1E00, s5;
	s8 =	smul.u32 $0x2800, s6  }
0x8: {  	_ =	strace $0x8000004A;
	s28 =	sshll.u32 s6, $0x4;
	s6 =	ssub.s32 $0x2, s6  }
0x9: {  	s29 =	sor.u32 s0, s28;
	s30 =	sshrl.u32 s26, $0x2;
	s31 =	sshrl.u32 s6, $0x1  }
0xa: {  	s7 =	sadd.s32 s7, s8;
	s9 =	smul.u32 $0x2800, s29;
	s19 =	ssub.s32 s6, s31  }
0xb: {  	s11 =	smul.u32 $0x500, s29;
	s7 =	sshll.u32 s7, $0x4;
	s19 =	smax.u32 s19, $0x1  }
0xc: {  	s18 =	sadd.s32 s7, s5;
	s5 =	sadd.s32 s30, s2;
	s14 =	sshrl.u32 s9, $0x3  }
.Ltmp0:
0xd: {  	s10 =	sadd.s32 s12, s11;
	s11 =	sadd.s32 s13, s11;
	(pc) =	sbr.rel .LBB2_1-.Ltmp0, $4  }
0xe: {  	s6 =	sadd.s32 $0x4000, s5;
	s7 =	sadd.s32 $0x8000, s5;
	s8 =	sadd.s32 $0xC000, s5  }
0xf: {  	s9 =	sadd.s32 $0x10000, s5;
	s14 =	sadd.s32 $0x280, s14;
	s15 =	sadd.s32 $0x3E600, s18  }
0x10: {  	s16 =	sadd.s32 $0x3EE00, s18;
	s17 =	sadd.s32 $0x3F600, s18;
	s12 =	sadd.s32 s12, s14  }
0x11: {  	v0 =	vimm.f32 $0.0e+00;
	s13 =	sadd.s32 s13, s14;
	s14 =	sadd.s32 $0x3DE00, s18;
	s18 =	sadd.s32 $0x3FE00, s18  }
.LBB2_15:
0x12: {  	_ =	swait.ge [sflag:s23], $0x4000  }
0x13: {  	[sflag:s23] =	ssyncset.done $0x0  }
0x14: {  	[sflag:s23] =	ssyncadd.s32 $0xFFFFC000  }
0x15: {  	_ =	swait.ge [sflag:s24], $0x4000  }
0x16: {  	[sflag:s24] =	ssyncset.done $0x0  }
0x17: {  	[sflag:s24] =	ssyncadd.s32 $0xFFFFC000  }
0x18: {  	[bflag:$0x0] =	sbarrier.arrive $0xFFFF  }
0x19: {  	[tilespmem:s20], [sflag:$0x5] =	stream.linear.gather [spmem:s5], $0x4000, $0x38;
	[tilespmem:$0x1E800] =	vst v63  }
0x1a: {  	_ =	swait.ge [sflag:s21], $0x4000  }
0x1b: {  	[sflag:s21] =	ssyncset.done $0x0  }
0x1c: {  	[sflag:s21] =	ssyncadd.s32 $0xFFFFC000  }
0x1d: {  	[hbm4b:s14+s3] =	stream.linear.scatter [tilespmem:s20], [sflag:$0x5], $0x4000, $0x38;
	[tilespmem:$0x1E800] =	vst v63  }
0x1e: {  	_ =	swait.ge [sflag:s21], $0x4000  }
0x1f: {  	[sflag:s21] =	ssyncset.done $0x0  }
0x20: {  	[sflag:s21] =	ssyncadd.s32 $0xFFFFC000  }
0x21: {  	[tilespmem:s20], [sflag:$0x5] =	stream.linear.gather [spmem:s6], $0x4000, $0x38;
	[tilespmem:$0x1E800] =	vst v63  }
0x22: {  	_ =	swait.ge [sflag:s21], $0x4000  }
0x23: {  	[sflag:s21] =	ssyncset.done $0x0  }
0x24: {  	[sflag:s21] =	ssyncadd.s32 $0xFFFFC000  }
0x25: {  	[hbm4b:s15+s3] =	stream.linear.scatter [tilespmem:s20], [sflag:$0x5], $0x4000, $0x38;
	[tilespmem:$0x1E800] =	vst v63  }
0x26: {  	_ =	swait.ge [sflag:s21], $0x4000  }
0x27: {  	[sflag:s21] =	ssyncset.done $0x0  }
0x28: {  	[sflag:s21] =	ssyncadd.s32 $0xFFFFC000  }
0x29: {  	[tilespmem:s20], [sflag:$0x5] =	stream.linear.gather [spmem:s7], $0x4000, $0x38;
	[tilespmem:$0x1E800] =	vst v63  }
0x2a: {  	_ =	swait.ge [sflag:s21], $0x4000  }
0x2b: {  	[sflag:s21] =	ssyncset.done $0x0  }
0x2c: {  	[sflag:s21] =	ssyncadd.s32 $0xFFFFC000  }
0x2d: {  	[hbm4b:s16+s3] =	stream.linear.scatter [tilespmem:s20], [sflag:$0x5], $0x4000, $0x38;
	[tilespmem:$0x1E800] =	vst v63  }
0x2e: {  	_ =	swait.ge [sflag:s21], $0x4000  }
0x2f: {  	[sflag:s21] =	ssyncset.done $0x0  }
0x30: {  	[sflag:s21] =	ssyncadd.s32 $0xFFFFC000  }
0x31: {  	[tilespmem:s20], [sflag:$0x5] =	stream.linear.gather [spmem:s8], $0x4000, $0x38;
	[tilespmem:$0x1E800] =	vst v63  }
0x32: {  	_ =	swait.ge [sflag:s21], $0x4000  }
0x33: {  	[sflag:s21] =	ssyncset.done $0x0  }
0x34: {  	[sflag:s21] =	ssyncadd.s32 $0xFFFFC000  }
0x35: {  	[hbm4b:s17+s3] =	stream.linear.scatter [tilespmem:s20], [sflag:$0x5], $0x4000, $0x38;
	[tilespmem:$0x1E800] =	vst v63  }
0x36: {  	_ =	swait.ge [sflag:s21], $0x4000  }
0x37: {  	[sflag:s21] =	ssyncset.done $0x0  }
0x38: {  	[sflag:s21] =	ssyncadd.s32 $0xFFFFC000  }
0x39: {  	[tilespmem:s20], [sflag:$0x5] =	stream.linear.gather [spmem:s9], $0x4000, $0x38;
	[tilespmem:$0x1E800] =	vst v63  }
0x3a: {  	s25 =	sadd.s32 $0x1, s25;
	_ =	swait.ge [sflag:s21], $0x4000  }
0x3b: {  	p0 =	sne.s32 s25, s19;
	[sflag:s21] =	ssyncset.done $0x0  }
.Ltmp1:
0x3c: {  	[sflag:s21] =	ssyncadd.s32 $0xFFFFC000;
	(pc) =	sbr.rel @!p0 .LBB2_16-.Ltmp1, $4  }
0x3d: {  	[hbm4b:s18+s3] =	stream.linear.scatter [tilespmem:s20], [sflag:$0x5], $0x4000, $0x38;
	[tilespmem:$0x1E800] =	vst v63  }
0x3e: {  	_ =	swait.ge [sflag:s21], $0x4000  }
0x3f: {  	[sflag:s21] =	ssyncset.done $0x0  }
0x40: {  	[sflag:s21] =	ssyncadd.s32 $0xFFFFC000  }
.LBB2_1:
0x41: {  	s26 =	simm.s32 $0x0;
	s28 =	simm.s32 $0x200  }
.LBB2_2:
0x42: {  	p0 =	sne.s32 s28, $0xFE00;
	[tilespmem:s26+$0x2870] =	vst v0  }
0x43: {  	[tilespmem:s26+$0x2800] =	vst v0  }
0x44: {  	[tilespmem:s26+$0x2810] =	vst v0  }
.Ltmp2:
0x45: {  	[tilespmem:s26+$0x2820] =	vst v0;
	(pc) =	sbr.rel @p0 .LBB2_2-.Ltmp2, $4  }
0x46: {  	[tilespmem:s26+$0x2830] =	vst v0  }
0x47: {  	[tilespmem:s26+$0x2840] =	vst v0  }
0x48: {  	[tilespmem:s26+$0x2850] =	vst v0  }
0x49: {  	[tilespmem:s26+$0x2860] =	vst v0;
	s26 =	sshra.s32 s28, $0x2;
	s28 =	sadd.s32 $0x200, s28  }
0x4a: {  	[tilespmem:s26+$0x2870] =	vst v0  }
0x4b: {  	[tilespmem:s26+$0x2800] =	vst v0  }
0x4c: {  	[tilespmem:s26+$0x2810] =	vst v0  }
0x4d: {  	[tilespmem:s26+$0x2820] =	vst v0  }
0x4e: {  	[tilespmem:s26+$0x2830] =	vst v0  }
0x4f: {  	[tilespmem:s26+$0x2840] =	vst v0  }
0x50: {  	[tilespmem:s26+$0x2850] =	vst v0  }
0x51: {  	[tilespmem:s26+$0x2860] =	vst v0  }
0x52: {  	[spmem:s5] =	stream.linear.scatter [tilespmem:s20], [sflag:$0x5], $0x4000, $0x38;
	[tilespmem:$0x1E800] =	vst v63  }
0x53: {  	_ =	swait.ge [sflag:s21], $0x4000  }
0x54: {  	[sflag:s21] =	ssyncset.done $0x0  }
0x55: {  	[sflag:s21] =	ssyncadd.s32 $0xFFFFC000  }
0x56: {  	[spmem:s6] =	stream.linear.scatter [tilespmem:s20], [sflag:$0x5], $0x4000, $0x38;
	[tilespmem:$0x1E800] =	vst v63  }
0x57: {  	_ =	swait.ge [sflag:s21], $0x4000  }
0x58: {  	[sflag:s21] =	ssyncset.done $0x0  }
0x59: {  	[sflag:s21] =	ssyncadd.s32 $0xFFFFC000  }
0x5a: {  	[spmem:s7] =	stream.linear.scatter [tilespmem:s20], [sflag:$0x5], $0x4000, $0x38;
	[tilespmem:$0x1E800] =	vst v63  }
0x5b: {  	_ =	swait.ge [sflag:s21], $0x4000  }
0x5c: {  	[sflag:s21] =	ssyncset.done $0x0  }
0x5d: {  	[sflag:s21] =	ssyncadd.s32 $0xFFFFC000  }
0x5e: {  	[spmem:s8] =	stream.linear.scatter [tilespmem:s20], [sflag:$0x5], $0x4000, $0x38;
	[tilespmem:$0x1E800] =	vst v63  }
0x5f: {  	_ =	swait.ge [sflag:s21], $0x4000  }
0x60: {  	[sflag:s21] =	ssyncset.done $0x0  }
0x61: {  	[sflag:s21] =	ssyncadd.s32 $0xFFFFC000  }
0x62: {  	[spmem:s9] =	stream.linear.scatter [tilespmem:s20], [sflag:$0x5], $0x4000, $0x38;
	[tilespmem:$0x1E800] =	vst v63  }
0x63: {  	_ =	swait.ge [sflag:s21], $0x4000  }
0x64: {  	[sflag:s21] =	ssyncset.done $0x0  }
0x65: {  	[sflag:s21] =	ssyncadd.s32 $0xFFFFC000  }
0x66: {  	[bflag:$0x0] =	sbarrier.arrive $0xFFFF  }
0x67: {  	[tilespmem:s3], [sflag:$0x5] =	stream.linear.gather [hbm4b:s10+s3], $0x1400, $0x38;
	[tilespmem:$0x1E800] =	vst v63  }
0x68: {  	_ =	swait.ge [sflag:s21], $0x1400  }
0x69: {  	[sflag:s21] =	ssyncset.done $0x0  }
0x6a: {  	s26 =	simm.s32 $0x1400;
	[sflag:s21] =	ssyncadd.s32 $0xFFFFEC00  }
0x6b: {  	[tilespmem:s26], [sflag:$0x5] =	stream.linear.gather [hbm4b:s11+s3], $0x1400, $0x38;
	[tilespmem:$0x1E800] =	vst v63  }
.Ltmp3:
0x6c: {  	_ = 	snop;
	(pc) =	sbr.rel .LBB2_4-.Ltmp3, $4  }
0x6d: {  	_ =	swait.ge [sflag:s21], $0x1400  }
0x6e: {  	[sflag:s21] =	ssyncset.done $0x0  }
0x6f: {  	s28 =	simm.s32 $0x80;
	s29 =	simm.s32 $0x1;
	[sflag:s21] =	ssyncadd.s32 $0xFFFFEC00  }
0x70: {  	[tilespmem:s20], [sflag:$0x1] =	stream.indirect.gather [hbm4b:s4+s28], $0x80, s3, s28, $0xb8;
	[tilespmem:$0x1E800] =	vst v63  }
.LBB2_7:
0x71: {  	s1 =	sshll.u32 s31, $0xE  }
0x72: {  	s31 =	sadd.s32 $0x1, s31;
	s1 =	sor.u32 $0x2800, s1  }
0x73: {  	[tilespmem:s1], [sflag:s31] =	stream.indirect.gather [hbm4b:s4+s22], $0x80, s28, s22, $0xb8;
	[tilespmem:$0x1E800] =	vst v63  }
.LBB2_8:
0x74: {  	s1 =	sand.u32 $0x1, s30;
	s29 =	sadd.s32 $0x1, s29  }
0x75: {  	s30 =	sadd.s32 $0x1, s1;
	p0 =	sne.s32 s29, $0x29  }
.Ltmp4:
0x76: {  	_ =	swait.ge [sflag:s30], $0x4000;
	(pc) =	sbr.rel @!p0 .LBB2_9-.Ltmp4, $4  }
0x77: {  	s31 =	sshll.u32 s1, $0xE;
	[sflag:s30] =	ssyncset.done $0x0  }
0x78: {  	s1 =	sadd.s32 $0x3, s1;
	s31 =	sor.u32 $0x2800, s31;
	[sflag:s30] =	ssyncadd.s32 $0xFFFFC000  }
0x79: {  	[spmem:s2] =	stream.indirect.scatter.add.f32 [tilespmem:s31], [sflag:s1], $0x80, s26, s22, $0xb8;
	[tilespmem:$0x1E800] =	vst v63  }
0x7a: {  	s28 =	sadd.s32 $0x80, s28;
	s26 =	sadd.s32 $0x80, s26  }
.LBB2_4:
0x7b: {  	s30 =	sadd.s32 $0xFFFFFFFF, s29  }
0x7c: {  	p0 =	seq.s32 s30, $0x0  }
.Ltmp5:
0x7d: {  	_ = 	snop;
	(pc) =	sbr.rel @p0 .LBB2_7-.Ltmp5, $2  }
0x7e: {  	_ =	sdelay $0x2  }
0x7f: {  	s31 =	sand.u32 $0x1, s29  }
0x80: {  	p0 =	seq.s32 s30, $0x27  }
.Ltmp6:
0x81: {  	_ = 	snop;
	(pc) =	sbr.rel @p0 .LBB2_8-.Ltmp6, $1  }
0x82: {  	_ =	sdelay $0x3  }
.Ltmp7:
0x83: {  	(pc) =	sbr.rel .LBB2_7-.Ltmp7, $4  }
0x84: {  	s1 =	sadd.s32 $0x3, s31  }
0x85: {  	_ =	swait.ge [sflag:s1], $0x4000  }
0x86: {  	[sflag:s1] =	ssyncset.done $0x0  }
0x87: {  	[sflag:s1] =	ssyncadd.s32 $0xFFFFC000  }
.LBB2_9:
0x88: {  	_ =	swait.ge [sflag:s23], $0x4000  }
0x89: {  	[sflag:s23] =	ssyncset.done $0x0  }
0x8a: {  	[sflag:s23] =	ssyncadd.s32 $0xFFFFC000  }
0x8b: {  	_ =	swait.ge [sflag:s24], $0x4000  }
0x8c: {  	[sflag:s24] =	ssyncset.done $0x0  }
0x8d: {  	[sflag:s24] =	ssyncadd.s32 $0xFFFFC000  }
0x8e: {  	[tilespmem:s3], [sflag:$0x5] =	stream.linear.gather [hbm4b:s12+s3], $0x1400, $0x38;
	[tilespmem:$0x1E800] =	vst v63  }
0x8f: {  	_ =	swait.ge [sflag:s21], $0x1400  }
0x90: {  	[sflag:s21] =	ssyncset.done $0x0  }
0x91: {  	s26 =	simm.s32 $0x1400;
	[sflag:s21] =	ssyncadd.s32 $0xFFFFEC00  }
0x92: {  	[tilespmem:s26], [sflag:$0x5] =	stream.linear.gather [hbm4b:s13+s3], $0x1400, $0x38;
	[tilespmem:$0x1E800] =	vst v63  }
.Ltmp8:
0x93: {  	_ = 	snop;
	(pc) =	sbr.rel .LBB2_10-.Ltmp8, $4  }
0x94: {  	_ =	swait.ge [sflag:s21], $0x1400  }
0x95: {  	[sflag:s21] =	ssyncset.done $0x0  }
0x96: {  	s28 =	simm.s32 $0x80;
	s29 =	simm.s32 $0x1;
	[sflag:s21] =	ssyncadd.s32 $0xFFFFEC00  }
0x97: {  	[tilespmem:s20], [sflag:$0x1] =	stream.indirect.gather [hbm4b:s4+s28], $0x80, s3, s28, $0xb8;
	[tilespmem:$0x1E800] =	vst v63  }
.LBB2_13:
0x98: {  	s1 =	sshll.u32 s31, $0xE  }
0x99: {  	s31 =	sadd.s32 $0x1, s31;
	s1 =	sor.u32 $0x2800, s1  }
0x9a: {  	[tilespmem:s1], [sflag:s31] =	stream.indirect.gather [hbm4b:s4+s22], $0x80, s28, s22, $0xb8;
	[tilespmem:$0x1E800] =	vst v63  }
.LBB2_14:
0x9b: {  	s1 =	sand.u32 $0x1, s30;
	s29 =	sadd.s32 $0x1, s29  }
0x9c: {  	s30 =	sadd.s32 $0x1, s1;
	p0 =	sne.s32 s29, $0x29  }
.Ltmp9:
0x9d: {  	_ =	swait.ge [sflag:s30], $0x4000;
	(pc) =	sbr.rel @!p0 .LBB2_15-.Ltmp9, $4  }
0x9e: {  	s31 =	sshll.u32 s1, $0xE;
	[sflag:s30] =	ssyncset.done $0x0  }
0x9f: {  	s1 =	sadd.s32 $0x3, s1;
	s31 =	sor.u32 $0x2800, s31;
	[sflag:s30] =	ssyncadd.s32 $0xFFFFC000  }
0xa0: {  	[spmem:s2] =	stream.indirect.scatter.add.f32 [tilespmem:s31], [sflag:s1], $0x80, s26, s22, $0xb8;
	[tilespmem:$0x1E800] =	vst v63  }
0xa1: {  	s28 =	sadd.s32 $0x80, s28;
	s26 =	sadd.s32 $0x80, s26  }
.LBB2_10:
0xa2: {  	s30 =	sadd.s32 $0xFFFFFFFF, s29  }
0xa3: {  	p0 =	seq.s32 s30, $0x0  }
.Ltmp10:
0xa4: {  	_ = 	snop;
	(pc) =	sbr.rel @p0 .LBB2_13-.Ltmp10, $2  }
0xa5: {  	_ =	sdelay $0x2  }
0xa6: {  	s31 =	sand.u32 $0x1, s29  }
0xa7: {  	p0 =	seq.s32 s30, $0x27  }
.Ltmp11:
0xa8: {  	_ = 	snop;
	(pc) =	sbr.rel @p0 .LBB2_14-.Ltmp11, $1  }
0xa9: {  	_ =	sdelay $0x3  }
.Ltmp12:
0xaa: {  	(pc) =	sbr.rel .LBB2_13-.Ltmp12, $4  }
0xab: {  	s1 =	sadd.s32 $0x3, s31  }
0xac: {  	_ =	swait.ge [sflag:s1], $0x4000  }
0xad: {  	[sflag:s1] =	ssyncset.done $0x0  }
0xae: {  	[sflag:s1] =	ssyncadd.s32 $0xFFFFC000  }
.LBB2_16:
0xaf: {  	_ =	sfence.sel $0x180000  }
0xb0: {  	[bflag:$0x0] =	sbarrier.arrive $0xFFFF  }
0xb1: {  	_ =	strace $0x9000004A  }
0xb2: {  	[bflag:$0x2] =	sbarrier.arrive $0xFFFF  }
0xb3: {  	p0 =	sne.s32 s0, $0x0;
	s0 =	rddreg [dreg:$0x2]  }
0xb4: {  	s0 =	sadd.s32 @!p0 $0x100000, s0  }
0xb5: {  	[sflag:s0] =	ssyncadd.tile.s32 @!p0 $0x1;
	_ =	shalt  }
.Lfunc_end2:
_tile_overlayer_lowered:
.L_overlay_start_2:
0xb6: {  	(tag) =	ssettag $0x2  }
0xb7: {  	s0 =	rddreg [dreg:$0x0];
	s2 =	stileid.u32  }
0xb8: {  	s1 =	rddreg [dreg:$0x1];
	p0 =	sne.s32 s2, $0x0  }
0xb9: {  	s3 =	rddreg [dreg:$0x2];
	[bflag:$0x3] =	sbarrier.arrive $0xFFFF;
	s2 =	simm.s32 @!p0 $0x1C05  }
0xba: {  	[timem:s3], [sflag:s2] =	dma.local @!p0 [hbm:s0], s1  }
0xbb: {  	s0 =	simm.s32 @!p0 $0x5  }
0xbc: {  	_ =	swait.ge @!p0 [sflag:s0], s1  }
0xbd: {  	s1 =	ssub.s32 @!p0 $0x0, s1;
	[sflag:s0] =	ssyncset.done @!p0 $0x0  }
0xbe: {  	[sflag:s0] =	ssyncadd.s32 @!p0 s1  }
0xbf: {  	[bflag:$0x3] =	sbarrier.arrive $0xFFFF  }
0xc0: {  	_ =	shalt  }

// kernel: kernel.14.cloned.1.call-start
scs
__scs_entry_jumppad:
0x0: {  	(pc) =	sbr.rel $0x88, $3  }
0x1: {  	(tag) =	ssettag $0x0;
	lr =	simm.s32 $0x1  }
0x2: {  	[smem:$0x3F99] =	sst lr;
	_ =	strace $0xD0000000  }
0x3: {  	_ = 	snop  }
0x4: {  	_ = 	snop  }
0x5: {  	_ = 	snop  }
0x6: {  	_ = 	snop  }
0x7: {  	_ = 	snop  }
__scs_overlays_trampoline_lowered:
0x8: {  	[smem:$0x3FA8] =	sst s0  }
0x9: {  	[smem:$0x3FA9] =	sst s1  }
0xa: {  	[smem:$0x3FAA] =	sst s2  }
0xb: {  	[smem:$0x3FAB] =	sst s3  }
0xc: {  	[smem:$0x3FAC] =	sst s4  }
0xd: {  	[smem:$0x3FAD] =	sst s5  }
0xe: {  	[smem:$0x3FAE] =	sst s6  }
0xf: {  	[smem:$0x3FAF] =	sst s7  }
0x10: {  	[smem:$0x3FB0] =	sst s8  }
0x11: {  	[smem:$0x3FB1] =	sst s9;
	s0 =	simm.s32 @!p0 $0x0  }
0x12: {  	s1 =	sld [smem:$0x3F97];
	s0 =	simm.s32 @p0 $0x1  }
0x13: {  	[smem:$0x3FB2] =	sst s0;
	s0 =	simm.s32 @!p1 $0x0  }
0x14: {  	s2 =	sld [smem:$0x3F96];
	s0 =	simm.s32 @p1 $0x1  }
0x15: {  	[smem:$0x3FB3] =	sst s0;
	s0 =	simm.s32 @!p2 $0x0  }
0x16: {  	s3 =	sld [smem:$0x3FDB];
	s0 =	simm.s32 @p2 $0x1  }
0x17: {  	s4 =	simm.s32 $0x1BF5;
	[smem:$0x3FB5] =	sst s0  }
0x18: {  	s0 =	sld [smem:$0x3F98];
	_ =	swait.ge [sflag:s4], $0x0  }
0x19: {  	s7 =	sld [smem:$0x3F99]  }
0x1a: {  	s8 =	sadd.s32 $0xFFFFE003, lr  }
0x1b: {  	s9 =	sadd.s32 $0xFFFFFEF7, lr;
	s5 =	simm.s32 $0xFFFFFFFF;
	p2 =	slt.u32 s8, $0xFFFFF086  }
0x1c: {  	p1 =	slt.u32 s9, $0xF7A;
	s5 =	simm.s32 @!p2 $0x0  }
0x1d: {  	s5 =	simm.s32 @p1 $0x1;
	p0 =	seq.s32 s7, s2  }
0x1e: {  	s7 =	smul.u32 @!p0 $0xF7A, s2;
	p2 =	seq.s32 @!p0 s5, $0x0  }
0x1f: {  	s9 =	smul.u32 $0xF7A, s1;
	s8 =	simm.s32 @!p0 $0x1BF5;
	p2 =	por !p2, p0  }
0x20: {  	[sflag:s8] =	ssyncset.s32 @!p0 $0xFFFFF086;
	s6 =	sadd.s32 @!p0 s3, s7;
	s7 =	simm.s32 @!p0 $0x108  }
0x21: {  	s3 =	sadd.s32 s3, s9;
	s6 =	sadd.s32 @!p0 $0x88, s6;
	s7 =	simm.s32 @p2 $0x1082  }
0x22: {  	[simem:s7], [sflag:s8] =	dma.local @!p0 [hbm:s6], $0xF7A  }
0x23: {  	s9 =	sor.u32 $0xD0000000, s2;
	s6 =	simm.s32 $0x108;
	_ =	swait.ge @!p0 [sflag:s8], $0x0  }
0x24: {  	s3 =	sadd.s32 $0x88, s3;
	s6 =	simm.s32 @!p1 $0x1082;
	[sflag:s4] =	ssyncset.s32 $0xFFFFF086  }
0x25: {  	[simem:s6], [sflag:s4] =	dma.local [hbm:s3], $0xF7A  }
0x26: {  	[smem:$0x3F99] =	sst s1;
	(tag) =	ssettag s2;
	_ =	strace s9  }
0x27: {  	s1 =	sld [smem:$0x3FA9]  }
0x28: {  	s2 =	sld [smem:$0x3FAA]  }
0x29: {  	s4 =	sld [smem:$0x3FAC]  }
0x2a: {  	p0 =	seq.s32 s5, $0x0;
	s5 =	sld [smem:$0x3FAD]  }
0x2b: {  	s6 =	sld [smem:$0x3FAE]  }
0x2c: {  	s7 =	sld [smem:$0x3FAF]  }
0x2d: {  	s3 =	simm.s32 $0x108;
	s8 =	sld [smem:$0x3FB0]  }
0x2e: {  	s3 =	simm.s32 @!p0 $0x1082;
	s9 =	sld [smem:$0x3FB1]  }
0x2f: {  	lr =	sadd.s32 s0, s3;
	s0 =	sld [smem:$0x3FA8]  }
0x30: {  	s3 =	sld [smem:$0x3FAB]  }
0x31: {  	[smem:$0x3FB4] =	sst s10  }
0x32: {  	s10 =	sld [smem:$0x3FB2];
	_ =	sdelay $0x3  }
0x33: {  	p0 =	seq.s32 s10, $0x1;
	s10 =	sld [smem:$0x3FB4];
	_ =	sdelay $0x3  }
0x34: {  	[smem:$0x3FB4] =	sst s10  }
0x35: {  	s10 =	sld [smem:$0x3FB3];
	_ =	sdelay $0x3  }
0x36: {  	p1 =	seq.s32 s10, $0x1;
	s10 =	sld [smem:$0x3FB4];
	_ =	sdelay $0x3  }
0x37: {  	[smem:$0x3FB4] =	sst s10  }
0x38: {  	s10 =	sld [smem:$0x3FB5]  }
0x39: {  	_ = 	snop;
	(pc) =	sbr.ind lr, $3  }
0x3a: {  	_ = 	snop  }
0x3b: {  	_ = 	snop  }
0x3c: {  	p2 =	seq.s32 s10, $0x1;
	s10 =	sld [smem:$0x3FB4]  }
0x3d: {  	_ =	shalt  }
0x3e: {  	_ =	shalt  }
0x3f: {  	_ =	shalt  }
0x40: {  	_ =	shalt  }
0x41: {  	_ =	shalt  }
0x42: {  	_ =	shalt  }
0x43: {  	_ =	shalt  }
0x44: {  	_ =	shalt  }
0x45: {  	_ =	shalt  }
0x46: {  	_ =	shalt  }
0x47: {  	_ =	shalt  }
0x48: {  	_ =	shalt  }
0x49: {  	_ =	shalt  }
0x4a: {  	_ =	shalt  }
0x4b: {  	_ =	shalt  }
0x4c: {  	_ =	shalt  }
0x4d: {  	_ =	shalt  }
0x4e: {  	_ =	shalt  }
0x4f: {  	_ =	shalt  }
0x50: {  	_ =	shalt  }
0x51: {  	_ =	shalt  }
0x52: {  	_ =	shalt  }
0x53: {  	_ =	shalt  }
0x54: {  	_ =	shalt  }
0x55: {  	_ =	shalt  }
0x56: {  	_ =	shalt  }
0x57: {  	_ =	shalt  }
0x58: {  	_ =	shalt  }
0x59: {  	_ =	shalt  }
0x5a: {  	_ =	shalt  }
0x5b: {  	_ =	shalt  }
0x5c: {  	_ =	shalt  }
0x5d: {  	_ =	shalt  }
0x5e: {  	_ =	shalt  }
0x5f: {  	_ =	shalt  }
0x60: {  	_ =	shalt  }
0x61: {  	_ =	shalt  }
0x62: {  	_ =	shalt  }
0x63: {  	_ =	shalt  }
0x64: {  	_ =	shalt  }
0x65: {  	_ =	shalt  }
0x66: {  	_ =	shalt  }
0x67: {  	_ =	shalt  }
0x68: {  	_ =	shalt  }
0x69: {  	_ =	shalt  }
0x6a: {  	_ =	shalt  }
0x6b: {  	_ =	shalt  }
0x6c: {  	_ =	shalt  }
0x6d: {  	_ =	shalt  }
0x6e: {  	_ =	shalt  }
0x6f: {  	_ =	shalt  }
0x70: {  	_ =	shalt  }
0x71: {  	_ =	shalt  }
0x72: {  	_ =	shalt  }
0x73: {  	_ =	shalt  }
0x74: {  	_ =	shalt  }
0x75: {  	_ =	shalt  }
0x76: {  	_ =	shalt  }
0x77: {  	_ =	shalt  }
0x78: {  	_ =	shalt  }
0x79: {  	_ =	shalt  }
0x7a: {  	_ =	shalt  }
0x7b: {  	_ =	shalt  }
0x7c: {  	_ =	shalt  }
0x7d: {  	_ =	shalt  }
0x7e: {  	_ =	shalt  }
0x7f: {  	_ =	shalt  }
0x80: {  	_ =	shalt  }
0x81: {  	_ =	shalt  }
0x82: {  	_ =	shalt  }
0x83: {  	_ =	shalt  }
0x84: {  	_ =	shalt  }
0x85: {  	_ =	shalt  }
0x86: {  	_ =	shalt  }
0x87: {  	_ =	shalt  }
.Lfunc_end0:
.L_simem_size_0:
called_computation.2_lowered:
.L_overlay_start_0:
0x88: {  	s2 =	sld [smem:$0x3FD9]  }
0x89: {  	s3 =	sld [smem:$0x3FFE];
	_ =	sdelay $0x1  }
0x8a: {  	s1 =	srdreg.scid  }
0x8b: {  	s0 =	sand.u32 $0x1, s1  }
0x8c: {  	s16 =	sshll.u32 s0, $0xA;
	s2 =	sadd.s32 s3, s2  }
0x8d: {  	s2 =	sadd.s32 s2, s16  }
0x8e: {  	[smem:$0x3FC0] =	sst s2  }
0x8f: {  	_ = 	snop  }
0x90: {  	(tm) =	ssettm $0x1  }
0x91: {  	s17 =	sld [smem:$0x3FFB];
	_ =	sdelay $0x3  }
0x92: {  	_ =	strace s17  }
0x93: {  	s2 =	sld [smem:$0x3FFC];
	_ =	sdelay $0x3  }
0x94: {  	_ =	strace s2  }
0x95: {  	s2 =	sld [smem:$0x3FFD];
	_ =	sdelay $0x3  }
0x96: {  	_ =	strace s2  }
0x97: {  	_ =	strace $0x8FFFFFFF  }
0x98: {  	s18 =	sld [smem:$0x3FDB];
	_ =	sdelay $0x1  }
0x99: {  	s19 =	simm.s32 $_scs_section_size  }
0x9a: {  	s4 =	simm.s32 $_size__tile_overlayer_lowered;
	s5 =	simm.s32 $_tile_overlayer_lowered  }
0x9b: {  	s22 =	simm.s32 $0x1BFF;
	s21 =	sshll.u32 s5, $0x1;
	s2 =	sadd.s32 s19, s18  }
0x9c: {  	s6 =	simm.s32 $0x0;
	s20 =	sshll.u32 s4, $0x1;
	s4 =	sadd.s32 s21, s2  }
0x9d: {  	[timem:s6], [sflag:s22] =	dma.local [hbm:s4], s20  }
0x9e: {  	_ =	swait.ge [sflag:s22], s20  }
0x9f: {  	s3 =	ssub.s32 $0x0, s20;
	[sflag:s22] =	ssyncset.done $0x0  }
0xa0: {  	[sflag:s22] =	ssyncadd.s32 s3;
	_ =	sdelay $0x1  }
0xa1: {  	s23 =	simm.s32 $0x1B8B  }
0xa2: {  	_ =	swait.ge [sflag:s23], $0x1  }
0xa3: {  	[sflag:s23] =	ssyncset.done $0x0  }
0xa4: {  	s25 =	simm.s32 $0x1B8E;
	s24 =	sld [smem:$0x3FFE];
	[sflag:s23] =	ssyncadd.s32 $0xFFFFFFFF  }
0xa5: {  	s26 =	simm.s32 $execute0_lowered;
	[smem:$0x3FD2] =	sst s25  }
0xa6: {  	s4 =	sshll.u32 s26, $0x1;
	_ =	strace $0x8000004C;
	[dreg:$0x1] =	wrdreg $0xFFFFFFFF  }
0xa7: {  	s28 =	simm.s32 $_size_execute0_lowered;
	s2 =	sadd.s32 s2, s4;
	[dreg:$0x0] =	wrdreg $0x0  }
0xa8: {  	s4 =	sshll.u32 s28, $0x1;
	[dreg:$0x2] =	wrdreg s2  }
0xa9: {  	[dreg:$0x3] =	wrdreg s4  }
0xaa: {  	[dreg:$0x4] =	wrdreg $0xC0  }
0xab: {  	_ =	task [dreg:s6], $0x5FFFF  }
0xac: {  	[dreg:$0x1] =	wrdreg $0xFFFFFFFF  }
0xad: {  	[dreg:$0x0] =	wrdreg $0x60  }
0xae: {  	[dreg:$0x2] =	wrdreg s24  }
0xaf: {  	[dreg:$0x3] =	wrdreg $0x80000  }
0xb0: {  	[dreg:$0x4] =	wrdreg $0x9  }
0xb1: {  	_ =	task.clear_ibuf [dreg:s6], $0x5FFFF;
	_ =	strace $0x9000004C  }
0xb2: {  	s29 =	simm.s32 $0x9;
	_ =	strace $0x8000004E  }
0xb3: {  	_ =	swait.ge [sflag:s29], $0x1  }
0xb4: {  	[sflag:s29] =	ssyncadd.s32 $0xFFFFFFFF  }
0xb5: {  	_ =	strace $0x9000004E  }
0xb6: {  	_ =	sfence  }
0xb7: {  	s30 =	sld [smem:$0x0];
	_ =	sdelay $0x2  }
0xb8: {  	s31 =	sshll.u32 s1, $0xD;
	s1 =	sshrl.u32 s1, $0x2  }
0xb9: {  	s3 =	sand.u32 $0x4000, s31;
	s1 =	sadd.s32 s1, s30  }
0xba: {  	s0 =	sor.u32 s3, s0;
	s1 =	sshll.u32 s1, $0x11  }
0xbb: {  	s0 =	sor.u32 s1, s0  }
0xbc: {  	s0 =	sadd.s32 $0x8F2B, s0  }
0xbd: {  	[sflag:s0] =	ssyncadd.remote.s32 $0x1  }
0xbe: {  	_ =	sfence.sel $0xFFFF  }
0xbf: {  	[dreg:$0x0] =	wrdreg $0xFFFFFFFF;
	(pc) =	sbr.abs _section_cstart, $3  }
0xc0: {  	[dreg:$0x1] =	wrdreg $0xFFFFFFFF  }
0xc1: {  	_ =	task.clear_ibuf [dreg:s6], $0x2FFFF;
	_ =	strace $0x9FFFFFFF  }
0xc2: {  	(tm) =	ssettm $0x7FFFFFFF  }
0xc3: {  	_ =	shalt  }
tec
execute0_lowered:
.L_overlay_start_1:
0x0: {  	(tag) =	ssettag $0x1  }
0x1: {  	s0 =	srdreg.scid;
	s6 =	rddreg [dreg:$0x0]  }
0x2: {  	s4 =	stileid.u32;
	s2 =	rddreg [dreg:$0x1]  }
0x3: {  	s3 =	simm.s32 $0x0;
	s18 =	simm.s32 $0x5000;
	s19 =	simm.s32 $0xD  }
0x4: {  	s20 =	simm.s32 $0x80;
	s28 =	simm.s32 $0xC;
	s29 =	simm.s32 $0x7  }
0x5: {  	s30 =	simm.s32 $0x8;
	s0 =	sand.u32 $0x1, s0;
	s5 =	smul.u32 $0x280, s4  }
0x6: {  	s31 =	simm.s32 $0x0;
	s8 =	smul.u32 $0xA000, s4;
	s1 =	sshll.u32 s0, $0x4  }
0x7: {  	[smem:$0x7FF] =	sst s3;
	s7 =	smul.u32 $0x2800, s0;
	s1 =	sor.u32 s4, s1  }
0x8: {  	_ =	strace $0x8000004D;
	s0 =	ssub.s32 $0x2, s0;
	s1 =	smul.u32 $0x500, s1  }
0x9: {  	s4 =	sadd.s32 $0x15E00, s6;
	s21 =	sshrl.u32 s8, $0x2;
	s9 =	sshrl.u32 s0, $0x1  }
0xa: {  	s5 =	sadd.s32 s5, s7;
	s0 =	ssub.s32 s0, s9;
	s1 =	sadd.s32 s1, s6  }
0xb: {  	s22 =	sshll.u32 s5, $0x1;
	s5 =	sadd.s32 s21, s2;
	s11 =	sadd.s32 $0xBE00, s1  }
0xc: {  	s10 =	sadd.s32 s22, s6;
	s1 =	sadd.s32 $0x1E00, s1;
	[dreg:$0x3] =	wrdreg s11  }
0xd: {  	s17 =	smax.u32 s0, $0x1;
	s23 =	sadd.s32 $0x1AE00, s10;
	[dreg:$0x4] =	wrdreg s1  }
0xe: {  	s6 =	sadd.s32 $0x800, s5;
	s24 =	sadd.s32 $0x1AF00, s10;
	[dreg:$0x5] =	wrdreg s23  }
0xf: {  	s7 =	sadd.s32 $0x1000, s5;
	s25 =	sadd.s32 $0x1B000, s10;
	[dreg:$0x6] =	wrdreg s24  }
0x10: {  	s8 =	sadd.s32 $0x1800, s5;
	s26 =	sadd.s32 $0x1B100, s10;
	[dreg:$0x7] =	wrdreg s25  }
0x11: {  	s9 =	sadd.s32 $0x2000, s5;
	s16 =	sadd.s32 $0x1B200, s10;
	[dreg:$0x8] =	wrdreg s26  }
0x12: {  	v0 =	vimm.f32 $0.0e+00;
	s24 =	simm.s32 $0x9;
	s25 =	simm.s32 $0xA;
	s26 =	simm.s32 $0xB  }
.LBB2_1:
0x13: {  	s0 =	simm.s32 $0x40;
	s1 =	simm.s32 $0x0  }
.LBB2_2:
0x14: {  	p0 =	sne.s32 s0, $0x1FC0;
	[tilespmem:s1+$0x5000] =	vst v0;
	s1 =	smov.u32 s0;
	s0 =	sadd.s32 $0x40, s0  }
.Ltmp0:
0x15: {  	(pc) =	sbr.rel @p0 .LBB2_2-.Ltmp0, $2  }
0x16: {  	_ =	sdelay $0x2  }
0x17: {  	s1 =	sshra.s32 s1, $0x2  }
0x18: {  	[tilespmem:s1+$0x5000] =	vst v0  }
0x19: {  	[spmem:s5] =	stream.linear.scatter [tilespmem:s18], [sflag:$0xD], $0x800, $0x38;
	[tilespmem:$0xA800] =	vst v63  }
0x1a: {  	_ =	swait.ge [sflag:s19], $0x800  }
0x1b: {  	[sflag:s19] =	ssyncset.done $0x0  }
0x1c: {  	[sflag:s19] =	ssyncadd.s32 $0xFFFFF800  }
0x1d: {  	[spmem:s6] =	stream.linear.scatter [tilespmem:s18], [sflag:$0xD], $0x800, $0x38;
	[tilespmem:$0xA800] =	vst v63  }
0x1e: {  	_ =	swait.ge [sflag:s19], $0x800  }
0x1f: {  	[sflag:s19] =	ssyncset.done $0x0  }
0x20: {  	[sflag:s19] =	ssyncadd.s32 $0xFFFFF800  }
0x21: {  	[spmem:s7] =	stream.linear.scatter [tilespmem:s18], [sflag:$0xD], $0x800, $0x38;
	[tilespmem:$0xA800] =	vst v63  }
0x22: {  	_ =	swait.ge [sflag:s19], $0x800  }
0x23: {  	[sflag:s19] =	ssyncset.done $0x0  }
0x24: {  	[sflag:s19] =	ssyncadd.s32 $0xFFFFF800  }
0x25: {  	[spmem:s8] =	stream.linear.scatter [tilespmem:s18], [sflag:$0xD], $0x800, $0x38;
	[tilespmem:$0xA800] =	vst v63  }
0x26: {  	_ =	swait.ge [sflag:s19], $0x800  }
0x27: {  	[sflag:s19] =	ssyncset.done $0x0  }
0x28: {  	[sflag:s19] =	ssyncadd.s32 $0xFFFFF800  }
0x29: {  	[spmem:s9] =	stream.linear.scatter [tilespmem:s18], [sflag:$0xD], $0x800, $0x38;
	[tilespmem:$0xA800] =	vst v63  }
0x2a: {  	_ =	swait.ge [sflag:s19], $0x800  }
0x2b: {  	[sflag:s19] =	ssyncset.done $0x0  }
0x2c: {  	s23 =	simm.s32 $0x0;
	s0 =	rddreg [dreg:$0x3];
	[sflag:s19] =	ssyncadd.s32 $0xFFFFF800  }
0x2d: {  	[tilespmem:s23], [sflag:$0xD] =	stream.linear.gather [hbm4b:s0+s23], $0x2800, $0x38;
	[tilespmem:$0xA800] =	vst v63  }
0x2e: {  	_ =	swait.ge [sflag:s19], $0x2800  }
0x2f: {  	s12 =	simm.s32 $0x3;
	[sflag:s19] =	ssyncset.done $0x0  }
0x30: {  	s0 =	simm.s32 $0x2800;
	s10 =	rddreg [dreg:$0x4];
	[sflag:s19] =	ssyncadd.s32 $0xFFFFD800  }
0x31: {  	[tilespmem:s0], [sflag:$0xD] =	stream.linear.gather [hbm4b:s10+s23], $0x2800, $0x38;
	[tilespmem:$0xA800] =	vst v63  }
0x32: {  	s10 =	smul.u32 $0xAB, s12;
	_ =	swait.ge [sflag:s19], $0x2800  }
0x33: {  	[sflag:s19] =	ssyncset.done $0x0  }
0x34: {  	p0 =	por $0x0, $0x0;
	s10 =	sshrl.u32 s10, $0xA;
	[sflag:s19] =	ssyncadd.s32 $0xFFFFD800  }
0x35: {  	s13 =	smul.u32 $0xAB, s23;
	s10 =	sand.u32 $0x3F, s10;
	[bflag:$0x0] =	sbarrier.arrive $0xFFFF  }
0x36: {  	[tilespmem:s18], [sflag:$0x1] =	stream.indirect.gather [hbm4b:s4+s20], $0x10, s23, s20, $0xb8;
	[tilespmem:$0xA800] =	vst v63  }
0x37: {  	s11 =	simm.s32 $0x5800;
	p1 =	por @!p0 $0x1, $0x1;
	s10 =	smul.u32 $0x6, s10  }
0x38: {  	[tilespmem:s11], [sflag:$0x2] =	stream.indirect.gather [hbm4b:s4+s20], $0x10, s20, s20, $0xb8;
	[tilespmem:$0xA800] =	vst v63  }
0x39: {  	s12 =	simm.s32 $0x6000;
	s10 =	ssub.s32 $0x3, s10;
	s11 =	simm.s32 $0x100  }
0x3a: {  	[tilespmem:s12], [sflag:$0x3] =	stream.indirect.gather [hbm4b:s4+s20], $0x10, s11, s20, $0xb8;
	[tilespmem:$0xA800] =	vst v63  }
0x3b: {  	p1 =	por p1, p0;
	s10 =	sand.u32 $0xFF, s10;
	s11 =	sshrl.u32 s13, $0xA  }
0x3c: {  	s14 =	simm.s32 @!p0 $0x80;
	s13 =	sadd.s32 @!p1 $0x7, s10;
	s11 =	sand.u32 $0x3F, s11  }
0x3d: {  	s22 =	sshll.u32 @!p0 s10, $0xB;
	_ =	swait.ge @!p1 [sflag:s13], $0x800;
	s11 =	smul.u32 $0x6, s11  }
0x3e: {  	s12 =	simm.s32 $0x180;
	s10 =	sadd.s32 @!p0 $0x1, s10;
	[sflag:s13] =	ssyncset.done @!p1 $0x0  }
0x3f: {  	[sflag:s13] =	ssyncadd.s32 @!p1 $0xFFFFF800;
	s13 =	sadd.s32 @!p0 $0x5000, s22;
	s11 =	ssub.s32 $0x0, s11  }
0x40: {  	[tilespmem:s13], [sflag:s10] =	stream.indirect.gather @!p0 [hbm4b:s4+s14], $0x10, s12, s14, $0xb8;
	[tilespmem:$0xA800] =	vst v63  }
0x41: {  	s1 =	simm.s32 $0x1;
	s11 =	sand.u32 $0xFF, s11  }
0x42: {  	s21 =	simm.s32 $0x200;
	s23 =	simm.s32 $0x2;
	s15 =	sadd.s32 $0x1, s11  }
0x43: {  	s22 =	simm.s32 $0x2880;
	s10 =	simm.s32 $0x4;
	_ =	swait.ge [sflag:s15], $0x800  }
0x44: {  	s14 =	sshll.u32 s11, $0xB;
	s12 =	sadd.s32 $0x7, s11;
	[sflag:s15] =	ssyncset.done $0x0  }
0x45: {  	s11 =	smul.u32 $0xAB, s10;
	s13 =	sadd.s32 $0x5000, s14;
	[sflag:s15] =	ssyncadd.s32 $0xFFFFF800  }
.LBB2_4:
0x46: {  	[spmem:s2] =	stream.indirect.scatter.add.f32 [tilespmem:s13], [sflag:s12], $0x10, s0, s20, $0xb8;
	[tilespmem:$0xA800] =	vst v63  }
0x47: {  	s12 =	smov.u32 s1;
	s1 =	smov.u32 s23;
	s13 =	smov.u32 s21  }
0x48: {  	s23 =	sadd.s32 $0x1, s23;
	s0 =	smov.u32 s22;
	s11 =	sshrl.u32 s11, $0xA  }
0x49: {  	p0 =	sne.s32 s23, $0x50;
	s14 =	smul.u32 $0xAB, s12;
	s11 =	sand.u32 $0x3F, s11  }
0x4a: {  	s11 =	smul.u32 $0x6, s11  }
0x4b: {  	p1 =	sgt.u32 s12, $0x4C;
	s14 =	sshrl.u32 s14, $0xA  }
0x4c: {  	p2 =	slt.u32 @!p1 s12, $0x3;
	s10 =	ssub.s32 s10, s11;
	s11 =	sand.u32 $0x3F, s14  }
0x4d: {  	p2 =	por p2, p1;
	s10 =	sand.u32 $0xFF, s10;
	s11 =	smul.u32 $0x6, s11  }
0x4e: {  	s14 =	sadd.s32 @!p2 $0x7, s10;
	s15 =	sshll.u32 @!p1 s10, $0xB;
	s10 =	sadd.s32 @!p1 $0x1, s10  }
0x4f: {  	s21 =	sadd.s32 $0x80, s21;
	_ =	swait.ge @!p2 [sflag:s14], $0x800;
	s11 =	ssub.s32 s12, s11  }
0x50: {  	s12 =	simm.s32 @!p1 $0x80;
	[sflag:s14] =	ssyncset.done @!p2 $0x0;
	s11 =	sand.u32 $0xFF, s11  }
0x51: {  	[sflag:s14] =	ssyncadd.s32 @!p2 $0xFFFFF800  }
.Ltmp1:
0x52: {  	s14 =	sadd.s32 @!p1 $0x5000, s15;
	s15 =	sadd.s32 $0x1, s11;
	(pc) =	sbr.rel @p0 .LBB2_4-.Ltmp1, $4  }
0x53: {  	[tilespmem:s14], [sflag:s10] =	stream.indirect.gather @!p1 [hbm4b:s4+s12], $0x10, s13, s12, $0xb8;
	[tilespmem:$0xA800] =	vst v63  }
0x54: {  	s22 =	sadd.s32 $0x80, s22;
	s13 =	sshll.u32 s11, $0xB;
	_ =	swait.ge [sflag:s15], $0x800  }
0x55: {  	s10 =	sadd.s32 $0x3, s1;
	s12 =	sadd.s32 $0x7, s11;
	[sflag:s15] =	ssyncset.done $0x0  }
0x56: {  	s11 =	smul.u32 $0xAB, s10;
	s13 =	sadd.s32 $0x5000, s13;
	[sflag:s15] =	ssyncadd.s32 $0xFFFFF800  }
0x57: {  	[spmem:s2] =	stream.indirect.scatter.add.f32 [tilespmem:s13], [sflag:s12], $0x10, s0, s20, $0xb8;
	[tilespmem:$0xA800] =	vst v63  }
0x58: {  	s14 =	sshrl.u32 s11, $0xA  }
0x59: {  	s0 =	sand.u32 $0x3F, s14  }
0x5a: {  	s0 =	smul.u32 $0x6, s0  }
0x5b: {  	s15 =	smul.u32 $0xAB, s1;
	p0 =	sgt.u32 s1, $0x4C  }
0x5c: {  	p1 =	slt.u32 @!p0 s1, $0x3;
	s0 =	ssub.s32 s10, s0  }
0x5d: {  	s23 =	sshrl.u32 s15, $0xA;
	p1 =	por p1, p0;
	s0 =	sand.u32 $0xFF, s0  }
0x5e: {  	s10 =	sand.u32 $0x3F, s23;
	s11 =	sadd.s32 @!p1 $0x7, s0  }
0x5f: {  	s10 =	smul.u32 $0x6, s10;
	_ =	swait.ge @!p1 [sflag:s11], $0x800  }
0x60: {  	s12 =	sshll.u32 @!p0 s0, $0xB;
	s0 =	sadd.s32 @!p0 $0x1, s0;
	[sflag:s11] =	ssyncset.done @!p1 $0x0  }
0x61: {  	s12 =	sadd.s32 @!p0 $0x5000, s12;
	[sflag:s11] =	ssyncadd.s32 @!p1 $0xFFFFF800;
	s11 =	simm.s32 @!p0 $0x80  }
0x62: {  	[tilespmem:s12], [sflag:s0] =	stream.indirect.gather @!p0 [hbm4b:s4+s11], $0x10, s21, s11, $0xb8;
	[tilespmem:$0xA800] =	vst v63  }
0x63: {  	s11 =	ssub.s32 s1, s10  }
0x64: {  	s0 =	sand.u32 $0xFF, s11  }
0x65: {  	s12 =	sadd.s32 $0x1, s0  }
0x66: {  	_ =	swait.ge [sflag:s12], $0x800  }
0x67: {  	s13 =	sshll.u32 s0, $0xB;
	[sflag:s12] =	ssyncset.done $0x0  }
0x68: {  	s0 =	sadd.s32 $0x7, s0;
	s14 =	sadd.s32 $0x5000, s13;
	[sflag:s12] =	ssyncadd.s32 $0xFFFFF800  }
0x69: {  	[spmem:s2] =	stream.indirect.scatter.add.f32 [tilespmem:s14], [sflag:s0], $0x10, s22, s20, $0xb8;
	[tilespmem:$0xA800] =	vst v63  }
0x6a: {  	_ =	swait.ge [sflag:s24], $0x800  }
0x6b: {  	[sflag:s24] =	ssyncset.done $0x0  }
0x6c: {  	[sflag:s24] =	ssyncadd.s32 $0xFFFFF800  }
0x6d: {  	_ =	swait.ge [sflag:s25], $0x800  }
0x6e: {  	[sflag:s25] =	ssyncset.done $0x0  }
0x6f: {  	[sflag:s25] =	ssyncadd.s32 $0xFFFFF800  }
0x70: {  	_ =	swait.ge [sflag:s26], $0x800  }
0x71: {  	[sflag:s26] =	ssyncset.done $0x0  }
0x72: {  	[sflag:s26] =	ssyncadd.s32 $0xFFFFF800  }
0x73: {  	_ =	swait.ge [sflag:s28], $0x800  }
0x74: {  	[sflag:s28] =	ssyncset.done $0x0  }
0x75: {  	[sflag:s28] =	ssyncadd.s32 $0xFFFFF800  }
0x76: {  	_ =	swait.ge [sflag:s29], $0x800  }
0x77: {  	[sflag:s29] =	ssyncset.done $0x0  }
0x78: {  	[sflag:s29] =	ssyncadd.s32 $0xFFFFF800  }
0x79: {  	_ =	swait.ge [sflag:s30], $0x800  }
0x7a: {  	[sflag:s30] =	ssyncset.done $0x0  }
0x7b: {  	[sflag:s30] =	ssyncadd.s32 $0xFFFFF800  }
0x7c: {  	[bflag:$0x0] =	sbarrier.arrive $0xFFFF  }
0x7d: {  	[tilespmem:s18], [sflag:$0xD] =	stream.linear.gather [spmem:s5], $0x800, $0x38;
	[tilespmem:$0xA800] =	vst v63  }
0x7e: {  	_ =	swait.ge [sflag:s19], $0x800  }
0x7f: {  	[sflag:s19] =	ssyncset.done $0x0  }
0x80: {  	s15 =	rddreg [dreg:$0x5];
	[sflag:s19] =	ssyncadd.s32 $0xFFFFF800  }
0x81: {  	[hbm4b:s15+s3] =	stream.linear.scatter [tilespmem:s18], [sflag:$0xD], $0x800, $0x38;
	[tilespmem:$0xA800] =	vst v63  }
0x82: {  	_ =	swait.ge [sflag:s19], $0x800  }
0x83: {  	[sflag:s19] =	ssyncset.done $0x0  }
0x84: {  	[sflag:s19] =	ssyncadd.s32 $0xFFFFF800  }
0x85: {  	[tilespmem:s18], [sflag:$0xD] =	stream.linear.gather [spmem:s6], $0x800, $0x38;
	[tilespmem:$0xA800] =	vst v63  }
0x86: {  	_ =	swait.ge [sflag:s19], $0x800  }
0x87: {  	[sflag:s19] =	ssyncset.done $0x0  }
0x88: {  	s21 =	rddreg [dreg:$0x6];
	[sflag:s19] =	ssyncadd.s32 $0xFFFFF800  }
0x89: {  	[hbm4b:s21+s3] =	stream.linear.scatter [tilespmem:s18], [sflag:$0xD], $0x800, $0x38;
	[tilespmem:$0xA800] =	vst v63  }
0x8a: {  	_ =	swait.ge [sflag:s19], $0x800  }
0x8b: {  	[sflag:s19] =	ssyncset.done $0x0  }
0x8c: {  	[sflag:s19] =	ssyncadd.s32 $0xFFFFF800  }
0x8d: {  	[tilespmem:s18], [sflag:$0xD] =	stream.linear.gather [spmem:s7], $0x800, $0x38;
	[tilespmem:$0xA800] =	vst v63  }
0x8e: {  	_ =	swait.ge [sflag:s19], $0x800  }
0x8f: {  	[sflag:s19] =	ssyncset.done $0x0  }
0x90: {  	s22 =	rddreg [dreg:$0x7];
	[sflag:s19] =	ssyncadd.s32 $0xFFFFF800  }
0x91: {  	[hbm4b:s22+s3] =	stream.linear.scatter [tilespmem:s18], [sflag:$0xD], $0x800, $0x38;
	[tilespmem:$0xA800] =	vst v63  }
0x92: {  	_ =	swait.ge [sflag:s19], $0x800  }
0x93: {  	[sflag:s19] =	ssyncset.done $0x0  }
0x94: {  	[sflag:s19] =	ssyncadd.s32 $0xFFFFF800  }
0x95: {  	[tilespmem:s18], [sflag:$0xD] =	stream.linear.gather [spmem:s8], $0x800, $0x38;
	[tilespmem:$0xA800] =	vst v63  }
0x96: {  	_ =	swait.ge [sflag:s19], $0x800  }
0x97: {  	[sflag:s19] =	ssyncset.done $0x0  }
0x98: {  	s23 =	rddreg [dreg:$0x8];
	[sflag:s19] =	ssyncadd.s32 $0xFFFFF800  }
0x99: {  	[hbm4b:s23+s3] =	stream.linear.scatter [tilespmem:s18], [sflag:$0xD], $0x800, $0x38;
	[tilespmem:$0xA800] =	vst v63  }
0x9a: {  	_ =	swait.ge [sflag:s19], $0x800  }
0x9b: {  	[sflag:s19] =	ssyncset.done $0x0  }
0x9c: {  	[sflag:s19] =	ssyncadd.s32 $0xFFFFF800  }
0x9d: {  	[tilespmem:s18], [sflag:$0xD] =	stream.linear.gather [spmem:s9], $0x800, $0x38;
	[tilespmem:$0xA800] =	vst v63  }
0x9e: {  	s31 =	sadd.s32 $0x1, s31;
	_ =	swait.ge [sflag:s19], $0x800  }
0x9f: {  	p0 =	sne.s32 s31, s17;
	[sflag:s19] =	ssyncset.done $0x0  }
.Ltmp2:
0xa0: {  	[sflag:s19] =	ssyncadd.s32 $0xFFFFF800;
	(pc) =	sbr.rel @p0 .LBB2_1-.Ltmp2, $4  }
0xa1: {  	[hbm4b:s16+s3] =	stream.linear.scatter [tilespmem:s18], [sflag:$0xD], $0x800, $0x38;
	[tilespmem:$0xA800] =	vst v63  }
0xa2: {  	_ =	swait.ge [sflag:s19], $0x800  }
0xa3: {  	[sflag:s19] =	ssyncset.done $0x0  }
0xa4: {  	[sflag:s19] =	ssyncadd.s32 $0xFFFFF800  }
0xa5: {  	_ =	sfence.sel $0x180000  }
0xa6: {  	[bflag:$0x0] =	sbarrier.arrive $0xFFFF  }
0xa7: {  	_ =	strace $0x9000004D  }
0xa8: {  	s0 =	stileid.u32;
	[bflag:$0x2] =	sbarrier.arrive $0xFFFF  }
0xa9: {  	p0 =	sne.s32 s0, $0x0;
	s0 =	rddreg [dreg:$0x2]  }
0xaa: {  	s0 =	sadd.s32 @!p0 $0x100000, s0  }
0xab: {  	[sflag:s0] =	ssyncadd.tile.s32 @!p0 $0x1;
	_ =	shalt  }
.Lfunc_end2:
_tile_overlayer_lowered:
.L_overlay_start_2:
0xac: {  	(tag) =	ssettag $0x2  }
0xad: {  	s0 =	rddreg [dreg:$0x0];
	s2 =	stileid.u32  }
0xae: {  	s1 =	rddreg [dreg:$0x1];
	p0 =	sne.s32 s2, $0x0  }
0xaf: {  	s3 =	rddreg [dreg:$0x2];
	[bflag:$0x3] =	sbarrier.arrive $0xFFFF;
	s2 =	simm.s32 @!p0 $0x1C0D  }
0xb0: {  	[timem:s3], [sflag:s2] =	dma.local @!p0 [hbm:s0], s1  }
0xb1: {  	s0 =	simm.s32 @!p0 $0xD  }
0xb2: {  	_ =	swait.ge @!p0 [sflag:s0], s1  }
0xb3: {  	s1 =	ssub.s32 @!p0 $0x0, s1;
	[sflag:s0] =	ssyncset.done @!p0 $0x0  }
0xb4: {  	[sflag:s0] =	ssyncadd.s32 @!p0 s1  }
0xb5: {  	[bflag:$0x3] =	sbarrier.arrive $0xFFFF  }
0xb6: {  	_ =	shalt  }

// kernel: kernel.8.cloned.1.call-start
scs
__scs_entry_jumppad:
0x0: {  	(pc) =	sbr.rel $0x88, $3  }
0x1: {  	(tag) =	ssettag $0x0;
	lr =	simm.s32 $0x1  }
0x2: {  	[smem:$0x3F99] =	sst lr;
	_ =	strace $0xD0000000  }
0x3: {  	_ = 	snop  }
0x4: {  	_ = 	snop  }
0x5: {  	_ = 	snop  }
0x6: {  	_ = 	snop  }
0x7: {  	_ = 	snop  }
__scs_overlays_trampoline_lowered:
0x8: {  	[smem:$0x3FA8] =	sst s0  }
0x9: {  	[smem:$0x3FA9] =	sst s1  }
0xa: {  	[smem:$0x3FAA] =	sst s2  }
0xb: {  	[smem:$0x3FAB] =	sst s3  }
0xc: {  	[smem:$0x3FAC] =	sst s4  }
0xd: {  	[smem:$0x3FAD] =	sst s5  }
0xe: {  	[smem:$0x3FAE] =	sst s6  }
0xf: {  	[smem:$0x3FAF] =	sst s7  }
0x10: {  	[smem:$0x3FB0] =	sst s8  }
0x11: {  	[smem:$0x3FB1] =	sst s9;
	s0 =	simm.s32 @!p0 $0x0  }
0x12: {  	s1 =	sld [smem:$0x3F97];
	s0 =	simm.s32 @p0 $0x1  }
0x13: {  	[smem:$0x3FB2] =	sst s0;
	s0 =	simm.s32 @!p1 $0x0  }
0x14: {  	s2 =	sld [smem:$0x3F96];
	s0 =	simm.s32 @p1 $0x1  }
0x15: {  	[smem:$0x3FB3] =	sst s0;
	s0 =	simm.s32 @!p2 $0x0  }
0x16: {  	s3 =	sld [smem:$0x3FDB];
	s0 =	simm.s32 @p2 $0x1  }
0x17: {  	s4 =	simm.s32 $0x1BF5;
	[smem:$0x3FB5] =	sst s0  }
0x18: {  	s0 =	sld [smem:$0x3F98];
	_ =	swait.ge [sflag:s4], $0x0  }
0x19: {  	s7 =	sld [smem:$0x3F99]  }
0x1a: {  	s8 =	sadd.s32 $0xFFFFE003, lr  }
0x1b: {  	s9 =	sadd.s32 $0xFFFFFEF7, lr;
	s5 =	simm.s32 $0xFFFFFFFF;
	p2 =	slt.u32 s8, $0xFFFFF086  }
0x1c: {  	p1 =	slt.u32 s9, $0xF7A;
	s5 =	simm.s32 @!p2 $0x0  }
0x1d: {  	s5 =	simm.s32 @p1 $0x1;
	p0 =	seq.s32 s7, s2  }
0x1e: {  	s7 =	smul.u32 @!p0 $0xF7A, s2;
	p2 =	seq.s32 @!p0 s5, $0x0  }
0x1f: {  	s9 =	smul.u32 $0xF7A, s1;
	s8 =	simm.s32 @!p0 $0x1BF5;
	p2 =	por !p2, p0  }
0x20: {  	[sflag:s8] =	ssyncset.s32 @!p0 $0xFFFFF086;
	s6 =	sadd.s32 @!p0 s3, s7;
	s7 =	simm.s32 @!p0 $0x108  }
0x21: {  	s3 =	sadd.s32 s3, s9;
	s6 =	sadd.s32 @!p0 $0x88, s6;
	s7 =	simm.s32 @p2 $0x1082  }
0x22: {  	[simem:s7], [sflag:s8] =	dma.local @!p0 [hbm:s6], $0xF7A  }
0x23: {  	s9 =	sor.u32 $0xD0000000, s2;
	s6 =	simm.s32 $0x108;
	_ =	swait.ge @!p0 [sflag:s8], $0x0  }
0x24: {  	s3 =	sadd.s32 $0x88, s3;
	s6 =	simm.s32 @!p1 $0x1082;
	[sflag:s4] =	ssyncset.s32 $0xFFFFF086  }
0x25: {  	[simem:s6], [sflag:s4] =	dma.local [hbm:s3], $0xF7A  }
0x26: {  	[smem:$0x3F99] =	sst s1;
	(tag) =	ssettag s2;
	_ =	strace s9  }
0x27: {  	s1 =	sld [smem:$0x3FA9]  }
0x28: {  	s2 =	sld [smem:$0x3FAA]  }
0x29: {  	s4 =	sld [smem:$0x3FAC]  }
0x2a: {  	p0 =	seq.s32 s5, $0x0;
	s5 =	sld [smem:$0x3FAD]  }
0x2b: {  	s6 =	sld [smem:$0x3FAE]  }
0x2c: {  	s7 =	sld [smem:$0x3FAF]  }
0x2d: {  	s3 =	simm.s32 $0x108;
	s8 =	sld [smem:$0x3FB0]  }
0x2e: {  	s3 =	simm.s32 @!p0 $0x1082;
	s9 =	sld [smem:$0x3FB1]  }
0x2f: {  	lr =	sadd.s32 s0, s3;
	s0 =	sld [smem:$0x3FA8]  }
0x30: {  	s3 =	sld [smem:$0x3FAB]  }
0x31: {  	[smem:$0x3FB4] =	sst s10  }
0x32: {  	s10 =	sld [smem:$0x3FB2];
	_ =	sdelay $0x3  }
0x33: {  	p0 =	seq.s32 s10, $0x1;
	s10 =	sld [smem:$0x3FB4];
	_ =	sdelay $0x3  }
0x34: {  	[smem:$0x3FB4] =	sst s10  }
0x35: {  	s10 =	sld [smem:$0x3FB3];
	_ =	sdelay $0x3  }
0x36: {  	p1 =	seq.s32 s10, $0x1;
	s10 =	sld [smem:$0x3FB4];
	_ =	sdelay $0x3  }
0x37: {  	[smem:$0x3FB4] =	sst s10  }
0x38: {  	s10 =	sld [smem:$0x3FB5]  }
0x39: {  	_ = 	snop;
	(pc) =	sbr.ind lr, $3  }
0x3a: {  	_ = 	snop  }
0x3b: {  	_ = 	snop  }
0x3c: {  	p2 =	seq.s32 s10, $0x1;
	s10 =	sld [smem:$0x3FB4]  }
0x3d: {  	_ =	shalt  }
0x3e: {  	_ =	shalt  }
0x3f: {  	_ =	shalt  }
0x40: {  	_ =	shalt  }
0x41: {  	_ =	shalt  }
0x42: {  	_ =	shalt  }
0x43: {  	_ =	shalt  }
0x44: {  	_ =	shalt  }
0x45: {  	_ =	shalt  }
0x46: {  	_ =	shalt  }
0x47: {  	_ =	shalt  }
0x48: {  	_ =	shalt  }
0x49: {  	_ =	shalt  }
0x4a: {  	_ =	shalt  }
0x4b: {  	_ =	shalt  }
0x4c: {  	_ =	shalt  }
0x4d: {  	_ =	shalt  }
0x4e: {  	_ =	shalt  }
0x4f: {  	_ =	shalt  }
0x50: {  	_ =	shalt  }
0x51: {  	_ =	shalt  }
0x52: {  	_ =	shalt  }
0x53: {  	_ =	shalt  }
0x54: {  	_ =	shalt  }
0x55: {  	_ =	shalt  }
0x56: {  	_ =	shalt  }
0x57: {  	_ =	shalt  }
0x58: {  	_ =	shalt  }
0x59: {  	_ =	shalt  }
0x5a: {  	_ =	shalt  }
0x5b: {  	_ =	shalt  }
0x5c: {  	_ =	shalt  }
0x5d: {  	_ =	shalt  }
0x5e: {  	_ =	shalt  }
0x5f: {  	_ =	shalt  }
0x60: {  	_ =	shalt  }
0x61: {  	_ =	shalt  }
0x62: {  	_ =	shalt  }
0x63: {  	_ =	shalt  }
0x64: {  	_ =	shalt  }
0x65: {  	_ =	shalt  }
0x66: {  	_ =	shalt  }
0x67: {  	_ =	shalt  }
0x68: {  	_ =	shalt  }
0x69: {  	_ =	shalt  }
0x6a: {  	_ =	shalt  }
0x6b: {  	_ =	shalt  }
0x6c: {  	_ =	shalt  }
0x6d: {  	_ =	shalt  }
0x6e: {  	_ =	shalt  }
0x6f: {  	_ =	shalt  }
0x70: {  	_ =	shalt  }
0x71: {  	_ =	shalt  }
0x72: {  	_ =	shalt  }
0x73: {  	_ =	shalt  }
0x74: {  	_ =	shalt  }
0x75: {  	_ =	shalt  }
0x76: {  	_ =	shalt  }
0x77: {  	_ =	shalt  }
0x78: {  	_ =	shalt  }
0x79: {  	_ =	shalt  }
0x7a: {  	_ =	shalt  }
0x7b: {  	_ =	shalt  }
0x7c: {  	_ =	shalt  }
0x7d: {  	_ =	shalt  }
0x7e: {  	_ =	shalt  }
0x7f: {  	_ =	shalt  }
0x80: {  	_ =	shalt  }
0x81: {  	_ =	shalt  }
0x82: {  	_ =	shalt  }
0x83: {  	_ =	shalt  }
0x84: {  	_ =	shalt  }
0x85: {  	_ =	shalt  }
0x86: {  	_ =	shalt  }
0x87: {  	_ =	shalt  }
.Lfunc_end0:
.L_simem_size_0:
called_computation_lowered:
.L_overlay_start_0:
0x88: {  	s2 =	sld [smem:$0x3FD9]  }
0x89: {  	s3 =	sld [smem:$0x3FFE];
	_ =	sdelay $0x1  }
0x8a: {  	s1 =	srdreg.scid  }
0x8b: {  	s0 =	sand.u32 $0x1, s1  }
0x8c: {  	s17 =	sshll.u32 s0, $0xA;
	s2 =	sadd.s32 s3, s2  }
0x8d: {  	s2 =	sadd.s32 s2, s17  }
0x8e: {  	[smem:$0x3FC0] =	sst s2  }
0x8f: {  	_ = 	snop  }
0x90: {  	s2 =	sld [smem:$0x3FD0];
	(tm) =	ssettm $0x1  }
0x91: {  	s18 =	sld [smem:$0x3FFB];
	_ =	sdelay $0x3  }
0x92: {  	_ =	strace s18  }
0x93: {  	s3 =	sld [smem:$0x3FFC];
	_ =	sdelay $0x3  }
0x94: {  	_ =	strace s3  }
0x95: {  	s3 =	sld [smem:$0x3FFD];
	_ =	sdelay $0x3  }
0x96: {  	_ =	strace s3  }
0x97: {  	_ =	strace $0x8FFFFFFF  }
0x98: {  	s19 =	sld [smem:$0x3FDB];
	_ =	sdelay $0x1  }
0x99: {  	s4 =	simm.s32 $_scs_section_size  }
0x9a: {  	s5 =	simm.s32 $_size__tile_overlayer_lowered;
	s6 =	simm.s32 $_tile_overlayer_lowered  }
0x9b: {  	s22 =	simm.s32 $0x1BFF;
	s21 =	sshll.u32 s6, $0x1;
	s3 =	sadd.s32 s4, s19  }
0x9c: {  	s7 =	simm.s32 $0x0;
	s20 =	sshll.u32 s5, $0x1;
	s5 =	sadd.s32 s21, s3  }
0x9d: {  	[timem:s7], [sflag:s22] =	dma.local [hbm:s5], s20  }
0x9e: {  	_ =	swait.ge [sflag:s22], s20  }
0x9f: {  	s4 =	ssub.s32 $0x0, s20;
	[sflag:s22] =	ssyncset.done $0x0  }
0xa0: {  	[sflag:s22] =	ssyncadd.s32 s4;
	_ =	sdelay $0x1  }
0xa1: {  	s23 =	simm.s32 $0x1B8B  }
0xa2: {  	_ =	swait.ge [sflag:s23], $0x1  }
0xa3: {  	[sflag:s23] =	ssyncset.done $0x0  }
0xa4: {  	s25 =	simm.s32 $0x1B8E;
	s24 =	sld [smem:$0x3FFE];
	[sflag:s23] =	ssyncadd.s32 $0xFFFFFFFF  }
0xa5: {  	s26 =	simm.s32 $execute0_lowered;
	[smem:$0x3FD2] =	sst s25  }
0xa6: {  	s5 =	sshll.u32 s26, $0x1;
	_ =	strace $0x80000046;
	[dreg:$0x1] =	wrdreg $0xFFFFFFFF  }
0xa7: {  	s28 =	simm.s32 $_size_execute0_lowered;
	s3 =	sadd.s32 s3, s5;
	[dreg:$0x0] =	wrdreg $0x0  }
0xa8: {  	s5 =	sshll.u32 s28, $0x1;
	[dreg:$0x2] =	wrdreg s3  }
0xa9: {  	[dreg:$0x3] =	wrdreg s5  }
0xaa: {  	[dreg:$0x4] =	wrdreg $0xC0  }
0xab: {  	_ =	task [dreg:s7], $0x5FFFF  }
0xac: {  	[dreg:$0x1] =	wrdreg $0xFFFFFFFF  }
0xad: {  	[dreg:$0x0] =	wrdreg $0x60  }
0xae: {  	[dreg:$0x2] =	wrdreg s24  }
0xaf: {  	[dreg:$0x3] =	wrdreg s2  }
0xb0: {  	[dreg:$0x4] =	wrdreg $0x56E80  }
0xb1: {  	[dreg:$0x5] =	wrdreg $0x59680  }
0xb2: {  	[dreg:$0x6] =	wrdreg $0x9  }
0xb3: {  	_ =	task.clear_ibuf [dreg:s7], $0x7FFFF;
	_ =	strace $0x90000046  }
0xb4: {  	s29 =	simm.s32 $0x9;
	_ =	strace $0x80000048  }
0xb5: {  	_ =	swait.ge [sflag:s29], $0x1  }
0xb6: {  	[sflag:s29] =	ssyncadd.s32 $0xFFFFFFFF  }
0xb7: {  	_ =	strace $0x90000048  }
0xb8: {  	_ =	sfence  }
0xb9: {  	s30 =	sld [smem:$0x0];
	_ =	sdelay $0x2  }
0xba: {  	s31 =	sshll.u32 s1, $0xD;
	s1 =	sshrl.u32 s1, $0x2  }
0xbb: {  	s3 =	sand.u32 $0x4000, s31;
	s1 =	sadd.s32 s1, s30  }
0xbc: {  	s0 =	sor.u32 s3, s0;
	s1 =	sshll.u32 s1, $0x11  }
0xbd: {  	s0 =	sor.u32 s1, s0  }
0xbe: {  	s0 =	sadd.s32 $0x8F2B, s0  }
0xbf: {  	[sflag:s0] =	ssyncadd.remote.s32 $0x1  }
0xc0: {  	_ =	sfence.sel $0xFFFF  }
0xc1: {  	[dreg:$0x0] =	wrdreg $0xFFFFFFFF;
	(pc) =	sbr.abs _section_cstart, $3  }
0xc2: {  	[dreg:$0x1] =	wrdreg $0xFFFFFFFF  }
0xc3: {  	_ =	task.clear_ibuf [dreg:s7], $0x2FFFF;
	_ =	strace $0x9FFFFFFF  }
0xc4: {  	(tm) =	ssettm $0x7FFFFFFF  }
0xc5: {  	_ =	shalt  }
tec
execute0_lowered:
.L_overlay_start_1:
0x0: {  	(tag) =	ssettag $0x1  }
0x1: {  	s5 =	rddreg [dreg:$0x0]  }
0x2: {  	s9 =	rddreg [dreg:$0x1]  }
0x3: {  	s0 =	srdreg.scid;
	s2 =	rddreg [dreg:$0x2]  }
0x4: {  	s3 =	rddreg [dreg:$0x3];
	s4 =	simm.s32 $0x0;
	s15 =	simm.s32 $0x2  }
0x5: {  	s16 =	simm.s32 $0x2800;
	s17 =	simm.s32 $0x80;
	s18 =	simm.s32 $0x5000  }
0x6: {  	s19 =	simm.s32 $0x1;
	s6 =	sand.u32 $0x1, s0;
	s0 =	stileid.u32  }
0x7: {  	s20 =	simm.s32 $0x0;
	[smem:$0x7FF] =	sst s4;
	s11 =	smul.u32 $0x3E8, s0  }
0x8: {  	s1 =	sshll.u32 s6, $0x4;
	s8 =	ssub.s32 $0x2, s6;
	s6 =	smul.u32 $0x4E20, s6  }
0x9: {  	s12 =	smul.u32 $0x280, s0;
	p0 =	sgt.u32 s0, $0x9;
	s1 =	sor.u32 s0, s1  }
0xa: {  	s10 =	sshrl.u32 s8, $0x1;
	s7 =	smul.u32 $0x500, s1;
	s1 =	rddreg [dreg:$0x4]  }
0xb: {  	_ =	strace $0x80000047;
	s14 =	ssub.s32 s8, s10;
	s30 =	sadd.s32 s11, s6  }
0xc: {  	s6 =	sadd.s32 s12, s3;
	s10 =	sadd.s32 s11, s2;
	s11 =	sadd.s32 s11, s3  }
0xd: {  	s31 =	sshrl.u32 s30, $0x3;
	s13 =	sadd.s32 s7, s5;
	s5 =	sadd.s32 s12, s2  }
0xe: {  	s9 =	sadd.s32 s9, s31;
	s7 =	sadd.s32 $0xBE00, s13;
	s8 =	sadd.s32 $0x1E00, s13  }
0xf: {  	v0 =	vimm.f32 $1.000000000e+00;
	v1 =	vimm.f32 $0.0e+00;
	s12 =	sadd.s32 $0x4E2, s9;
	s13 =	smax.u32 s14, $0x1;
	s14 =	simm.s32 $0x5080  }
.LBB2_1:
0x10: {  	[tilespmem:$0x5000] =	vst v0  }
0x11: {  	[tilespmem:$0x5010] =	vst v0  }
0x12: {  	[tilespmem:$0x5020] =	vst v0  }
0x13: {  	[tilespmem:$0x5030] =	vst v0  }
0x14: {  	[tilespmem:$0x5040] =	vst v0  }
0x15: {  	[tilespmem:$0x5050] =	vst v0  }
0x16: {  	[tilespmem:$0x5060] =	vst v0  }
0x17: {  	[tilespmem:$0x5070] =	vst v0  }
0x18: {  	[tilespmem:$0x5080] =	vst v1  }
0x19: {  	[tilespmem:$0x5090] =	vst v1  }
0x1a: {  	[tilespmem:$0x50A0] =	vst v1  }
0x1b: {  	[tilespmem:$0x50B0] =	vst v1  }
0x1c: {  	[tilespmem:$0x50C0] =	vst v1  }
0x1d: {  	[tilespmem:$0x50D0] =	vst v1  }
0x1e: {  	[tilespmem:$0x50E0] =	vst v1  }
0x1f: {  	[tilespmem:$0x50F0] =	vst v1  }
0x20: {  	[tilespmem:$0x5100] =	vst v1  }
0x21: {  	[tilespmem:$0x5110] =	vst v1  }
0x22: {  	[tilespmem:$0x5120] =	vst v1  }
0x23: {  	[tilespmem:$0x5130] =	vst v1  }
0x24: {  	[tilespmem:$0x5140] =	vst v1  }
0x25: {  	[tilespmem:$0x5150] =	vst v1  }
0x26: {  	[tilespmem:$0x5160] =	vst v1  }
0x27: {  	[tilespmem:$0x5170] =	vst v1  }
0x28: {  	[tilespmem:$0x5180] =	vst v1  }
0x29: {  	[tilespmem:$0x5190] =	vst v1  }
0x2a: {  	[tilespmem:$0x51A0] =	vst v1  }
0x2b: {  	[tilespmem:$0x51B0] =	vst v1  }
0x2c: {  	[tilespmem:$0x51C0] =	vst v1  }
0x2d: {  	[tilespmem:$0x51D0] =	vst v1  }
0x2e: {  	[tilespmem:$0x51E0] =	vst v1  }
0x2f: {  	[tilespmem:$0x51F0] =	vst v1  }
0x30: {  	[tilespmem:$0x5200] =	vst v1  }
0x31: {  	[tilespmem:$0x5210] =	vst v1  }
0x32: {  	[tilespmem:$0x5220] =	vst v1  }
0x33: {  	[tilespmem:$0x5230] =	vst v1  }
0x34: {  	[tilespmem:$0x5240] =	vst v1  }
0x35: {  	[tilespmem:$0x5250] =	vst v1  }
0x36: {  	[tilespmem:$0x5260] =	vst v1  }
0x37: {  	[tilespmem:$0x5270] =	vst v1  }
0x38: {  	[tilespmem:$0x5280] =	vst v1  }
0x39: {  	[tilespmem:$0x5290] =	vst v1  }
0x3a: {  	[tilespmem:$0x52A0] =	vst v1  }
0x3b: {  	[tilespmem:$0x52B0] =	vst v1  }
0x3c: {  	[tilespmem:$0x52C0] =	vst v1  }
0x3d: {  	[tilespmem:$0x52D0] =	vst v1  }
0x3e: {  	[tilespmem:$0x52E0] =	vst v1  }
0x3f: {  	[tilespmem:$0x52F0] =	vst v1  }
0x40: {  	[spmem:s5] =	stream.linear.scatter [tilespmem:s14], [sflag:$0x2], $0x280, $0x38;
	[tilespmem:$0x5BE8] =	vst v63  }
0x41: {  	_ =	swait.ge [sflag:s15], $0x280  }
0x42: {  	[sflag:s15] =	ssyncset.done $0x0  }
0x43: {  	[sflag:s15] =	ssyncadd.s32 $0xFFFFFD80  }
0x44: {  	[spmem:s6] =	stream.linear.scatter [tilespmem:s14], [sflag:$0x2], $0x280, $0x38;
	[tilespmem:$0x5BE8] =	vst v63  }
0x45: {  	_ =	swait.ge [sflag:s15], $0x280  }
0x46: {  	[sflag:s15] =	ssyncset.done $0x0  }
0x47: {  	[sflag:s15] =	ssyncadd.s32 $0xFFFFFD80  }
0x48: {  	[tilespmem:s4], [sflag:$0x2] =	stream.linear.gather [hbm4b:s7+s4], $0x2800, $0x38;
	[tilespmem:$0x5BE8] =	vst v63  }
0x49: {  	_ =	swait.ge [sflag:s15], $0x2800  }
0x4a: {  	[sflag:s15] =	ssyncset.done $0x0  }
0x4b: {  	[sflag:s15] =	ssyncadd.s32 $0xFFFFD800  }
0x4c: {  	[tilespmem:s16], [sflag:$0x2] =	stream.linear.gather [hbm4b:s8+s4], $0x2800, $0x38;
	[tilespmem:$0x5BE8] =	vst v63  }
0x4d: {  	_ =	swait.ge [sflag:s15], $0x2800  }
0x4e: {  	[sflag:s15] =	ssyncset.done $0x0  }
0x4f: {  	[sflag:s15] =	ssyncadd.s32 $0xFFFFD800  }
0x50: {  	s21 =	simm.s32 $0x0;
	[bflag:$0x0] =	sbarrier.arrive $0xFFFF  }
0x51: {  	[spmem:s2] =	stream.indirect.scatter.add.f32 [tilespmem:s18], [sflag:$0x1], $0x1, s21, s17, $0xb8;
	[tilespmem:$0x5BE8] =	vst v63  }
0x52: {  	s22 =	simm.s32 $0x2800;
	s21 =	simm.s32 $0x200  }
.LBB2_2:
0x53: {  	[spmem:s3] =	stream.indirect.scatter.add.f32 [tilespmem:s18], [sflag:$0x1], $0x1, s22, s17, $0xb8;
	[tilespmem:$0x5BE8] =	vst v63  }
0x54: {  	s22 =	smov.u32 s21;
	p1 =	sne.s32 s21, $0x9E00  }
.Ltmp0:
0x55: {  	s21 =	sadd.s32 $0x200, s21;
	(pc) =	sbr.rel @p1 .LBB2_2-.Ltmp0, $4  }
0x56: {  	_ = 	snop  }
0x57: {  	s22 =	sshra.s32 s22, $0x2  }
0x58: {  	[spmem:s2] =	stream.indirect.scatter.add.f32 [tilespmem:s18], [sflag:$0x1], $0x1, s22, s17, $0xb8;
	[tilespmem:$0x5BE8] =	vst v63  }
0x59: {  	s22 =	sadd.s32 $0x2800, s22  }
0x5a: {  	[spmem:s3] =	stream.indirect.scatter.add.f32 [tilespmem:s18], [sflag:$0x1], $0x1, s22, s17, $0xb8;
	[tilespmem:$0x5BE8] =	vst v63  }
0x5b: {  	_ =	swait.ge [sflag:s19], $0x80  }
0x5c: {  	[sflag:s19] =	ssyncset.done $0x0  }
0x5d: {  	[sflag:s19] =	ssyncadd.s32 $0xFFFFFF80  }
0x5e: {  	_ =	swait.ge [sflag:s19], $0x80  }
0x5f: {  	s21 =	simm.s32 $0x4F;
	[sflag:s19] =	ssyncset.done $0x0  }
.LBB2_4:
0x60: {  	p1 =	sne.s32 s21, $0x1;
	s21 =	sadd.s32 $0xFFFFFFFF, s21;
	[sflag:s19] =	ssyncadd.s32 $0xFFFFFF80  }
.Ltmp1:
0x61: {  	_ =	swait.ge [sflag:s19], $0x80;
	(pc) =	sbr.rel @p1 .LBB2_4-.Ltmp1, $4  }
0x62: {  	[sflag:s19] =	ssyncset.done $0x0  }
0x63: {  	[sflag:s19] =	ssyncadd.s32 $0xFFFFFF80  }
0x64: {  	_ =	swait.ge [sflag:s19], $0x80  }
0x65: {  	[sflag:s19] =	ssyncset.done $0x0  }
0x66: {  	[sflag:s19] =	ssyncadd.s32 $0xFFFFFF80  }
0x67: {  	s21 =	simm.s32 @!p0 $0x5300;
	s22 =	simm.s32 @!p0 $0x2;
	[bflag:$0x0] =	sbarrier.arrive $0xFFFF  }
0x68: {  	[tilespmem:s21], [sflag:$0x2] =	stream.linear.gather @!p0 [spmem:s10], $0x3E8, $0x38;
	[tilespmem:$0x5BE8] =	vst v63  }
0x69: {  	_ =	swait.ge @!p0 [sflag:s22], $0x3E8  }
0x6a: {  	[sflag:s22] =	ssyncset.done @!p0 $0x0  }
0x6b: {  	s23 =	simm.s32 @!p0 $0x0;
	[sflag:s22] =	ssyncadd.s32 @!p0 $0xFFFFFC18  }
0x6c: {  	[hbm4b:s9+s23] =	stream.linear.scatter @!p0 [tilespmem:s21], [sflag:$0x2], $0x3E8, $0x38;
	[tilespmem:$0x5BE8] =	vst v63  }
0x6d: {  	_ =	swait.ge @!p0 [sflag:s22], $0x3E8  }
0x6e: {  	[sflag:s22] =	ssyncset.done @!p0 $0x0  }
0x6f: {  	[sflag:s22] =	ssyncadd.s32 @!p0 $0xFFFFFC18  }
0x70: {  	[tilespmem:s21], [sflag:$0x2] =	stream.linear.gather @!p0 [spmem:s11], $0x3E8, $0x38;
	[tilespmem:$0x5BE8] =	vst v63  }
0x71: {  	s20 =	sadd.s32 $0x1, s20;
	_ =	swait.ge @!p0 [sflag:s22], $0x3E8  }
0x72: {  	p1 =	sne.s32 s20, s13;
	[sflag:s22] =	ssyncset.done @!p0 $0x0  }
.Ltmp2:
0x73: {  	[sflag:s22] =	ssyncadd.s32 @!p0 $0xFFFFFC18;
	(pc) =	sbr.rel @p1 .LBB2_1-.Ltmp2, $4  }
0x74: {  	[hbm4b:s12+s23] =	stream.linear.scatter @!p0 [tilespmem:s21], [sflag:$0x2], $0x3E8, $0x38;
	[tilespmem:$0x5BE8] =	vst v63  }
0x75: {  	_ =	swait.ge @!p0 [sflag:s22], $0x3E8  }
0x76: {  	[sflag:s22] =	ssyncset.done @!p0 $0x0  }
0x77: {  	[sflag:s22] =	ssyncadd.s32 @!p0 $0xFFFFFC18  }
0x78: {  	_ =	sfence.sel $0x180000  }
0x79: {  	[bflag:$0x0] =	sbarrier.arrive $0xFFFF  }
0x7a: {  	p0 =	sne.s32 s0, $0x0;
	_ =	strace $0x90000047  }
0x7b: {  	s0 =	sadd.s32 @!p0 $0x100000, s1;
	[bflag:$0x2] =	sbarrier.arrive $0xFFFF  }
0x7c: {  	[sflag:s0] =	ssyncadd.tile.s32 @!p0 $0x1;
	_ =	shalt  }
.Lfunc_end2:
_tile_overlayer_lowered:
.L_overlay_start_2:
0x7d: {  	(tag) =	ssettag $0x2  }
0x7e: {  	s0 =	rddreg [dreg:$0x0];
	s2 =	stileid.u32  }
0x7f: {  	s1 =	rddreg [dreg:$0x1];
	p0 =	sne.s32 s2, $0x0  }
0x80: {  	s3 =	rddreg [dreg:$0x2];
	[bflag:$0x3] =	sbarrier.arrive $0xFFFF;
	s2 =	simm.s32 @!p0 $0x1C02  }
0x81: {  	[timem:s3], [sflag:s2] =	dma.local @!p0 [hbm:s0], s1  }
0x82: {  	s0 =	simm.s32 @!p0 $0x2  }
0x83: {  	_ =	swait.ge @!p0 [sflag:s0], s1  }
0x84: {  	s1 =	ssub.s32 @!p0 $0x0, s1;
	[sflag:s0] =	ssyncset.done @!p0 $0x0  }
0x85: {  	[sflag:s0] =	ssyncadd.s32 @!p0 s1  }
0x86: {  	[bflag:$0x3] =	sbarrier.arrive $0xFFFF  }
0x87: {  	_ =	shalt  }

</sc_bundles>
